<compile_context>
chip_gen: v7x
topology: tpu7x:2x2x1
jax: 0.10.2.dev20260603
libtpu: 0.0.44.dev20260713+nightly
codegen_flags: <defaults>
</compile_context>

<pallas_src>
import jax
import jax.numpy as jnp
from jax import lax
from jax.experimental import pallas as pl
from jax.experimental.pallas import tpu as pltpu
from jax.experimental.pallas import tpu_sc as plsc

N_NODES = 10000
N_EDGES = 160000
D = 256
DH = 128

NUM_TILES = 16
CHUNK = 128
CHUNKS_PER_TILE = 80
GCH = 8
GROUPS = CHUNKS_PER_TILE // GCH
EDGES_PER_TILE = CHUNK * CHUNKS_PER_TILE
E_PAD = EDGES_PER_TILE * NUM_TILES
N_PAD = 10112
ROWS_PER_TILE = N_PAD // NUM_TILES

def _mesh():
  return plsc.VectorSubcoreMesh(core_axis_name="c", subcore_axis_name="s")


def _sc_aggregate(h2, src4, dst3, zf):

  def body(h2_hbm, src_hbm, dst_hbm, zf_hbm, agg_hbm,
           accum, sbuf, dbuf, rows, sem):
    c = lax.axis_index("c")
    t = lax.axis_index("s")
    row0 = t * ROWS_PER_TILE
    pltpu.sync_copy(zf_hbm, accum.at[pl.ds(row0, ROWS_PER_TILE)])
    plsc.subcore_barrier()

    def group(g, carry):
      pltpu.sync_copy(src_hbm.at[c, t * GROUPS + g], sbuf)
      pltpu.sync_copy(dst_hbm.at[t * GROUPS + g], dbuf)

      def pair(p, carry2):
        j0 = 2 * p
        d0 = pltpu.async_copy(h2_hbm.at[sbuf.at[j0]],
                              rows.at[pl.ds(0, CHUNK)], sem)
        d1 = pltpu.async_copy(h2_hbm.at[sbuf.at[j0 + 1]],
                              rows.at[pl.ds(CHUNK, CHUNK)], sem)
        d0.wait()
        pltpu.sync_copy(rows.at[pl.ds(0, CHUNK)],
                        accum.at[dbuf.at[j0]], add=True)
        d1.wait()
        pltpu.sync_copy(rows.at[pl.ds(CHUNK, CHUNK)],
                        accum.at[dbuf.at[j0 + 1]], add=True)
        return carry2

      lax.fori_loop(0, GCH // 2, pair, 0)
      return carry

    lax.fori_loop(0, GROUPS, group, 0)
    plsc.subcore_barrier()
    pltpu.sync_copy(accum.at[pl.ds(row0, ROWS_PER_TILE)],
                    agg_hbm.at[c, pl.ds(row0, ROWS_PER_TILE)])

  fn = pl.kernel(
      body,
      out_type=jax.ShapeDtypeStruct((2, N_PAD, DH), jnp.float32),
      mesh=_mesh(),
      scratch_types=(pltpu.VMEM_SHARED((N_PAD, DH), jnp.float32),
                     pltpu.VMEM((GCH, CHUNK), jnp.int32),
                     pltpu.VMEM((GCH, CHUNK), jnp.int32),
                     pltpu.VMEM((2 * CHUNK, DH), jnp.float32),
                     pltpu.SemaphoreType.DMA))
  return fn(h2, src4, dst3, zf)


def _sc_count(dst3, zf, ones128):
  half = GROUPS // 2

  def body(dst_hbm, zf_hbm, ones_hbm, cnt_hbm, accum, dbuf, ones_v, sem):
    c = lax.axis_index("c")
    t = lax.axis_index("s")
    row0 = t * ROWS_PER_TILE
    pltpu.sync_copy(zf_hbm, accum.at[pl.ds(row0, ROWS_PER_TILE)])
    pltpu.sync_copy(ones_hbm, ones_v)
    plsc.subcore_barrier()

    def group(g, carry):
      pltpu.sync_copy(dst_hbm.at[t * GROUPS + c * half + g], dbuf)

      def chunk(j, carry2):
        pltpu.sync_copy(ones_v, accum.at[dbuf.at[j]], add=True)
        return carry2

      lax.fori_loop(0, GCH, chunk, 0)
      return carry

    lax.fori_loop(0, half, group, 0)
    plsc.subcore_barrier()
    pltpu.sync_copy(accum.at[pl.ds(row0, ROWS_PER_TILE)],
                    cnt_hbm.at[c, pl.ds(row0, ROWS_PER_TILE)])

  fn = pl.kernel(
      body,
      out_type=jax.ShapeDtypeStruct((2, N_PAD, DH), jnp.float32),
      mesh=_mesh(),
      scratch_types=(pltpu.VMEM_SHARED((N_PAD, DH), jnp.float32),
                     pltpu.VMEM((GCH, CHUNK), jnp.int32),
                     pltpu.VMEM((CHUNK, DH), jnp.float32),
                     pltpu.SemaphoreType.DMA))
  return fn(dst3, zf, ones128)


ROW_BLK = 400
GRID = N_NODES // ROW_BLK


def _tc_body(agg_ref, cnt_ref, h_ref, wl_ref, wr_ref, b_ref, *out_refs):
  agg = jnp.concatenate([agg_ref[0], agg_ref[1]], axis=1)
  cnt = cnt_ref[0][:, 0:1] + cnt_ref[1][:, 0:1]
  inv = 1.0 / jnp.maximum(cnt, 1.0)
  h = jnp.concatenate([h_ref[0], h_ref[1]], axis=1)
  out = (jnp.dot(agg * inv, wl_ref[...], preferred_element_type=jnp.float32)
         + jnp.dot(h, wr_ref[...], preferred_element_type=jnp.float32)
         + b_ref[...])
  act = jnp.where(out > 0, out, jnp.exp(jnp.minimum(out, 0.0)) - 1.0)
  if len(out_refs) == 1 and out_refs[0].shape[0] == 2:
    out_refs[0][0] = act[:, :DH]
    out_refs[0][1] = act[:, DH:]
  else:
    out_refs[0][...] = act


def _tc_layer(agg, cnt, h2, wl, wr, b, split_out):
  if split_out:
    out_shape = [jax.ShapeDtypeStruct((2, N_NODES, DH), jnp.float32)]
    out_specs = [pl.BlockSpec((2, ROW_BLK, DH), lambda r: (0, r, 0))]
  else:
    out_shape = [jax.ShapeDtypeStruct((N_NODES, D), jnp.float32)]
    out_specs = [pl.BlockSpec((ROW_BLK, D), lambda r: (r, 0))]
  res = pl.pallas_call(
      _tc_body,
      grid=(GRID,),
      in_specs=[
          pl.BlockSpec((2, ROW_BLK, DH), lambda r: (0, r, 0)),
          pl.BlockSpec((2, ROW_BLK, DH), lambda r: (0, r, 0)),
          pl.BlockSpec((2, ROW_BLK, DH), lambda r: (0, r, 0)),
          pl.BlockSpec((D, D), lambda r: (0, 0)),
          pl.BlockSpec((D, D), lambda r: (0, 0)),
          pl.BlockSpec((1, D), lambda r: (0, 0)),
      ],
      out_specs=out_specs,
      out_shape=out_shape,
  )(agg, cnt, h2, wl, wr, b)
  return res[0]


def kernel(x, edge_index, W1l, W1r, b1, W2l, W2r, b2, W3l, W3r, b3):
  x2 = jnp.stack([x[:, :DH], x[:, DH:]])
  src = edge_index[0]
  dst = edge_index[1]
  pad = E_PAD - N_EDGES
  src_p = jnp.concatenate([src, jnp.zeros((pad,), jnp.int32)])
  src4 = jnp.stack([src_p, src_p + N_NODES]).reshape(
      2, NUM_TILES * GROUPS, GCH, CHUNK)
  dst3 = jnp.concatenate([dst, jnp.full((pad,), N_NODES, jnp.int32)]).reshape(
      NUM_TILES * GROUPS, GCH, CHUNK)
  zf = jnp.zeros((ROWS_PER_TILE, DH), jnp.float32)
  ones128 = jnp.ones((CHUNK, DH), jnp.float32)

  cnt = _sc_count(dst3, zf, ones128)
  h2 = x2
  agg = _sc_aggregate(h2.reshape(2 * N_NODES, DH), src4, dst3, zf)
  h2 = _tc_layer(agg, cnt, h2, W1l, W1r, b1.reshape(1, D), split_out=True)
  agg = _sc_aggregate(h2.reshape(2 * N_NODES, DH), src4, dst3, zf)
  h2 = _tc_layer(agg, cnt, h2, W2l, W2r, b2.reshape(1, D), split_out=True)
  agg = _sc_aggregate(h2.reshape(2 * N_NODES, DH), src4, dst3, zf)
  return _tc_layer(agg, cnt, h2, W3l, W3r, b3.reshape(1, D), split_out=False)

# --- scband reference (transcript-rebuilt; emitter-appended) ---
"""Pipeline reference for scband-graph-sage-29472065585636 (READ-ONLY COPY).

The authoritative reference and input builder live on the scoring server;
editing this copy changes nothing except your own understanding.
"""

import jax, jax.numpy as jnp
import numpy as np

N = 10000
E = 160000
D_IN = 256
D_HID = 256
D_OUT = 256


def _glorot(key, fan_in, fan_out):
    return jax.random.normal(key, (fan_in, fan_out), dtype=jnp.float32) * (1.0 / np.sqrt(fan_in))


def setup_inputs(seed: int = 0) -> dict:
    key = jax.random.key(seed)
    ks = jax.random.split(key, 12)
    inp = {}
    inp["x"] = jax.random.normal(ks[0], (N, D_IN), dtype=jnp.float32)
    inp["edge_index"] = jax.random.randint(ks[1], (2, E), 0, N, dtype=jnp.int32)
    # SAGEConv params: lin_l applied to aggregated neighbors (with bias), lin_r to root
    inp["W1l"] = _glorot(ks[2], D_IN, D_HID)
    inp["W1r"] = _glorot(ks[3], D_IN, D_HID)
    inp["b1"] = jnp.zeros((D_HID,), dtype=jnp.float32)
    inp["W2l"] = _glorot(ks[4], D_HID, D_HID)
    inp["W2r"] = _glorot(ks[5], D_HID, D_HID)
    inp["b2"] = jnp.zeros((D_HID,), dtype=jnp.float32)
    inp["W3l"] = _glorot(ks[6], D_HID, D_OUT)
    inp["W3r"] = _glorot(ks[7], D_HID, D_OUT)
    inp["b3"] = jnp.zeros((D_OUT,), dtype=jnp.float32)
    return inp


def _sage_conv(h, src, dst, Wl, Wr, b):
    # mean aggregation of neighbor messages (PyG SAGEConv with aggr='mean')
    msg = h[src]  # gather: [E, d]
    summed = jax.ops.segment_sum(msg, dst, num_segments=N)
    cnt = jax.ops.segment_sum(jnp.ones((src.shape[0],), dtype=h.dtype), dst, num_segments=N)
    agg = summed / jnp.clip(cnt, 1.0, None)[:, None]
    return agg @ Wl + h @ Wr + b


def reference(x, edge_index, W1l, W1r, b1, W2l, W2r, b2, W3l, W3r, b3):
    src = edge_index[0]
    dst = edge_index[1]
    # dropout is identity in inference-mode reference
    h = jax.nn.elu(_sage_conv(x, src, dst, W1l, W1r, b1))
    h = jax.nn.elu(_sage_conv(h, src, dst, W2l, W2r, b2))
    h = jax.nn.elu(_sage_conv(h, src, dst, W3l, W3r, b3))
    return h

if __name__ == "__main__":
    import jax
    _d = setup_inputs()
    print(jax.jit(kernel)(*tuple(_d.values())))

</pallas_src>

<mosaic_0001>
#map = affine_map<(d0, d1) -> (0, 0)>
#map1 = affine_map<(d0, d1) -> (0, 0, 0, 0)>
#map2 = affine_map<(d0, d1) -> (0, 0, 0)>
module attributes {stable_mosaic.version = 14 : i64} {
  func.func @body(%arg0: i32, %arg1: i32, %arg2: memref<20000x128xf32, #tpu.memory_space<hbm>>, %arg3: memref<2x160x8x128xi32, #tpu.memory_space<hbm>>, %arg4: memref<160x8x128xi32, #tpu.memory_space<hbm>>, %arg5: memref<632x128xf32, #tpu.memory_space<hbm>>, %arg6: memref<2x10112x128xf32, #tpu.memory_space<hbm>>, %arg7: memref<10112x128xf32, #tpu.memory_space<vmem_shared>>, %arg8: memref<8x128xi32, #tpu.memory_space<vmem>>, %arg9: memref<8x128xi32, #tpu.memory_space<vmem>>, %arg10: memref<256x128xf32, #tpu.memory_space<vmem>>, %arg11: memref<!tpu.dma_semaphore, #tpu.memory_space<semaphore_mem>>) attributes {dimension_semantics = [#tpu.dimension_semantics<core_parallel>, #tpu.dimension_semantics<subcore_parallel>], iteration_bounds = array<i64: 2, 16>, scalar_prefetch = 0 : i64, scratch_operands = 5 : i64, tpu.core_type = #tpu.core_type<sc_vector_subcore>, window_params = [{transform_indices = #map}, {transform_indices = #map1}, {transform_indices = #map2}, {transform_indices = #map}, {transform_indices = #map2}]} {
    %mul3A = arith.constant 632 : i32
    %mul3A_0 = arith.muli %arg1, %mul3A : i32
    "tpu.region"() ({
      %run_scoped3A = tpu.sem_alloc : memref<!tpu.dma_semaphore, #tpu.memory_space<semaphore_mem>>
      %dma_start3A = arith.constant 0 : i32
      %dma_start3A_7 = tpu.memref_slice %arg7[%mul3A_0, %dma_start3A] : memref<10112x128xf32, #tpu.memory_space<vmem_shared>> -> memref<632x128xf32, #tpu.memory_space<vmem_shared>>
      tpu.enqueue_dma source(%arg5 : memref<632x128xf32, #tpu.memory_space<hbm>>) target(%dma_start3A_7 : memref<632x128xf32, #tpu.memory_space<vmem_shared>>) target_semaphore(%run_scoped3A : memref<!tpu.dma_semaphore, #tpu.memory_space<semaphore_mem>>)
      %dma_wait3A = arith.constant 0 : i32
      %dma_wait3A_8 = tpu.memref_slice %arg7[%mul3A_0, %dma_wait3A] : memref<10112x128xf32, #tpu.memory_space<vmem_shared>> -> memref<632x128xf32, #tpu.memory_space<vmem_shared>>
      tpu.wait_dma2 semaphore(%run_scoped3A : memref<!tpu.dma_semaphore, #tpu.memory_space<semaphore_mem>>) src(%arg5 : memref<632x128xf32, #tpu.memory_space<hbm>>) dst(%dma_wait3A_8 : memref<632x128xf32, #tpu.memory_space<vmem_shared>>)
      tpu.yield
    }) : () -> ()
    %barrier3A = arith.constant 0 : index
    tpu.barrier barrier_id(%barrier3A)
    %scan3A = arith.constant 0 : i32
    %scan3A_1 = arith.constant 0 : i32
    %scan3A_2 = arith.constant 10 : i32
    %scan3A_3 = arith.addi %scan3A_1, %scan3A_2 : i32
    %scan3A_4 = arith.constant 1 : i32
    scf.for %scan3A_7 = %scan3A_1 to %scan3A_3 step %scan3A_4  : i32 {
      %mul3A_8 = arith.constant 10 : i32
      %mul3A_9 = arith.muli %arg1, %mul3A_8 : i32
      %add3A = arith.addi %mul3A_9, %scan3A_7 : i32
      "tpu.region"() ({
        %run_scoped3A = tpu.sem_alloc : memref<!tpu.dma_semaphore, #tpu.memory_space<semaphore_mem>>
        %dma_start3A = arith.constant 0 : i32
        %dma_start3A_19 = arith.constant 0 : i32
        %dma_start3A_20 = tpu.memref_slice %arg3[%arg0, %add3A, %dma_start3A, %dma_start3A_19] : memref<2x160x8x128xi32, #tpu.memory_space<hbm>> -> memref<1x1x8x128xi32, #tpu.memory_space<hbm>>
        %dma_start3A_21 = tpu.memref_squeeze %dma_start3A_20 : memref<1x1x8x128xi32, #tpu.memory_space<hbm>> -> memref<8x128xi32, #tpu.memory_space<hbm>>
        %dma_start3A_22 = arith.constant 0 : i32
        %dma_start3A_23 = arith.constant 0 : i32
        %dma_start3A_24 = tpu.memref_slice %arg3[%arg0, %add3A, %dma_start3A_22, %dma_start3A_23] : memref<2x160x8x128xi32, #tpu.memory_space<hbm>> -> memref<1x1x8x128xi32, #tpu.memory_space<hbm>>
        %dma_start3A_25 = tpu.memref_squeeze %dma_start3A_24 : memref<1x1x8x128xi32, #tpu.memory_space<hbm>> -> memref<8x128xi32, #tpu.memory_space<hbm>>
        tpu.enqueue_dma source(%dma_start3A_25 : memref<8x128xi32, #tpu.memory_space<hbm>>) target(%arg8 : memref<8x128xi32, #tpu.memory_space<vmem>>) target_semaphore(%run_scoped3A : memref<!tpu.dma_semaphore, #tpu.memory_space<semaphore_mem>>)
        %dma_wait3A = arith.constant 0 : i32
        %dma_wait3A_26 = arith.constant 0 : i32
        %dma_wait3A_27 = tpu.memref_slice %arg3[%arg0, %add3A, %dma_wait3A, %dma_wait3A_26] : memref<2x160x8x128xi32, #tpu.memory_space<hbm>> -> memref<1x1x8x128xi32, #tpu.memory_space<hbm>>
        %dma_wait3A_28 = tpu.memref_squeeze %dma_wait3A_27 : memref<1x1x8x128xi32, #tpu.memory_space<hbm>> -> memref<8x128xi32, #tpu.memory_space<hbm>>
        %dma_wait3A_29 = arith.constant 0 : i32
        %dma_wait3A_30 = arith.constant 0 : i32
        %dma_wait3A_31 = tpu.memref_slice %arg3[%arg0, %add3A, %dma_wait3A_29, %dma_wait3A_30] : memref<2x160x8x128xi32, #tpu.memory_space<hbm>> -> memref<1x1x8x128xi32, #tpu.memory_space<hbm>>
        %dma_wait3A_32 = tpu.memref_squeeze %dma_wait3A_31 : memref<1x1x8x128xi32, #tpu.memory_space<hbm>> -> memref<8x128xi32, #tpu.memory_space<hbm>>
        tpu.wait_dma2 semaphore(%run_scoped3A : memref<!tpu.dma_semaphore, #tpu.memory_space<semaphore_mem>>) src(%dma_wait3A_32 : memref<8x128xi32, #tpu.memory_space<hbm>>) dst(%arg8 : memref<8x128xi32, #tpu.memory_space<vmem>>)
        tpu.yield
      }) : () -> ()
      %mul3A_10 = arith.constant 10 : i32
      %mul3A_11 = arith.muli %arg1, %mul3A_10 : i32
      %add3A_12 = arith.addi %mul3A_11, %scan3A_7 : i32
      "tpu.region"() ({
        %run_scoped3A = tpu.sem_alloc : memref<!tpu.dma_semaphore, #tpu.memory_space<semaphore_mem>>
        %dma_start3A = arith.constant 0 : i32
        %dma_start3A_19 = arith.constant 0 : i32
        %dma_start3A_20 = tpu.memref_slice %arg4[%add3A_12, %dma_start3A, %dma_start3A_19] : memref<160x8x128xi32, #tpu.memory_space<hbm>> -> memref<1x8x128xi32, #tpu.memory_space<hbm>>
        %dma_start3A_21 = tpu.memref_squeeze %dma_start3A_20 : memref<1x8x128xi32, #tpu.memory_space<hbm>> -> memref<8x128xi32, #tpu.memory_space<hbm>>
        %dma_start3A_22 = arith.constant 0 : i32
        %dma_start3A_23 = arith.constant 0 : i32
        %dma_start3A_24 = tpu.memref_slice %arg4[%add3A_12, %dma_start3A_22, %dma_start3A_23] : memref<160x8x128xi32, #tpu.memory_space<hbm>> -> memref<1x8x128xi32, #tpu.memory_space<hbm>>
        %dma_start3A_25 = tpu.memref_squeeze %dma_start3A_24 : memref<1x8x128xi32, #tpu.memory_space<hbm>> -> memref<8x128xi32, #tpu.memory_space<hbm>>
        tpu.enqueue_dma source(%dma_start3A_25 : memref<8x128xi32, #tpu.memory_space<hbm>>) target(%arg9 : memref<8x128xi32, #tpu.memory_space<vmem>>) target_semaphore(%run_scoped3A : memref<!tpu.dma_semaphore, #tpu.memory_space<semaphore_mem>>)
        %dma_wait3A = arith.constant 0 : i32
        %dma_wait3A_26 = arith.constant 0 : i32
        %dma_wait3A_27 = tpu.memref_slice %arg4[%add3A_12, %dma_wait3A, %dma_wait3A_26] : memref<160x8x128xi32, #tpu.memory_space<hbm>> -> memref<1x8x128xi32, #tpu.memory_space<hbm>>
        %dma_wait3A_28 = tpu.memref_squeeze %dma_wait3A_27 : memref<1x8x128xi32, #tpu.memory_space<hbm>> -> memref<8x128xi32, #tpu.memory_space<hbm>>
        %dma_wait3A_29 = arith.constant 0 : i32
        %dma_wait3A_30 = arith.constant 0 : i32
        %dma_wait3A_31 = tpu.memref_slice %arg4[%add3A_12, %dma_wait3A_29, %dma_wait3A_30] : memref<160x8x128xi32, #tpu.memory_space<hbm>> -> memref<1x8x128xi32, #tpu.memory_space<hbm>>
        %dma_wait3A_32 = tpu.memref_squeeze %dma_wait3A_31 : memref<1x8x128xi32, #tpu.memory_space<hbm>> -> memref<8x128xi32, #tpu.memory_space<hbm>>
        tpu.wait_dma2 semaphore(%run_scoped3A : memref<!tpu.dma_semaphore, #tpu.memory_space<semaphore_mem>>) src(%dma_wait3A_32 : memref<8x128xi32, #tpu.memory_space<hbm>>) dst(%arg9 : memref<8x128xi32, #tpu.memory_space<vmem>>)
        tpu.yield
      }) : () -> ()
      %scan3A_13 = arith.constant 0 : i32
      %scan3A_14 = arith.constant 0 : i32
      %scan3A_15 = arith.constant 4 : i32
      %scan3A_16 = arith.addi %scan3A_14, %scan3A_15 : i32
      %scan3A_17 = arith.constant 1 : i32
      scf.for %scan3A_19 = %scan3A_14 to %scan3A_16 step %scan3A_17  : i32 {
        %mul3A_20 = arith.constant 2 : i32
        %mul3A_21 = arith.muli %mul3A_20, %scan3A_19 : i32
        %dma_start3A = arith.constant 0 : i32
        %dma_start3A_22 = arith.constant 0 : i32
        %dma_start3A_23 = tpu.memref_slice %arg10[%dma_start3A, %dma_start3A_22] : memref<256x128xf32, #tpu.memory_space<vmem>> -> memref<128x128xf32, #tpu.memory_space<vmem>>
        %dma_start3A_24 = arith.constant 0 : i32
        %dma_start3A_25 = tpu.memref_slice %arg8[%mul3A_21, %dma_start3A_24] : memref<8x128xi32, #tpu.memory_space<vmem>> -> memref<1x128xi32, #tpu.memory_space<vmem>>
        %dma_start3A_26 = tpu.memref_squeeze %dma_start3A_25 : memref<1x128xi32, #tpu.memory_space<vmem>> -> memref<128xi32, #tpu.memory_space<vmem>>
        %dma_start3A_27 = arith.constant 0 : i32
        %dma_start3A_28 = arith.constant 0 : i32
        %dma_start3A_29 = tpu.memref_slice %arg2[%dma_start3A_27, %dma_start3A_28] : memref<20000x128xf32, #tpu.memory_space<hbm>> -> memref<20000x128xf32, #tpu.memory_space<hbm>>
        tpu.enqueue_indirect_dma source(%dma_start3A_29 : memref<20000x128xf32, #tpu.memory_space<hbm>>) target(%dma_start3A_23 : memref<128x128xf32, #tpu.memory_space<vmem>>) offsets(%dma_start3A_26 : memref<128xi32, #tpu.memory_space<vmem>>) semaphore(%arg11 : memref<!tpu.dma_semaphore, #tpu.memory_space<semaphore_mem>>)
        %add3A_30 = arith.constant 1 : i32
        %add3A_31 = arith.addi %mul3A_21, %add3A_30 : i32
        %dma_start3A_32 = arith.constant 128 : i32
        %dma_start3A_33 = arith.constant 0 : i32
        %dma_start3A_34 = tpu.memref_slice %arg10[%dma_start3A_32, %dma_start3A_33] : memref<256x128xf32, #tpu.memory_space<vmem>> -> memref<128x128xf32, #tpu.memory_space<vmem>>
        %dma_start3A_35 = arith.constant 0 : i32
        %dma_start3A_36 = tpu.memref_slice %arg8[%add3A_31, %dma_start3A_35] : memref<8x128xi32, #tpu.memory_space<vmem>> -> memref<1x128xi32, #tpu.memory_space<vmem>>
        %dma_start3A_37 = tpu.memref_squeeze %dma_start3A_36 : memref<1x128xi32, #tpu.memory_space<vmem>> -> memref<128xi32, #tpu.memory_space<vmem>>
        %dma_start3A_38 = arith.constant 0 : i32
        %dma_start3A_39 = arith.constant 0 : i32
        %dma_start3A_40 = tpu.memref_slice %arg2[%dma_start3A_38, %dma_start3A_39] : memref<20000x128xf32, #tpu.memory_space<hbm>> -> memref<20000x128xf32, #tpu.memory_space<hbm>>
        tpu.enqueue_indirect_dma source(%dma_start3A_40 : memref<20000x128xf32, #tpu.memory_space<hbm>>) target(%dma_start3A_34 : memref<128x128xf32, #tpu.memory_space<vmem>>) offsets(%dma_start3A_37 : memref<128xi32, #tpu.memory_space<vmem>>) semaphore(%arg11 : memref<!tpu.dma_semaphore, #tpu.memory_space<semaphore_mem>>)
        %dma_wait3A = arith.constant 0 : i32
        %dma_wait3A_41 = arith.constant 0 : i32
        %dma_wait3A_42 = tpu.memref_slice %arg10[%dma_wait3A, %dma_wait3A_41] : memref<256x128xf32, #tpu.memory_space<vmem>> -> memref<128x128xf32, #tpu.memory_space<vmem>>
        %dma_wait3A_43 = arith.constant 0 : i32
        %dma_wait3A_44 = tpu.memref_slice %arg8[%mul3A_21, %dma_wait3A_43] : memref<8x128xi32, #tpu.memory_space<vmem>> -> memref<1x128xi32, #tpu.memory_space<vmem>>
        %dma_wait3A_45 = tpu.memref_squeeze %dma_wait3A_44 : memref<1x128xi32, #tpu.memory_space<vmem>> -> memref<128xi32, #tpu.memory_space<vmem>>
        %dma_wait3A_46 = arith.constant 0 : i32
        %dma_wait3A_47 = arith.constant 0 : i32
        %dma_wait3A_48 = tpu.memref_slice %arg2[%dma_wait3A_46, %dma_wait3A_47] : memref<20000x128xf32, #tpu.memory_space<hbm>> -> memref<20000x128xf32, #tpu.memory_space<hbm>>
        tpu.wait_indirect_dma semaphore(%arg11 : memref<!tpu.dma_semaphore, #tpu.memory_space<semaphore_mem>>) src(%dma_wait3A_48 : memref<20000x128xf32, #tpu.memory_space<hbm>>) dst(%dma_wait3A_42 : memref<128x128xf32, #tpu.memory_space<vmem>>)
        "tpu.region"() ({
          %run_scoped3A = tpu.sem_alloc : memref<!tpu.dma_semaphore, #tpu.memory_space<semaphore_mem>>
          %dma_start3A_60 = arith.constant 0 : i32
          %dma_start3A_61 = arith.constant 0 : i32
          %dma_start3A_62 = tpu.memref_slice %arg10[%dma_start3A_60, %dma_start3A_61] : memref<256x128xf32, #tpu.memory_space<vmem>> -> memref<128x128xf32, #tpu.memory_space<vmem>>
          %dma_start3A_63 = arith.constant 0 : i32
          %dma_start3A_64 = tpu.memref_slice %arg9[%mul3A_21, %dma_start3A_63] : memref<8x128xi32, #tpu.memory_space<vmem>> -> memref<1x128xi32, #tpu.memory_space<vmem>>
          %dma_start3A_65 = tpu.memref_squeeze %dma_start3A_64 : memref<1x128xi32, #tpu.memory_space<vmem>> -> memref<128xi32, #tpu.memory_space<vmem>>
          %dma_start3A_66 = arith.constant 0 : i32
          %dma_start3A_67 = arith.constant 0 : i32
          %dma_start3A_68 = tpu.memref_slice %arg7[%dma_start3A_66, %dma_start3A_67] : memref<10112x128xf32, #tpu.memory_space<vmem_shared>> -> memref<10112x128xf32, #tpu.memory_space<vmem_shared>>
          tpu.enqueue_indirect_dma source(%dma_start3A_62 : memref<128x128xf32, #tpu.memory_space<vmem>>) target(%dma_start3A_68 : memref<10112x128xf32, #tpu.memory_space<vmem_shared>>) offsets(%dma_start3A_65 : memref<128xi32, #tpu.memory_space<vmem>>) semaphore(%run_scoped3A : memref<!tpu.dma_semaphore, #tpu.memory_space<semaphore_mem>>) {add = true}
          %dma_wait3A_69 = arith.constant 0 : i32
          %dma_wait3A_70 = arith.constant 0 : i32
          %dma_wait3A_71 = tpu.memref_slice %arg10[%dma_wait3A_69, %dma_wait3A_70] : memref<256x128xf32, #tpu.memory_space<vmem>> -> memref<128x128xf32, #tpu.memory_space<vmem>>
          %dma_wait3A_72 = arith.constant 0 : i32
          %dma_wait3A_73 = tpu.memref_slice %arg9[%mul3A_21, %dma_wait3A_72] : memref<8x128xi32, #tpu.memory_space<vmem>> -> memref<1x128xi32, #tpu.memory_space<vmem>>
          %dma_wait3A_74 = tpu.memref_squeeze %dma_wait3A_73 : memref<1x128xi32, #tpu.memory_space<vmem>> -> memref<128xi32, #tpu.memory_space<vmem>>
          %dma_wait3A_75 = arith.constant 0 : i32
          %dma_wait3A_76 = arith.constant 0 : i32
          %dma_wait3A_77 = tpu.memref_slice %arg7[%dma_wait3A_75, %dma_wait3A_76] : memref<10112x128xf32, #tpu.memory_space<vmem_shared>> -> memref<10112x128xf32, #tpu.memory_space<vmem_shared>>
          tpu.wait_indirect_dma semaphore(%run_scoped3A : memref<!tpu.dma_semaphore, #tpu.memory_space<semaphore_mem>>) src(%dma_wait3A_71 : memref<128x128xf32, #tpu.memory_space<vmem>>) dst(%dma_wait3A_77 : memref<10112x128xf32, #tpu.memory_space<vmem_shared>>)
          tpu.yield
        }) : () -> ()
        %dma_wait3A_49 = arith.constant 128 : i32
        %dma_wait3A_50 = arith.constant 0 : i32
        %dma_wait3A_51 = tpu.memref_slice %arg10[%dma_wait3A_49, %dma_wait3A_50] : memref<256x128xf32, #tpu.memory_space<vmem>> -> memref<128x128xf32, #tpu.memory_space<vmem>>
        %dma_wait3A_52 = arith.constant 0 : i32
        %dma_wait3A_53 = tpu.memref_slice %arg8[%add3A_31, %dma_wait3A_52] : memref<8x128xi32, #tpu.memory_space<vmem>> -> memref<1x128xi32, #tpu.memory_space<vmem>>
        %dma_wait3A_54 = tpu.memref_squeeze %dma_wait3A_53 : memref<1x128xi32, #tpu.memory_space<vmem>> -> memref<128xi32, #tpu.memory_space<vmem>>
        %dma_wait3A_55 = arith.constant 0 : i32
        %dma_wait3A_56 = arith.constant 0 : i32
        %dma_wait3A_57 = tpu.memref_slice %arg2[%dma_wait3A_55, %dma_wait3A_56] : memref<20000x128xf32, #tpu.memory_space<hbm>> -> memref<20000x128xf32, #tpu.memory_space<hbm>>
        tpu.wait_indirect_dma semaphore(%arg11 : memref<!tpu.dma_semaphore, #tpu.memory_space<semaphore_mem>>) src(%dma_wait3A_57 : memref<20000x128xf32, #tpu.memory_space<hbm>>) dst(%dma_wait3A_51 : memref<128x128xf32, #tpu.memory_space<vmem>>)
        %add3A_58 = arith.constant 1 : i32
        %add3A_59 = arith.addi %mul3A_21, %add3A_58 : i32
        "tpu.region"() ({
          %run_scoped3A = tpu.sem_alloc : memref<!tpu.dma_semaphore, #tpu.memory_space<semaphore_mem>>
          %dma_start3A_60 = arith.constant 128 : i32
          %dma_start3A_61 = arith.constant 0 : i32
          %dma_start3A_62 = tpu.memref_slice %arg10[%dma_start3A_60, %dma_start3A_61] : memref<256x128xf32, #tpu.memory_space<vmem>> -> memref<128x128xf32, #tpu.memory_space<vmem>>
          %dma_start3A_63 = arith.constant 0 : i32
          %dma_start3A_64 = tpu.memref_slice %arg9[%add3A_59, %dma_start3A_63] : memref<8x128xi32, #tpu.memory_space<vmem>> -> memref<1x128xi32, #tpu.memory_space<vmem>>
          %dma_start3A_65 = tpu.memref_squeeze %dma_start3A_64 : memref<1x128xi32, #tpu.memory_space<vmem>> -> memref<128xi32, #tpu.memory_space<vmem>>
          %dma_start3A_66 = arith.constant 0 : i32
          %dma_start3A_67 = arith.constant 0 : i32
          %dma_start3A_68 = tpu.memref_slice %arg7[%dma_start3A_66, %dma_start3A_67] : memref<10112x128xf32, #tpu.memory_space<vmem_shared>> -> memref<10112x128xf32, #tpu.memory_space<vmem_shared>>
          tpu.enqueue_indirect_dma source(%dma_start3A_62 : memref<128x128xf32, #tpu.memory_space<vmem>>) target(%dma_start3A_68 : memref<10112x128xf32, #tpu.memory_space<vmem_shared>>) offsets(%dma_start3A_65 : memref<128xi32, #tpu.memory_space<vmem>>) semaphore(%run_scoped3A : memref<!tpu.dma_semaphore, #tpu.memory_space<semaphore_mem>>) {add = true}
          %dma_wait3A_69 = arith.constant 128 : i32
          %dma_wait3A_70 = arith.constant 0 : i32
          %dma_wait3A_71 = tpu.memref_slice %arg10[%dma_wait3A_69, %dma_wait3A_70] : memref<256x128xf32, #tpu.memory_space<vmem>> -> memref<128x128xf32, #tpu.memory_space<vmem>>
          %dma_wait3A_72 = arith.constant 0 : i32
          %dma_wait3A_73 = tpu.memref_slice %arg9[%add3A_59, %dma_wait3A_72] : memref<8x128xi32, #tpu.memory_space<vmem>> -> memref<1x128xi32, #tpu.memory_space<vmem>>
          %dma_wait3A_74 = tpu.memref_squeeze %dma_wait3A_73 : memref<1x128xi32, #tpu.memory_space<vmem>> -> memref<128xi32, #tpu.memory_space<vmem>>
          %dma_wait3A_75 = arith.constant 0 : i32
          %dma_wait3A_76 = arith.constant 0 : i32
          %dma_wait3A_77 = tpu.memref_slice %arg7[%dma_wait3A_75, %dma_wait3A_76] : memref<10112x128xf32, #tpu.memory_space<vmem_shared>> -> memref<10112x128xf32, #tpu.memory_space<vmem_shared>>
          tpu.wait_indirect_dma semaphore(%run_scoped3A : memref<!tpu.dma_semaphore, #tpu.memory_space<semaphore_mem>>) src(%dma_wait3A_71 : memref<128x128xf32, #tpu.memory_space<vmem>>) dst(%dma_wait3A_77 : memref<10112x128xf32, #tpu.memory_space<vmem_shared>>)
          tpu.yield
        }) : () -> ()
      }
      %scan3A_18 = arith.constant 4 : i32
    }
    %scan3A_5 = arith.constant 10 : i32
    %barrier3A_6 = arith.constant 0 : index
    tpu.barrier barrier_id(%barrier3A_6)
    "tpu.region"() ({
      %run_scoped3A = tpu.sem_alloc : memref<!tpu.dma_semaphore, #tpu.memory_space<semaphore_mem>>
      %dma_start3A = arith.constant 0 : i32
      %dma_start3A_7 = tpu.memref_slice %arg6[%arg0, %mul3A_0, %dma_start3A] : memref<2x10112x128xf32, #tpu.memory_space<hbm>> -> memref<1x632x128xf32, #tpu.memory_space<hbm>>
      %dma_start3A_8 = tpu.memref_squeeze %dma_start3A_7 : memref<1x632x128xf32, #tpu.memory_space<hbm>> -> memref<632x128xf32, #tpu.memory_space<hbm>>
      %dma_start3A_9 = arith.constant 0 : i32
      %dma_start3A_10 = tpu.memref_slice %arg7[%mul3A_0, %dma_start3A_9] : memref<10112x128xf32, #tpu.memory_space<vmem_shared>> -> memref<632x128xf32, #tpu.memory_space<vmem_shared>>
      tpu.enqueue_dma source(%dma_start3A_10 : memref<632x128xf32, #tpu.memory_space<vmem_shared>>) target(%dma_start3A_8 : memref<632x128xf32, #tpu.memory_space<hbm>>) target_semaphore(%run_scoped3A : memref<!tpu.dma_semaphore, #tpu.memory_space<semaphore_mem>>)
      %dma_wait3A = arith.constant 0 : i32
      %dma_wait3A_11 = tpu.memref_slice %arg6[%arg0, %mul3A_0, %dma_wait3A] : memref<2x10112x128xf32, #tpu.memory_space<hbm>> -> memref<1x632x128xf32, #tpu.memory_space<hbm>>
      %dma_wait3A_12 = tpu.memref_squeeze %dma_wait3A_11 : memref<1x632x128xf32, #tpu.memory_space<hbm>> -> memref<632x128xf32, #tpu.memory_space<hbm>>
      %dma_wait3A_13 = arith.constant 0 : i32
      %dma_wait3A_14 = tpu.memref_slice %arg7[%mul3A_0, %dma_wait3A_13] : memref<10112x128xf32, #tpu.memory_space<vmem_shared>> -> memref<632x128xf32, #tpu.memory_space<vmem_shared>>
      tpu.wait_dma2 semaphore(%run_scoped3A : memref<!tpu.dma_semaphore, #tpu.memory_space<semaphore_mem>>) src(%dma_wait3A_14 : memref<632x128xf32, #tpu.memory_space<vmem_shared>>) dst(%dma_wait3A_12 : memref<632x128xf32, #tpu.memory_space<hbm>>)
      tpu.yield
    }) : () -> ()
    return
  }
}

#map = affine_map<(d0, d1) -> (0, 0)>
#map1 = affine_map<(d0, d1) -> (0, 0, 0, 0)>
#map2 = affine_map<(d0, d1) -> (0, 0, 0)>
module attributes {stable_mosaic.version = 14 : i64} {
  func.func @body(%arg0: i32, %arg1: i32, %arg2: memref<20000x128xf32, #tpu.memory_space<hbm>>, %arg3: memref<2x160x8x128xi32, #tpu.memory_space<hbm>>, %arg4: memref<160x8x128xi32, #tpu.memory_space<hbm>>, %arg5: memref<632x128xf32, #tpu.memory_space<hbm>>, %arg6: memref<2x10112x128xf32, #tpu.memory_space<hbm>>, %arg7: memref<10112x128xf32, #tpu.memory_space<vmem_shared>>, %arg8: memref<8x128xi32, #tpu.memory_space<vmem>>, %arg9: memref<8x128xi32, #tpu.memory_space<vmem>>, %arg10: memref<256x128xf32, #tpu.memory_space<vmem>>, %arg11: memref<!tpu.dma_semaphore, #tpu.memory_space<semaphore_mem>>) attributes {dimension_semantics = [#tpu.dimension_semantics<core_parallel>, #tpu.dimension_semantics<subcore_parallel>], iteration_bounds = array<i64: 2, 16>, scalar_prefetch = 0 : i64, scratch_operands = 5 : i64, tpu.core_type = #tpu.core_type<sc_vector_subcore>, window_params = [{transform_indices = #map}, {transform_indices = #map1}, {transform_indices = #map2}, {transform_indices = #map}, {transform_indices = #map2}]} {
    %mul3A = arith.constant 632 : i32
    %mul3A_0 = arith.muli %arg1, %mul3A : i32
    "tpu.region"() ({
      %run_scoped3A = tpu.sem_alloc : memref<!tpu.dma_semaphore, #tpu.memory_space<semaphore_mem>>
      %dma_start3A = arith.constant 0 : i32
      %dma_start3A_7 = tpu.memref_slice %arg7[%mul3A_0, %dma_start3A] : memref<10112x128xf32, #tpu.memory_space<vmem_shared>> -> memref<632x128xf32, #tpu.memory_space<vmem_shared>>
      tpu.enqueue_dma source(%arg5 : memref<632x128xf32, #tpu.memory_space<hbm>>) target(%dma_start3A_7 : memref<632x128xf32, #tpu.memory_space<vmem_shared>>) target_semaphore(%run_scoped3A : memref<!tpu.dma_semaphore, #tpu.memory_space<semaphore_mem>>)
      %dma_wait3A = arith.constant 0 : i32
      %dma_wait3A_8 = tpu.memref_slice %arg7[%mul3A_0, %dma_wait3A] : memref<10112x128xf32, #tpu.memory_space<vmem_shared>> -> memref<632x128xf32, #tpu.memory_space<vmem_shared>>
      tpu.wait_dma2 semaphore(%run_scoped3A : memref<!tpu.dma_semaphore, #tpu.memory_space<semaphore_mem>>) src(%arg5 : memref<632x128xf32, #tpu.memory_space<hbm>>) dst(%dma_wait3A_8 : memref<632x128xf32, #tpu.memory_space<vmem_shared>>)
      tpu.yield
    }) : () -> ()
    %barrier3A = arith.constant 0 : index
    tpu.barrier barrier_id(%barrier3A)
    %scan3A = arith.constant 0 : i32
    %scan3A_1 = arith.constant 0 : i32
    %scan3A_2 = arith.constant 10 : i32
    %scan3A_3 = arith.addi %scan3A_1, %scan3A_2 : i32
    %scan3A_4 = arith.constant 1 : i32
    scf.for %scan3A_7 = %scan3A_1 to %scan3A_3 step %scan3A_4  : i32 {
      %mul3A_8 = arith.constant 10 : i32
      %mul3A_9 = arith.muli %arg1, %mul3A_8 : i32
      %add3A = arith.addi %mul3A_9, %scan3A_7 : i32
      "tpu.region"() ({
        %run_scoped3A = tpu.sem_alloc : memref<!tpu.dma_semaphore, #tpu.memory_space<semaphore_mem>>
        %dma_start3A = arith.constant 0 : i32
        %dma_start3A_19 = arith.constant 0 : i32
        %dma_start3A_20 = tpu.memref_slice %arg3[%arg0, %add3A, %dma_start3A, %dma_start3A_19] : memref<2x160x8x128xi32, #tpu.memory_space<hbm>> -> memref<1x1x8x128xi32, #tpu.memory_space<hbm>>
        %dma_start3A_21 = tpu.memref_squeeze %dma_start3A_20 : memref<1x1x8x128xi32, #tpu.memory_space<hbm>> -> memref<8x128xi32, #tpu.memory_space<hbm>>
        %dma_start3A_22 = arith.constant 0 : i32
        %dma_start3A_23 = arith.constant 0 : i32
        %dma_start3A_24 = tpu.memref_slice %arg3[%arg0, %add3A, %dma_start3A_22, %dma_start3A_23] : memref<2x160x8x128xi32, #tpu.memory_space<hbm>> -> memref<1x1x8x128xi32, #tpu.memory_space<hbm>>
        %dma_start3A_25 = tpu.memref_squeeze %dma_start3A_24 : memref<1x1x8x128xi32, #tpu.memory_space<hbm>> -> memref<8x128xi32, #tpu.memory_space<hbm>>
        tpu.enqueue_dma source(%dma_start3A_25 : memref<8x128xi32, #tpu.memory_space<hbm>>) target(%arg8 : memref<8x128xi32, #tpu.memory_space<vmem>>) target_semaphore(%run_scoped3A : memref<!tpu.dma_semaphore, #tpu.memory_space<semaphore_mem>>)
        %dma_wait3A = arith.constant 0 : i32
        %dma_wait3A_26 = arith.constant 0 : i32
        %dma_wait3A_27 = tpu.memref_slice %arg3[%arg0, %add3A, %dma_wait3A, %dma_wait3A_26] : memref<2x160x8x128xi32, #tpu.memory_space<hbm>> -> memref<1x1x8x128xi32, #tpu.memory_space<hbm>>
        %dma_wait3A_28 = tpu.memref_squeeze %dma_wait3A_27 : memref<1x1x8x128xi32, #tpu.memory_space<hbm>> -> memref<8x128xi32, #tpu.memory_space<hbm>>
        %dma_wait3A_29 = arith.constant 0 : i32
        %dma_wait3A_30 = arith.constant 0 : i32
        %dma_wait3A_31 = tpu.memref_slice %arg3[%arg0, %add3A, %dma_wait3A_29, %dma_wait3A_30] : memref<2x160x8x128xi32, #tpu.memory_space<hbm>> -> memref<1x1x8x128xi32, #tpu.memory_space<hbm>>
        %dma_wait3A_32 = tpu.memref_squeeze %dma_wait3A_31 : memref<1x1x8x128xi32, #tpu.memory_space<hbm>> -> memref<8x128xi32, #tpu.memory_space<hbm>>
        tpu.wait_dma2 semaphore(%run_scoped3A : memref<!tpu.dma_semaphore, #tpu.memory_space<semaphore_mem>>) src(%dma_wait3A_32 : memref<8x128xi32, #tpu.memory_space<hbm>>) dst(%arg8 : memref<8x128xi32, #tpu.memory_space<vmem>>)
        tpu.yield
      }) : () -> ()
      %mul3A_10 = arith.constant 10 : i32
      %mul3A_11 = arith.muli %arg1, %mul3A_10 : i32
      %add3A_12 = arith.addi %mul3A_11, %scan3A_7 : i32
      "tpu.region"() ({
        %run_scoped3A = tpu.sem_alloc : memref<!tpu.dma_semaphore, #tpu.memory_space<semaphore_mem>>
        %dma_start3A = arith.constant 0 : i32
        %dma_start3A_19 = arith.constant 0 : i32
        %dma_start3A_20 = tpu.memref_slice %arg4[%add3A_12, %dma_start3A, %dma_start3A_19] : memref<160x8x128xi32, #tpu.memory_space<hbm>> -> memref<1x8x128xi32, #tpu.memory_space<hbm>>
        %dma_start3A_21 = tpu.memref_squeeze %dma_start3A_20 : memref<1x8x128xi32, #tpu.memory_space<hbm>> -> memref<8x128xi32, #tpu.memory_space<hbm>>
        %dma_start3A_22 = arith.constant 0 : i32
        %dma_start3A_23 = arith.constant 0 : i32
        %dma_start3A_24 = tpu.memref_slice %arg4[%add3A_12, %dma_start3A_22, %dma_start3A_23] : memref<160x8x128xi32, #tpu.memory_space<hbm>> -> memref<1x8x128xi32, #tpu.memory_space<hbm>>
        %dma_start3A_25 = tpu.memref_squeeze %dma_start3A_24 : memref<1x8x128xi32, #tpu.memory_space<hbm>> -> memref<8x128xi32, #tpu.memory_space<hbm>>
        tpu.enqueue_dma source(%dma_start3A_25 : memref<8x128xi32, #tpu.memory_space<hbm>>) target(%arg9 : memref<8x128xi32, #tpu.memory_space<vmem>>) target_semaphore(%run_scoped3A : memref<!tpu.dma_semaphore, #tpu.memory_space<semaphore_mem>>)
        %dma_wait3A = arith.constant 0 : i32
        %dma_wait3A_26 = arith.constant 0 : i32
        %dma_wait3A_27 = tpu.memref_slice %arg4[%add3A_12, %dma_wait3A, %dma_wait3A_26] : memref<160x8x128xi32, #tpu.memory_space<hbm>> -> memref<1x8x128xi32, #tpu.memory_space<hbm>>
        %dma_wait3A_28 = tpu.memref_squeeze %dma_wait3A_27 : memref<1x8x128xi32, #tpu.memory_space<hbm>> -> memref<8x128xi32, #tpu.memory_space<hbm>>
        %dma_wait3A_29 = arith.constant 0 : i32
        %dma_wait3A_30 = arith.constant 0 : i32
        %dma_wait3A_31 = tpu.memref_slice %arg4[%add3A_12, %dma_wait3A_29, %dma_wait3A_30] : memref<160x8x128xi32, #tpu.memory_space<hbm>> -> memref<1x8x128xi32, #tpu.memory_space<hbm>>
        %dma_wait3A_32 = tpu.memref_squeeze %dma_wait3A_31 : memref<1x8x128xi32, #tpu.memory_space<hbm>> -> memref<8x128xi32, #tpu.memory_space<hbm>>
        tpu.wait_dma2 semaphore(%run_scoped3A : memref<!tpu.dma_semaphore, #tpu.memory_space<semaphore_mem>>) src(%dma_wait3A_32 : memref<8x128xi32, #tpu.memory_space<hbm>>) dst(%arg9 : memref<8x128xi32, #tpu.memory_space<vmem>>)
        tpu.yield
      }) : () -> ()
      %scan3A_13 = arith.constant 0 : i32
      %scan3A_14 = arith.constant 0 : i32
      %scan3A_15 = arith.constant 4 : i32
      %scan3A_16 = arith.addi %scan3A_14, %scan3A_15 : i32
      %scan3A_17 = arith.constant 1 : i32
      scf.for %scan3A_19 = %scan3A_14 to %scan3A_16 step %scan3A_17  : i32 {
        %mul3A_20 = arith.constant 2 : i32
        %mul3A_21 = arith.muli %mul3A_20, %scan3A_19 : i32
        %dma_start3A = arith.constant 0 : i32
        %dma_start3A_22 = arith.constant 0 : i32
        %dma_start3A_23 = tpu.memref_slice %arg10[%dma_start3A, %dma_start3A_22] : memref<256x128xf32, #tpu.memory_space<vmem>> -> memref<128x128xf32, #tpu.memory_space<vmem>>
        %dma_start3A_24 = arith.constant 0 : i32
        %dma_start3A_25 = tpu.memref_slice %arg8[%mul3A_21, %dma_start3A_24] : memref<8x128xi32, #tpu.memory_space<vmem>> -> memref<1x128xi32, #tpu.memory_space<vmem>>
        %dma_start3A_26 = tpu.memref_squeeze %dma_start3A_25 : memref<1x128xi32, #tpu.memory_space<vmem>> -> memref<128xi32, #tpu.memory_space<vmem>>
        %dma_start3A_27 = arith.constant 0 : i32
        %dma_start3A_28 = arith.constant 0 : i32
        %dma_start3A_29 = tpu.memref_slice %arg2[%dma_start3A_27, %dma_start3A_28] : memref<20000x128xf32, #tpu.memory_space<hbm>> -> memref<20000x128xf32, #tpu.memory_space<hbm>>
        tpu.enqueue_indirect_dma source(%dma_start3A_29 : memref<20000x128xf32, #tpu.memory_space<hbm>>) target(%dma_start3A_23 : memref<128x128xf32, #tpu.memory_space<vmem>>) offsets(%dma_start3A_26 : memref<128xi32, #tpu.memory_space<vmem>>) semaphore(%arg11 : memref<!tpu.dma_semaphore, #tpu.memory_space<semaphore_mem>>)
        %add3A_30 = arith.constant 1 : i32
        %add3A_31 = arith.addi %mul3A_21, %add3A_30 : i32
        %dma_start3A_32 = arith.constant 128 : i32
        %dma_start3A_33 = arith.constant 0 : i32
        %dma_start3A_34 = tpu.memref_slice %arg10[%dma_start3A_32, %dma_start3A_33] : memref<256x128xf32, #tpu.memory_space<vmem>> -> memref<128x128xf32, #tpu.memory_space<vmem>>
        %dma_start3A_35 = arith.constant 0 : i32
        %dma_start3A_36 = tpu.memref_slice %arg8[%add3A_31, %dma_start3A_35] : memref<8x128xi32, #tpu.memory_space<vmem>> -> memref<1x128xi32, #tpu.memory_space<vmem>>
        %dma_start3A_37 = tpu.memref_squeeze %dma_start3A_36 : memref<1x128xi32, #tpu.memory_space<vmem>> -> memref<128xi32, #tpu.memory_space<vmem>>
        %dma_start3A_38 = arith.constant 0 : i32
        %dma_start3A_39 = arith.constant 0 : i32
        %dma_start3A_40 = tpu.memref_slice %arg2[%dma_start3A_38, %dma_start3A_39] : memref<20000x128xf32, #tpu.memory_space<hbm>> -> memref<20000x128xf32, #tpu.memory_space<hbm>>
        tpu.enqueue_indirect_dma source(%dma_start3A_40 : memref<20000x128xf32, #tpu.memory_space<hbm>>) target(%dma_start3A_34 : memref<128x128xf32, #tpu.memory_space<vmem>>) offsets(%dma_start3A_37 : memref<128xi32, #tpu.memory_space<vmem>>) semaphore(%arg11 : memref<!tpu.dma_semaphore, #tpu.memory_space<semaphore_mem>>)
        %dma_wait3A = arith.constant 0 : i32
        %dma_wait3A_41 = arith.constant 0 : i32
        %dma_wait3A_42 = tpu.memref_slice %arg10[%dma_wait3A, %dma_wait3A_41] : memref<256x128xf32, #tpu.memory_space<vmem>> -> memref<128x128xf32, #tpu.memory_space<vmem>>
        %dma_wait3A_43 = arith.constant 0 : i32
        %dma_wait3A_44 = tpu.memref_slice %arg8[%mul3A_21, %dma_wait3A_43] : memref<8x128xi32, #tpu.memory_space<vmem>> -> memref<1x128xi32, #tpu.memory_space<vmem>>
        %dma_wait3A_45 = tpu.memref_squeeze %dma_wait3A_44 : memref<1x128xi32, #tpu.memory_space<vmem>> -> memref<128xi32, #tpu.memory_space<vmem>>
        %dma_wait3A_46 = arith.constant 0 : i32
        %dma_wait3A_47 = arith.constant 0 : i32
        %dma_wait3A_48 = tpu.memref_slice %arg2[%dma_wait3A_46, %dma_wait3A_47] : memref<20000x128xf32, #tpu.memory_space<hbm>> -> memref<20000x128xf32, #tpu.memory_space<hbm>>
        tpu.wait_indirect_dma semaphore(%arg11 : memref<!tpu.dma_semaphore, #tpu.memory_space<semaphore_mem>>) src(%dma_wait3A_48 : memref<20000x128xf32, #tpu.memory_space<hbm>>) dst(%dma_wait3A_42 : memref<128x128xf32, #tpu.memory_space<vmem>>)
        "tpu.region"() ({
          %run_scoped3A = tpu.sem_alloc : memref<!tpu.dma_semaphore, #tpu.memory_space<semaphore_mem>>
          %dma_start3A_60 = arith.constant 0 : i32
          %dma_start3A_61 = arith.constant 0 : i32
          %dma_start3A_62 = tpu.memref_slice %arg10[%dma_start3A_60, %dma_start3A_61] : memref<256x128xf32, #tpu.memory_space<vmem>> -> memref<128x128xf32, #tpu.memory_space<vmem>>
          %dma_start3A_63 = arith.constant 0 : i32
          %dma_start3A_64 = tpu.memref_slice %arg9[%mul3A_21, %dma_start3A_63] : memref<8x128xi32, #tpu.memory_space<vmem>> -> memref<1x128xi32, #tpu.memory_space<vmem>>
          %dma_start3A_65 = tpu.memref_squeeze %dma_start3A_64 : memref<1x128xi32, #tpu.memory_space<vmem>> -> memref<128xi32, #tpu.memory_space<vmem>>
          %dma_start3A_66 = arith.constant 0 : i32
          %dma_start3A_67 = arith.constant 0 : i32
          %dma_start3A_68 = tpu.memref_slice %arg7[%dma_start3A_66, %dma_start3A_67] : memref<10112x128xf32, #tpu.memory_space<vmem_shared>> -> memref<10112x128xf32, #tpu.memory_space<vmem_shared>>
          tpu.enqueue_indirect_dma source(%dma_start3A_62 : memref<128x128xf32, #tpu.memory_space<vmem>>) target(%dma_start3A_68 : memref<10112x128xf32, #tpu.memory_space<vmem_shared>>) offsets(%dma_start3A_65 : memref<128xi32, #tpu.memory_space<vmem>>) semaphore(%run_scoped3A : memref<!tpu.dma_semaphore, #tpu.memory_space<semaphore_mem>>) {add = true}
          %dma_wait3A_69 = arith.constant 0 : i32
          %dma_wait3A_70 = arith.constant 0 : i32
          %dma_wait3A_71 = tpu.memref_slice %arg10[%dma_wait3A_69, %dma_wait3A_70] : memref<256x128xf32, #tpu.memory_space<vmem>> -> memref<128x128xf32, #tpu.memory_space<vmem>>
          %dma_wait3A_72 = arith.constant 0 : i32
          %dma_wait3A_73 = tpu.memref_slice %arg9[%mul3A_21, %dma_wait3A_72] : memref<8x128xi32, #tpu.memory_space<vmem>> -> memref<1x128xi32, #tpu.memory_space<vmem>>
          %dma_wait3A_74 = tpu.memref_squeeze %dma_wait3A_73 : memref<1x128xi32, #tpu.memory_space<vmem>> -> memref<128xi32, #tpu.memory_space<vmem>>
          %dma_wait3A_75 = arith.constant 0 : i32
          %dma_wait3A_76 = arith.constant 0 : i32
          %dma_wait3A_77 = tpu.memref_slice %arg7[%dma_wait3A_75, %dma_wait3A_76] : memref<10112x128xf32, #tpu.memory_space<vmem_shared>> -> memref<10112x128xf32, #tpu.memory_space<vmem_shared>>
          tpu.wait_indirect_dma semaphore(%run_scoped3A : memref<!tpu.dma_semaphore, #tpu.memory_space<semaphore_mem>>) src(%dma_wait3A_71 : memref<128x128xf32, #tpu.memory_space<vmem>>) dst(%dma_wait3A_77 : memref<10112x128xf32, #tpu.memory_space<vmem_shared>>)
          tpu.yield
        }) : () -> ()
        %dma_wait3A_49 = arith.constant 128 : i32
        %dma_wait3A_50 = arith.constant 0 : i32
        %dma_wait3A_51 = tpu.memref_slice %arg10[%dma_wait3A_49, %dma_wait3A_50] : memref<256x128xf32, #tpu.memory_space<vmem>> -> memref<128x128xf32, #tpu.memory_space<vmem>>
        %dma_wait3A_52 = arith.constant 0 : i32
        %dma_wait3A_53 = tpu.memref_slice %arg8[%add3A_31, %dma_wait3A_52] : memref<8x128xi32, #tpu.memory_space<vmem>> -> memref<1x128xi32, #tpu.memory_space<vmem>>
        %dma_wait3A_54 = tpu.memref_squeeze %dma_wait3A_53 : memref<1x128xi32, #tpu.memory_space<vmem>> -> memref<128xi32, #tpu.memory_space<vmem>>
        %dma_wait3A_55 = arith.constant 0 : i32
        %dma_wait3A_56 = arith.constant 0 : i32
        %dma_wait3A_57 = tpu.memref_slice %arg2[%dma_wait3A_55, %dma_wait3A_56] : memref<20000x128xf32, #tpu.memory_space<hbm>> -> memref<20000x128xf32, #tpu.memory_space<hbm>>
        tpu.wait_indirect_dma semaphore(%arg11 : memref<!tpu.dma_semaphore, #tpu.memory_space<semaphore_mem>>) src(%dma_wait3A_57 : memref<20000x128xf32, #tpu.memory_space<hbm>>) dst(%dma_wait3A_51 : memref<128x128xf32, #tpu.memory_space<vmem>>)
        %add3A_58 = arith.constant 1 : i32
        %add3A_59 = arith.addi %mul3A_21, %add3A_58 : i32
        "tpu.region"() ({
          %run_scoped3A = tpu.sem_alloc : memref<!tpu.dma_semaphore, #tpu.memory_space<semaphore_mem>>
          %dma_start3A_60 = arith.constant 128 : i32
          %dma_start3A_61 = arith.constant 0 : i32
          %dma_start3A_62 = tpu.memref_slice %arg10[%dma_start3A_60, %dma_start3A_61] : memref<256x128xf32, #tpu.memory_space<vmem>> -> memref<128x128xf32, #tpu.memory_space<vmem>>
          %dma_start3A_63 = arith.constant 0 : i32
          %dma_start3A_64 = tpu.memref_slice %arg9[%add3A_59, %dma_start3A_63] : memref<8x128xi32, #tpu.memory_space<vmem>> -> memref<1x128xi32, #tpu.memory_space<vmem>>
          %dma_start3A_65 = tpu.memref_squeeze %dma_start3A_64 : memref<1x128xi32, #tpu.memory_space<vmem>> -> memref<128xi32, #tpu.memory_space<vmem>>
          %dma_start3A_66 = arith.constant 0 : i32
          %dma_start3A_67 = arith.constant 0 : i32
          %dma_start3A_68 = tpu.memref_slice %arg7[%dma_start3A_66, %dma_start3A_67] : memref<10112x128xf32, #tpu.memory_space<vmem_shared>> -> memref<10112x128xf32, #tpu.memory_space<vmem_shared>>
          tpu.enqueue_indirect_dma source(%dma_start3A_62 : memref<128x128xf32, #tpu.memory_space<vmem>>) target(%dma_start3A_68 : memref<10112x128xf32, #tpu.memory_space<vmem_shared>>) offsets(%dma_start3A_65 : memref<128xi32, #tpu.memory_space<vmem>>) semaphore(%run_scoped3A : memref<!tpu.dma_semaphore, #tpu.memory_space<semaphore_mem>>) {add = true}
          %dma_wait3A_69 = arith.constant 128 : i32
          %dma_wait3A_70 = arith.constant 0 : i32
          %dma_wait3A_71 = tpu.memref_slice %arg10[%dma_wait3A_69, %dma_wait3A_70] : memref<256x128xf32, #tpu.memory_space<vmem>> -> memref<128x128xf32, #tpu.memory_space<vmem>>
          %dma_wait3A_72 = arith.constant 0 : i32
          %dma_wait3A_73 = tpu.memref_slice %arg9[%add3A_59, %dma_wait3A_72] : memref<8x128xi32, #tpu.memory_space<vmem>> -> memref<1x128xi32, #tpu.memory_space<vmem>>
          %dma_wait3A_74 = tpu.memref_squeeze %dma_wait3A_73 : memref<1x128xi32, #tpu.memory_space<vmem>> -> memref<128xi32, #tpu.memory_space<vmem>>
          %dma_wait3A_75 = arith.constant 0 : i32
          %dma_wait3A_76 = arith.constant 0 : i32
          %dma_wait3A_77 = tpu.memref_slice %arg7[%dma_wait3A_75, %dma_wait3A_76] : memref<10112x128xf32, #tpu.memory_space<vmem_shared>> -> memref<10112x128xf32, #tpu.memory_space<vmem_shared>>
          tpu.wait_indirect_dma semaphore(%run_scoped3A : memref<!tpu.dma_semaphore, #tpu.memory_space<semaphore_mem>>) src(%dma_wait3A_71 : memref<128x128xf32, #tpu.memory_space<vmem>>) dst(%dma_wait3A_77 : memref<10112x128xf32, #tpu.memory_space<vmem_shared>>)
          tpu.yield
        }) : () -> ()
      }
      %scan3A_18 = arith.constant 4 : i32
    }
    %scan3A_5 = arith.constant 10 : i32
    %barrier3A_6 = arith.constant 0 : index
    tpu.barrier barrier_id(%barrier3A_6)
    "tpu.region"() ({
      %run_scoped3A = tpu.sem_alloc : memref<!tpu.dma_semaphore, #tpu.memory_space<semaphore_mem>>
      %dma_start3A = arith.constant 0 : i32
      %dma_start3A_7 = tpu.memref_slice %arg6[%arg0, %mul3A_0, %dma_start3A] : memref<2x10112x128xf32, #tpu.memory_space<hbm>> -> memref<1x632x128xf32, #tpu.memory_space<hbm>>
      %dma_start3A_8 = tpu.memref_squeeze %dma_start3A_7 : memref<1x632x128xf32, #tpu.memory_space<hbm>> -> memref<632x128xf32, #tpu.memory_space<hbm>>
      %dma_start3A_9 = arith.constant 0 : i32
      %dma_start3A_10 = tpu.memref_slice %arg7[%mul3A_0, %dma_start3A_9] : memref<10112x128xf32, #tpu.memory_space<vmem_shared>> -> memref<632x128xf32, #tpu.memory_space<vmem_shared>>
      tpu.enqueue_dma source(%dma_start3A_10 : memref<632x128xf32, #tpu.memory_space<vmem_shared>>) target(%dma_start3A_8 : memref<632x128xf32, #tpu.memory_space<hbm>>) target_semaphore(%run_scoped3A : memref<!tpu.dma_semaphore, #tpu.memory_space<semaphore_mem>>)
      %dma_wait3A = arith.constant 0 : i32
      %dma_wait3A_11 = tpu.memref_slice %arg6[%arg0, %mul3A_0, %dma_wait3A] : memref<2x10112x128xf32, #tpu.memory_space<hbm>> -> memref<1x632x128xf32, #tpu.memory_space<hbm>>
      %dma_wait3A_12 = tpu.memref_squeeze %dma_wait3A_11 : memref<1x632x128xf32, #tpu.memory_space<hbm>> -> memref<632x128xf32, #tpu.memory_space<hbm>>
      %dma_wait3A_13 = arith.constant 0 : i32
      %dma_wait3A_14 = tpu.memref_slice %arg7[%mul3A_0, %dma_wait3A_13] : memref<10112x128xf32, #tpu.memory_space<vmem_shared>> -> memref<632x128xf32, #tpu.memory_space<vmem_shared>>
      tpu.wait_dma2 semaphore(%run_scoped3A : memref<!tpu.dma_semaphore, #tpu.memory_space<semaphore_mem>>) src(%dma_wait3A_14 : memref<632x128xf32, #tpu.memory_space<vmem_shared>>) dst(%dma_wait3A_12 : memref<632x128xf32, #tpu.memory_space<hbm>>)
      tpu.yield
    }) : () -> ()
    return
  }
}

#map = affine_map<(d0, d1) -> (0, 0, 0)>
#map1 = affine_map<(d0, d1) -> (0, 0)>
module attributes {stable_mosaic.version = 14 : i64} {
  func.func @body(%arg0: i32, %arg1: i32, %arg2: memref<160x8x128xi32, #tpu.memory_space<hbm>>, %arg3: memref<632x128xf32, #tpu.memory_space<hbm>>, %arg4: memref<128x128xf32, #tpu.memory_space<hbm>>, %arg5: memref<2x10112x128xf32, #tpu.memory_space<hbm>>, %arg6: memref<10112x128xf32, #tpu.memory_space<vmem_shared>>, %arg7: memref<8x128xi32, #tpu.memory_space<vmem>>, %arg8: memref<128x128xf32, #tpu.memory_space<vmem>>, %arg9: memref<!tpu.dma_semaphore, #tpu.memory_space<semaphore_mem>>) attributes {dimension_semantics = [#tpu.dimension_semantics<core_parallel>, #tpu.dimension_semantics<subcore_parallel>], iteration_bounds = array<i64: 2, 16>, scalar_prefetch = 0 : i64, scratch_operands = 4 : i64, tpu.core_type = #tpu.core_type<sc_vector_subcore>, window_params = [{transform_indices = #map}, {transform_indices = #map1}, {transform_indices = #map1}, {transform_indices = #map}]} {
    %mul3A = arith.constant 632 : i32
    %mul3A_0 = arith.muli %arg1, %mul3A : i32
    "tpu.region"() ({
      %run_scoped3A = tpu.sem_alloc : memref<!tpu.dma_semaphore, #tpu.memory_space<semaphore_mem>>
      %dma_start3A = arith.constant 0 : i32
      %dma_start3A_7 = tpu.memref_slice %arg6[%mul3A_0, %dma_start3A] : memref<10112x128xf32, #tpu.memory_space<vmem_shared>> -> memref<632x128xf32, #tpu.memory_space<vmem_shared>>
      tpu.enqueue_dma source(%arg3 : memref<632x128xf32, #tpu.memory_space<hbm>>) target(%dma_start3A_7 : memref<632x128xf32, #tpu.memory_space<vmem_shared>>) target_semaphore(%run_scoped3A : memref<!tpu.dma_semaphore, #tpu.memory_space<semaphore_mem>>)
      %dma_wait3A = arith.constant 0 : i32
      %dma_wait3A_8 = tpu.memref_slice %arg6[%mul3A_0, %dma_wait3A] : memref<10112x128xf32, #tpu.memory_space<vmem_shared>> -> memref<632x128xf32, #tpu.memory_space<vmem_shared>>
      tpu.wait_dma2 semaphore(%run_scoped3A : memref<!tpu.dma_semaphore, #tpu.memory_space<semaphore_mem>>) src(%arg3 : memref<632x128xf32, #tpu.memory_space<hbm>>) dst(%dma_wait3A_8 : memref<632x128xf32, #tpu.memory_space<vmem_shared>>)
      tpu.yield
    }) : () -> ()
    "tpu.region"() ({
      %run_scoped3A = tpu.sem_alloc : memref<!tpu.dma_semaphore, #tpu.memory_space<semaphore_mem>>
      tpu.enqueue_dma source(%arg4 : memref<128x128xf32, #tpu.memory_space<hbm>>) target(%arg8 : memref<128x128xf32, #tpu.memory_space<vmem>>) target_semaphore(%run_scoped3A : memref<!tpu.dma_semaphore, #tpu.memory_space<semaphore_mem>>)
      tpu.wait_dma2 semaphore(%run_scoped3A : memref<!tpu.dma_semaphore, #tpu.memory_space<semaphore_mem>>) src(%arg4 : memref<128x128xf32, #tpu.memory_space<hbm>>) dst(%arg8 : memref<128x128xf32, #tpu.memory_space<vmem>>)
      tpu.yield
    }) : () -> ()
    %barrier3A = arith.constant 0 : index
    tpu.barrier barrier_id(%barrier3A)
    %scan3A = arith.constant 0 : i32
    %scan3A_1 = arith.constant 0 : i32
    %scan3A_2 = arith.constant 5 : i32
    %scan3A_3 = arith.addi %scan3A_1, %scan3A_2 : i32
    %scan3A_4 = arith.constant 1 : i32
    scf.for %scan3A_7 = %scan3A_1 to %scan3A_3 step %scan3A_4  : i32 {
      %mul3A_8 = arith.constant 10 : i32
      %mul3A_9 = arith.muli %arg1, %mul3A_8 : i32
      %mul3A_10 = arith.constant 5 : i32
      %mul3A_11 = arith.muli %arg0, %mul3A_10 : i32
      %add3A = arith.addi %mul3A_9, %mul3A_11 : i32
      %add3A_12 = arith.addi %add3A, %scan3A_7 : i32
      "tpu.region"() ({
        %run_scoped3A = tpu.sem_alloc : memref<!tpu.dma_semaphore, #tpu.memory_space<semaphore_mem>>
        %dma_start3A = arith.constant 0 : i32
        %dma_start3A_19 = arith.constant 0 : i32
        %dma_start3A_20 = tpu.memref_slice %arg2[%add3A_12, %dma_start3A, %dma_start3A_19] : memref<160x8x128xi32, #tpu.memory_space<hbm>> -> memref<1x8x128xi32, #tpu.memory_space<hbm>>
        %dma_start3A_21 = tpu.memref_squeeze %dma_start3A_20 : memref<1x8x128xi32, #tpu.memory_space<hbm>> -> memref<8x128xi32, #tpu.memory_space<hbm>>
        %dma_start3A_22 = arith.constant 0 : i32
        %dma_start3A_23 = arith.constant 0 : i32
        %dma_start3A_24 = tpu.memref_slice %arg2[%add3A_12, %dma_start3A_22, %dma_start3A_23] : memref<160x8x128xi32, #tpu.memory_space<hbm>> -> memref<1x8x128xi32, #tpu.memory_space<hbm>>
        %dma_start3A_25 = tpu.memref_squeeze %dma_start3A_24 : memref<1x8x128xi32, #tpu.memory_space<hbm>> -> memref<8x128xi32, #tpu.memory_space<hbm>>
        tpu.enqueue_dma source(%dma_start3A_25 : memref<8x128xi32, #tpu.memory_space<hbm>>) target(%arg7 : memref<8x128xi32, #tpu.memory_space<vmem>>) target_semaphore(%run_scoped3A : memref<!tpu.dma_semaphore, #tpu.memory_space<semaphore_mem>>)
        %dma_wait3A = arith.constant 0 : i32
        %dma_wait3A_26 = arith.constant 0 : i32
        %dma_wait3A_27 = tpu.memref_slice %arg2[%add3A_12, %dma_wait3A, %dma_wait3A_26] : memref<160x8x128xi32, #tpu.memory_space<hbm>> -> memref<1x8x128xi32, #tpu.memory_space<hbm>>
        %dma_wait3A_28 = tpu.memref_squeeze %dma_wait3A_27 : memref<1x8x128xi32, #tpu.memory_space<hbm>> -> memref<8x128xi32, #tpu.memory_space<hbm>>
        %dma_wait3A_29 = arith.constant 0 : i32
        %dma_wait3A_30 = arith.constant 0 : i32
        %dma_wait3A_31 = tpu.memref_slice %arg2[%add3A_12, %dma_wait3A_29, %dma_wait3A_30] : memref<160x8x128xi32, #tpu.memory_space<hbm>> -> memref<1x8x128xi32, #tpu.memory_space<hbm>>
        %dma_wait3A_32 = tpu.memref_squeeze %dma_wait3A_31 : memref<1x8x128xi32, #tpu.memory_space<hbm>> -> memref<8x128xi32, #tpu.memory_space<hbm>>
        tpu.wait_dma2 semaphore(%run_scoped3A : memref<!tpu.dma_semaphore, #tpu.memory_space<semaphore_mem>>) src(%dma_wait3A_32 : memref<8x128xi32, #tpu.memory_space<hbm>>) dst(%arg7 : memref<8x128xi32, #tpu.memory_space<vmem>>)
        tpu.yield
      }) : () -> ()
      %scan3A_13 = arith.constant 0 : i32
      %scan3A_14 = arith.constant 0 : i32
      %scan3A_15 = arith.constant 8 : i32
      %scan3A_16 = arith.addi %scan3A_14, %scan3A_15 : i32
      %scan3A_17 = arith.constant 1 : i32
      scf.for %scan3A_19 = %scan3A_14 to %scan3A_16 step %scan3A_17  : i32 {
        "tpu.region"() ({
          %run_scoped3A = tpu.sem_alloc : memref<!tpu.dma_semaphore, #tpu.memory_space<semaphore_mem>>
          %dma_start3A = arith.constant 0 : i32
          %dma_start3A_20 = tpu.memref_slice %arg7[%scan3A_19, %dma_start3A] : memref<8x128xi32, #tpu.memory_space<vmem>> -> memref<1x128xi32, #tpu.memory_space<vmem>>
          %dma_start3A_21 = tpu.memref_squeeze %dma_start3A_20 : memref<1x128xi32, #tpu.memory_space<vmem>> -> memref<128xi32, #tpu.memory_space<vmem>>
          %dma_start3A_22 = arith.constant 0 : i32
          %dma_start3A_23 = arith.constant 0 : i32
          %dma_start3A_24 = tpu.memref_slice %arg6[%dma_start3A_22, %dma_start3A_23] : memref<10112x128xf32, #tpu.memory_space<vmem_shared>> -> memref<10112x128xf32, #tpu.memory_space<vmem_shared>>
          tpu.enqueue_indirect_dma source(%arg8 : memref<128x128xf32, #tpu.memory_space<vmem>>) target(%dma_start3A_24 : memref<10112x128xf32, #tpu.memory_space<vmem_shared>>) offsets(%dma_start3A_21 : memref<128xi32, #tpu.memory_space<vmem>>) semaphore(%run_scoped3A : memref<!tpu.dma_semaphore, #tpu.memory_space<semaphore_mem>>) {add = true}
          %dma_wait3A = arith.constant 0 : i32
          %dma_wait3A_25 = tpu.memref_slice %arg7[%scan3A_19, %dma_wait3A] : memref<8x128xi32, #tpu.memory_space<vmem>> -> memref<1x128xi32, #tpu.memory_space<vmem>>
          %dma_wait3A_26 = tpu.memref_squeeze %dma_wait3A_25 : memref<1x128xi32, #tpu.memory_space<vmem>> -> memref<128xi32, #tpu.memory_space<vmem>>
          %dma_wait3A_27 = arith.constant 0 : i32
          %dma_wait3A_28 = arith.constant 0 : i32
          %dma_wait3A_29 = tpu.memref_slice %arg6[%dma_wait3A_27, %dma_wait3A_28] : memref<10112x128xf32, #tpu.memory_space<vmem_shared>> -> memref<10112x128xf32, #tpu.memory_space<vmem_shared>>
          tpu.wait_indirect_dma semaphore(%run_scoped3A : memref<!tpu.dma_semaphore, #tpu.memory_space<semaphore_mem>>) src(%arg8 : memref<128x128xf32, #tpu.memory_space<vmem>>) dst(%dma_wait3A_29 : memref<10112x128xf32, #tpu.memory_space<vmem_shared>>)
          tpu.yield
        }) : () -> ()
      }
      %scan3A_18 = arith.constant 8 : i32
    }
    %scan3A_5 = arith.constant 5 : i32
    %barrier3A_6 = arith.constant 0 : index
    tpu.barrier barrier_id(%barrier3A_6)
    "tpu.region"() ({
      %run_scoped3A = tpu.sem_alloc : memref<!tpu.dma_semaphore, #tpu.memory_space<semaphore_mem>>
      %dma_start3A = arith.constant 0 : i32
      %dma_start3A_7 = tpu.memref_slice %arg5[%arg0, %mul3A_0, %dma_start3A] : memref<2x10112x128xf32, #tpu.memory_space<hbm>> -> memref<1x632x128xf32, #tpu.memory_space<hbm>>
      %dma_start3A_8 = tpu.memref_squeeze %dma_start3A_7 : memref<1x632x128xf32, #tpu.memory_space<hbm>> -> memref<632x128xf32, #tpu.memory_space<hbm>>
      %dma_start3A_9 = arith.constant 0 : i32
      %dma_start3A_10 = tpu.memref_slice %arg6[%mul3A_0, %dma_start3A_9] : memref<10112x128xf32, #tpu.memory_space<vmem_shared>> -> memref<632x128xf32, #tpu.memory_space<vmem_shared>>
      tpu.enqueue_dma source(%dma_start3A_10 : memref<632x128xf32, #tpu.memory_space<vmem_shared>>) target(%dma_start3A_8 : memref<632x128xf32, #tpu.memory_space<hbm>>) target_semaphore(%run_scoped3A : memref<!tpu.dma_semaphore, #tpu.memory_space<semaphore_mem>>)
      %dma_wait3A = arith.constant 0 : i32
      %dma_wait3A_11 = tpu.memref_slice %arg5[%arg0, %mul3A_0, %dma_wait3A] : memref<2x10112x128xf32, #tpu.memory_space<hbm>> -> memref<1x632x128xf32, #tpu.memory_space<hbm>>
      %dma_wait3A_12 = tpu.memref_squeeze %dma_wait3A_11 : memref<1x632x128xf32, #tpu.memory_space<hbm>> -> memref<632x128xf32, #tpu.memory_space<hbm>>
      %dma_wait3A_13 = arith.constant 0 : i32
      %dma_wait3A_14 = tpu.memref_slice %arg6[%mul3A_0, %dma_wait3A_13] : memref<10112x128xf32, #tpu.memory_space<vmem_shared>> -> memref<632x128xf32, #tpu.memory_space<vmem_shared>>
      tpu.wait_dma2 semaphore(%run_scoped3A : memref<!tpu.dma_semaphore, #tpu.memory_space<semaphore_mem>>) src(%dma_wait3A_14 : memref<632x128xf32, #tpu.memory_space<vmem_shared>>) dst(%dma_wait3A_12 : memref<632x128xf32, #tpu.memory_space<hbm>>)
      tpu.yield
    }) : () -> ()
    return
  }
}

#map = affine_map<(d0, d1) -> (0, 0)>
#map1 = affine_map<(d0, d1) -> (0, 0, 0, 0)>
#map2 = affine_map<(d0, d1) -> (0, 0, 0)>
module attributes {stable_mosaic.version = 14 : i64} {
  func.func @body(%arg0: i32, %arg1: i32, %arg2: memref<20000x128xf32, #tpu.memory_space<hbm>>, %arg3: memref<2x160x8x128xi32, #tpu.memory_space<hbm>>, %arg4: memref<160x8x128xi32, #tpu.memory_space<hbm>>, %arg5: memref<632x128xf32, #tpu.memory_space<hbm>>, %arg6: memref<2x10112x128xf32, #tpu.memory_space<hbm>>, %arg7: memref<10112x128xf32, #tpu.memory_space<vmem_shared>>, %arg8: memref<8x128xi32, #tpu.memory_space<vmem>>, %arg9: memref<8x128xi32, #tpu.memory_space<vmem>>, %arg10: memref<256x128xf32, #tpu.memory_space<vmem>>, %arg11: memref<!tpu.dma_semaphore, #tpu.memory_space<semaphore_mem>>) attributes {dimension_semantics = [#tpu.dimension_semantics<core_parallel>, #tpu.dimension_semantics<subcore_parallel>], iteration_bounds = array<i64: 2, 16>, scalar_prefetch = 0 : i64, scratch_operands = 5 : i64, tpu.core_type = #tpu.core_type<sc_vector_subcore>, window_params = [{transform_indices = #map}, {transform_indices = #map1}, {transform_indices = #map2}, {transform_indices = #map}, {transform_indices = #map2}]} {
    %mul3A = arith.constant 632 : i32
    %mul3A_0 = arith.muli %arg1, %mul3A : i32
    "tpu.region"() ({
      %run_scoped3A = tpu.sem_alloc : memref<!tpu.dma_semaphore, #tpu.memory_space<semaphore_mem>>
      %dma_start3A = arith.constant 0 : i32
      %dma_start3A_7 = tpu.memref_slice %arg7[%mul3A_0, %dma_start3A] : memref<10112x128xf32, #tpu.memory_space<vmem_shared>> -> memref<632x128xf32, #tpu.memory_space<vmem_shared>>
      tpu.enqueue_dma source(%arg5 : memref<632x128xf32, #tpu.memory_space<hbm>>) target(%dma_start3A_7 : memref<632x128xf32, #tpu.memory_space<vmem_shared>>) target_semaphore(%run_scoped3A : memref<!tpu.dma_semaphore, #tpu.memory_space<semaphore_mem>>)
      %dma_wait3A = arith.constant 0 : i32
      %dma_wait3A_8 = tpu.memref_slice %arg7[%mul3A_0, %dma_wait3A] : memref<10112x128xf32, #tpu.memory_space<vmem_shared>> -> memref<632x128xf32, #tpu.memory_space<vmem_shared>>
      tpu.wait_dma2 semaphore(%run_scoped3A : memref<!tpu.dma_semaphore, #tpu.memory_space<semaphore_mem>>) src(%arg5 : memref<632x128xf32, #tpu.memory_space<hbm>>) dst(%dma_wait3A_8 : memref<632x128xf32, #tpu.memory_space<vmem_shared>>)
      tpu.yield
    }) : () -> ()
    %barrier3A = arith.constant 0 : index
    tpu.barrier barrier_id(%barrier3A)
    %scan3A = arith.constant 0 : i32
    %scan3A_1 = arith.constant 0 : i32
    %scan3A_2 = arith.constant 10 : i32
    %scan3A_3 = arith.addi %scan3A_1, %scan3A_2 : i32
    %scan3A_4 = arith.constant 1 : i32
    scf.for %scan3A_7 = %scan3A_1 to %scan3A_3 step %scan3A_4  : i32 {
      %mul3A_8 = arith.constant 10 : i32
      %mul3A_9 = arith.muli %arg1, %mul3A_8 : i32
      %add3A = arith.addi %mul3A_9, %scan3A_7 : i32
      "tpu.region"() ({
        %run_scoped3A = tpu.sem_alloc : memref<!tpu.dma_semaphore, #tpu.memory_space<semaphore_mem>>
        %dma_start3A = arith.constant 0 : i32
        %dma_start3A_19 = arith.constant 0 : i32
        %dma_start3A_20 = tpu.memref_slice %arg3[%arg0, %add3A, %dma_start3A, %dma_start3A_19] : memref<2x160x8x128xi32, #tpu.memory_space<hbm>> -> memref<1x1x8x128xi32, #tpu.memory_space<hbm>>
        %dma_start3A_21 = tpu.memref_squeeze %dma_start3A_20 : memref<1x1x8x128xi32, #tpu.memory_space<hbm>> -> memref<8x128xi32, #tpu.memory_space<hbm>>
        %dma_start3A_22 = arith.constant 0 : i32
        %dma_start3A_23 = arith.constant 0 : i32
        %dma_start3A_24 = tpu.memref_slice %arg3[%arg0, %add3A, %dma_start3A_22, %dma_start3A_23] : memref<2x160x8x128xi32, #tpu.memory_space<hbm>> -> memref<1x1x8x128xi32, #tpu.memory_space<hbm>>
        %dma_start3A_25 = tpu.memref_squeeze %dma_start3A_24 : memref<1x1x8x128xi32, #tpu.memory_space<hbm>> -> memref<8x128xi32, #tpu.memory_space<hbm>>
        tpu.enqueue_dma source(%dma_start3A_25 : memref<8x128xi32, #tpu.memory_space<hbm>>) target(%arg8 : memref<8x128xi32, #tpu.memory_space<vmem>>) target_semaphore(%run_scoped3A : memref<!tpu.dma_semaphore, #tpu.memory_space<semaphore_mem>>)
        %dma_wait3A = arith.constant 0 : i32
        %dma_wait3A_26 = arith.constant 0 : i32
        %dma_wait3A_27 = tpu.memref_slice %arg3[%arg0, %add3A, %dma_wait3A, %dma_wait3A_26] : memref<2x160x8x128xi32, #tpu.memory_space<hbm>> -> memref<1x1x8x128xi32, #tpu.memory_space<hbm>>
        %dma_wait3A_28 = tpu.memref_squeeze %dma_wait3A_27 : memref<1x1x8x128xi32, #tpu.memory_space<hbm>> -> memref<8x128xi32, #tpu.memory_space<hbm>>
        %dma_wait3A_29 = arith.constant 0 : i32
        %dma_wait3A_30 = arith.constant 0 : i32
        %dma_wait3A_31 = tpu.memref_slice %arg3[%arg0, %add3A, %dma_wait3A_29, %dma_wait3A_30] : memref<2x160x8x128xi32, #tpu.memory_space<hbm>> -> memref<1x1x8x128xi32, #tpu.memory_space<hbm>>
        %dma_wait3A_32 = tpu.memref_squeeze %dma_wait3A_31 : memref<1x1x8x128xi32, #tpu.memory_space<hbm>> -> memref<8x128xi32, #tpu.memory_space<hbm>>
        tpu.wait_dma2 semaphore(%run_scoped3A : memref<!tpu.dma_semaphore, #tpu.memory_space<semaphore_mem>>) src(%dma_wait3A_32 : memref<8x128xi32, #tpu.memory_space<hbm>>) dst(%arg8 : memref<8x128xi32, #tpu.memory_space<vmem>>)
        tpu.yield
      }) : () -> ()
      %mul3A_10 = arith.constant 10 : i32
      %mul3A_11 = arith.muli %arg1, %mul3A_10 : i32
      %add3A_12 = arith.addi %mul3A_11, %scan3A_7 : i32
      "tpu.region"() ({
        %run_scoped3A = tpu.sem_alloc : memref<!tpu.dma_semaphore, #tpu.memory_space<semaphore_mem>>
        %dma_start3A = arith.constant 0 : i32
        %dma_start3A_19 = arith.constant 0 : i32
        %dma_start3A_20 = tpu.memref_slice %arg4[%add3A_12, %dma_start3A, %dma_start3A_19] : memref<160x8x128xi32, #tpu.memory_space<hbm>> -> memref<1x8x128xi32, #tpu.memory_space<hbm>>
        %dma_start3A_21 = tpu.memref_squeeze %dma_start3A_20 : memref<1x8x128xi32, #tpu.memory_space<hbm>> -> memref<8x128xi32, #tpu.memory_space<hbm>>
        %dma_start3A_22 = arith.constant 0 : i32
        %dma_start3A_23 = arith.constant 0 : i32
        %dma_start3A_24 = tpu.memref_slice %arg4[%add3A_12, %dma_start3A_22, %dma_start3A_23] : memref<160x8x128xi32, #tpu.memory_space<hbm>> -> memref<1x8x128xi32, #tpu.memory_space<hbm>>
        %dma_start3A_25 = tpu.memref_squeeze %dma_start3A_24 : memref<1x8x128xi32, #tpu.memory_space<hbm>> -> memref<8x128xi32, #tpu.memory_space<hbm>>
        tpu.enqueue_dma source(%dma_start3A_25 : memref<8x128xi32, #tpu.memory_space<hbm>>) target(%arg9 : memref<8x128xi32, #tpu.memory_space<vmem>>) target_semaphore(%run_scoped3A : memref<!tpu.dma_semaphore, #tpu.memory_space<semaphore_mem>>)
        %dma_wait3A = arith.constant 0 : i32
        %dma_wait3A_26 = arith.constant 0 : i32
        %dma_wait3A_27 = tpu.memref_slice %arg4[%add3A_12, %dma_wait3A, %dma_wait3A_26] : memref<160x8x128xi32, #tpu.memory_space<hbm>> -> memref<1x8x128xi32, #tpu.memory_space<hbm>>
        %dma_wait3A_28 = tpu.memref_squeeze %dma_wait3A_27 : memref<1x8x128xi32, #tpu.memory_space<hbm>> -> memref<8x128xi32, #tpu.memory_space<hbm>>
        %dma_wait3A_29 = arith.constant 0 : i32
        %dma_wait3A_30 = arith.constant 0 : i32
        %dma_wait3A_31 = tpu.memref_slice %arg4[%add3A_12, %dma_wait3A_29, %dma_wait3A_30] : memref<160x8x128xi32, #tpu.memory_space<hbm>> -> memref<1x8x128xi32, #tpu.memory_space<hbm>>
        %dma_wait3A_32 = tpu.memref_squeeze %dma_wait3A_31 : memref<1x8x128xi32, #tpu.memory_space<hbm>> -> memref<8x128xi32, #tpu.memory_space<hbm>>
        tpu.wait_dma2 semaphore(%run_scoped3A : memref<!tpu.dma_semaphore, #tpu.memory_space<semaphore_mem>>) src(%dma_wait3A_32 : memref<8x128xi32, #tpu.memory_space<hbm>>) dst(%arg9 : memref<8x128xi32, #tpu.memory_space<vmem>>)
        tpu.yield
      }) : () -> ()
      %scan3A_13 = arith.constant 0 : i32
      %scan3A_14 = arith.constant 0 : i32
      %scan3A_15 = arith.constant 4 : i32
      %scan3A_16 = arith.addi %scan3A_14, %scan3A_15 : i32
      %scan3A_17 = arith.constant 1 : i32
      scf.for %scan3A_19 = %scan3A_14 to %scan3A_16 step %scan3A_17  : i32 {
        %mul3A_20 = arith.constant 2 : i32
        %mul3A_21 = arith.muli %mul3A_20, %scan3A_19 : i32
        %dma_start3A = arith.constant 0 : i32
        %dma_start3A_22 = arith.constant 0 : i32
        %dma_start3A_23 = tpu.memref_slice %arg10[%dma_start3A, %dma_start3A_22] : memref<256x128xf32, #tpu.memory_space<vmem>> -> memref<128x128xf32, #tpu.memory_space<vmem>>
        %dma_start3A_24 = arith.constant 0 : i32
        %dma_start3A_25 = tpu.memref_slice %arg8[%mul3A_21, %dma_start3A_24] : memref<8x128xi32, #tpu.memory_space<vmem>> -> memref<1x128xi32, #tpu.memory_space<vmem>>
        %dma_start3A_26 = tpu.memref_squeeze %dma_start3A_25 : memref<1x128xi32, #tpu.memory_space<vmem>> -> memref<128xi32, #tpu.memory_space<vmem>>
        %dma_start3A_27 = arith.constant 0 : i32
        %dma_start3A_28 = arith.constant 0 : i32
        %dma_start3A_29 = tpu.memref_slice %arg2[%dma_start3A_27, %dma_start3A_28] : memref<20000x128xf32, #tpu.memory_space<hbm>> -> memref<20000x128xf32, #tpu.memory_space<hbm>>
        tpu.enqueue_indirect_dma source(%dma_start3A_29 : memref<20000x128xf32, #tpu.memory_space<hbm>>) target(%dma_start3A_23 : memref<128x128xf32, #tpu.memory_space<vmem>>) offsets(%dma_start3A_26 : memref<128xi32, #tpu.memory_space<vmem>>) semaphore(%arg11 : memref<!tpu.dma_semaphore, #tpu.memory_space<semaphore_mem>>)
        %add3A_30 = arith.constant 1 : i32
        %add3A_31 = arith.addi %mul3A_21, %add3A_30 : i32
        %dma_start3A_32 = arith.constant 128 : i32
        %dma_start3A_33 = arith.constant 0 : i32
        %dma_start3A_34 = tpu.memref_slice %arg10[%dma_start3A_32, %dma_start3A_33] : memref<256x128xf32, #tpu.memory_space<vmem>> -> memref<128x128xf32, #tpu.memory_space<vmem>>
        %dma_start3A_35 = arith.constant 0 : i32
        %dma_start3A_36 = tpu.memref_slice %arg8[%add3A_31, %dma_start3A_35] : memref<8x128xi32, #tpu.memory_space<vmem>> -> memref<1x128xi32, #tpu.memory_space<vmem>>
        %dma_start3A_37 = tpu.memref_squeeze %dma_start3A_36 : memref<1x128xi32, #tpu.memory_space<vmem>> -> memref<128xi32, #tpu.memory_space<vmem>>
        %dma_start3A_38 = arith.constant 0 : i32
        %dma_start3A_39 = arith.constant 0 : i32
        %dma_start3A_40 = tpu.memref_slice %arg2[%dma_start3A_38, %dma_start3A_39] : memref<20000x128xf32, #tpu.memory_space<hbm>> -> memref<20000x128xf32, #tpu.memory_space<hbm>>
        tpu.enqueue_indirect_dma source(%dma_start3A_40 : memref<20000x128xf32, #tpu.memory_space<hbm>>) target(%dma_start3A_34 : memref<128x128xf32, #tpu.memory_space<vmem>>) offsets(%dma_start3A_37 : memref<128xi32, #tpu.memory_space<vmem>>) semaphore(%arg11 : memref<!tpu.dma_semaphore, #tpu.memory_space<semaphore_mem>>)
        %dma_wait3A = arith.constant 0 : i32
        %dma_wait3A_41 = arith.constant 0 : i32
        %dma_wait3A_42 = tpu.memref_slice %arg10[%dma_wait3A, %dma_wait3A_41] : memref<256x128xf32, #tpu.memory_space<vmem>> -> memref<128x128xf32, #tpu.memory_space<vmem>>
        %dma_wait3A_43 = arith.constant 0 : i32
        %dma_wait3A_44 = tpu.memref_slice %arg8[%mul3A_21, %dma_wait3A_43] : memref<8x128xi32, #tpu.memory_space<vmem>> -> memref<1x128xi32, #tpu.memory_space<vmem>>
        %dma_wait3A_45 = tpu.memref_squeeze %dma_wait3A_44 : memref<1x128xi32, #tpu.memory_space<vmem>> -> memref<128xi32, #tpu.memory_space<vmem>>
        %dma_wait3A_46 = arith.constant 0 : i32
        %dma_wait3A_47 = arith.constant 0 : i32
        %dma_wait3A_48 = tpu.memref_slice %arg2[%dma_wait3A_46, %dma_wait3A_47] : memref<20000x128xf32, #tpu.memory_space<hbm>> -> memref<20000x128xf32, #tpu.memory_space<hbm>>
        tpu.wait_indirect_dma semaphore(%arg11 : memref<!tpu.dma_semaphore, #tpu.memory_space<semaphore_mem>>) src(%dma_wait3A_48 : memref<20000x128xf32, #tpu.memory_space<hbm>>) dst(%dma_wait3A_42 : memref<128x128xf32, #tpu.memory_space<vmem>>)
        "tpu.region"() ({
          %run_scoped3A = tpu.sem_alloc : memref<!tpu.dma_semaphore, #tpu.memory_space<semaphore_mem>>
          %dma_start3A_60 = arith.constant 0 : i32
          %dma_start3A_61 = arith.constant 0 : i32
          %dma_start3A_62 = tpu.memref_slice %arg10[%dma_start3A_60, %dma_start3A_61] : memref<256x128xf32, #tpu.memory_space<vmem>> -> memref<128x128xf32, #tpu.memory_space<vmem>>
          %dma_start3A_63 = arith.constant 0 : i32
          %dma_start3A_64 = tpu.memref_slice %arg9[%mul3A_21, %dma_start3A_63] : memref<8x128xi32, #tpu.memory_space<vmem>> -> memref<1x128xi32, #tpu.memory_space<vmem>>
          %dma_start3A_65 = tpu.memref_squeeze %dma_start3A_64 : memref<1x128xi32, #tpu.memory_space<vmem>> -> memref<128xi32, #tpu.memory_space<vmem>>
          %dma_start3A_66 = arith.constant 0 : i32
          %dma_start3A_67 = arith.constant 0 : i32
          %dma_start3A_68 = tpu.memref_slice %arg7[%dma_start3A_66, %dma_start3A_67] : memref<10112x128xf32, #tpu.memory_space<vmem_shared>> -> memref<10112x128xf32, #tpu.memory_space<vmem_shared>>
          tpu.enqueue_indirect_dma source(%dma_start3A_62 : memref<128x128xf32, #tpu.memory_space<vmem>>) target(%dma_start3A_68 : memref<10112x128xf32, #tpu.memory_space<vmem_shared>>) offsets(%dma_start3A_65 : memref<128xi32, #tpu.memory_space<vmem>>) semaphore(%run_scoped3A : memref<!tpu.dma_semaphore, #tpu.memory_space<semaphore_mem>>) {add = true}
          %dma_wait3A_69 = arith.constant 0 : i32
          %dma_wait3A_70 = arith.constant 0 : i32
          %dma_wait3A_71 = tpu.memref_slice %arg10[%dma_wait3A_69, %dma_wait3A_70] : memref<256x128xf32, #tpu.memory_space<vmem>> -> memref<128x128xf32, #tpu.memory_space<vmem>>
          %dma_wait3A_72 = arith.constant 0 : i32
          %dma_wait3A_73 = tpu.memref_slice %arg9[%mul3A_21, %dma_wait3A_72] : memref<8x128xi32, #tpu.memory_space<vmem>> -> memref<1x128xi32, #tpu.memory_space<vmem>>
          %dma_wait3A_74 = tpu.memref_squeeze %dma_wait3A_73 : memref<1x128xi32, #tpu.memory_space<vmem>> -> memref<128xi32, #tpu.memory_space<vmem>>
          %dma_wait3A_75 = arith.constant 0 : i32
          %dma_wait3A_76 = arith.constant 0 : i32
          %dma_wait3A_77 = tpu.memref_slice %arg7[%dma_wait3A_75, %dma_wait3A_76] : memref<10112x128xf32, #tpu.memory_space<vmem_shared>> -> memref<10112x128xf32, #tpu.memory_space<vmem_shared>>
          tpu.wait_indirect_dma semaphore(%run_scoped3A : memref<!tpu.dma_semaphore, #tpu.memory_space<semaphore_mem>>) src(%dma_wait3A_71 : memref<128x128xf32, #tpu.memory_space<vmem>>) dst(%dma_wait3A_77 : memref<10112x128xf32, #tpu.memory_space<vmem_shared>>)
          tpu.yield
        }) : () -> ()
        %dma_wait3A_49 = arith.constant 128 : i32
        %dma_wait3A_50 = arith.constant 0 : i32
        %dma_wait3A_51 = tpu.memref_slice %arg10[%dma_wait3A_49, %dma_wait3A_50] : memref<256x128xf32, #tpu.memory_space<vmem>> -> memref<128x128xf32, #tpu.memory_space<vmem>>
        %dma_wait3A_52 = arith.constant 0 : i32
        %dma_wait3A_53 = tpu.memref_slice %arg8[%add3A_31, %dma_wait3A_52] : memref<8x128xi32, #tpu.memory_space<vmem>> -> memref<1x128xi32, #tpu.memory_space<vmem>>
        %dma_wait3A_54 = tpu.memref_squeeze %dma_wait3A_53 : memref<1x128xi32, #tpu.memory_space<vmem>> -> memref<128xi32, #tpu.memory_space<vmem>>
        %dma_wait3A_55 = arith.constant 0 : i32
        %dma_wait3A_56 = arith.constant 0 : i32
        %dma_wait3A_57 = tpu.memref_slice %arg2[%dma_wait3A_55, %dma_wait3A_56] : memref<20000x128xf32, #tpu.memory_space<hbm>> -> memref<20000x128xf32, #tpu.memory_space<hbm>>
        tpu.wait_indirect_dma semaphore(%arg11 : memref<!tpu.dma_semaphore, #tpu.memory_space<semaphore_mem>>) src(%dma_wait3A_57 : memref<20000x128xf32, #tpu.memory_space<hbm>>) dst(%dma_wait3A_51 : memref<128x128xf32, #tpu.memory_space<vmem>>)
        %add3A_58 = arith.constant 1 : i32
        %add3A_59 = arith.addi %mul3A_21, %add3A_58 : i32
        "tpu.region"() ({
          %run_scoped3A = tpu.sem_alloc : memref<!tpu.dma_semaphore, #tpu.memory_space<semaphore_mem>>
          %dma_start3A_60 = arith.constant 128 : i32
          %dma_start3A_61 = arith.constant 0 : i32
          %dma_start3A_62 = tpu.memref_slice %arg10[%dma_start3A_60, %dma_start3A_61] : memref<256x128xf32, #tpu.memory_space<vmem>> -> memref<128x128xf32, #tpu.memory_space<vmem>>
          %dma_start3A_63 = arith.constant 0 : i32
          %dma_start3A_64 = tpu.memref_slice %arg9[%add3A_59, %dma_start3A_63] : memref<8x128xi32, #tpu.memory_space<vmem>> -> memref<1x128xi32, #tpu.memory_space<vmem>>
          %dma_start3A_65 = tpu.memref_squeeze %dma_start3A_64 : memref<1x128xi32, #tpu.memory_space<vmem>> -> memref<128xi32, #tpu.memory_space<vmem>>
          %dma_start3A_66 = arith.constant 0 : i32
          %dma_start3A_67 = arith.constant 0 : i32
          %dma_start3A_68 = tpu.memref_slice %arg7[%dma_start3A_66, %dma_start3A_67] : memref<10112x128xf32, #tpu.memory_space<vmem_shared>> -> memref<10112x128xf32, #tpu.memory_space<vmem_shared>>
          tpu.enqueue_indirect_dma source(%dma_start3A_62 : memref<128x128xf32, #tpu.memory_space<vmem>>) target(%dma_start3A_68 : memref<10112x128xf32, #tpu.memory_space<vmem_shared>>) offsets(%dma_start3A_65 : memref<128xi32, #tpu.memory_space<vmem>>) semaphore(%run_scoped3A : memref<!tpu.dma_semaphore, #tpu.memory_space<semaphore_mem>>) {add = true}
          %dma_wait3A_69 = arith.constant 128 : i32
          %dma_wait3A_70 = arith.constant 0 : i32
          %dma_wait3A_71 = tpu.memref_slice %arg10[%dma_wait3A_69, %dma_wait3A_70] : memref<256x128xf32, #tpu.memory_space<vmem>> -> memref<128x128xf32, #tpu.memory_space<vmem>>
          %dma_wait3A_72 = arith.constant 0 : i32
          %dma_wait3A_73 = tpu.memref_slice %arg9[%add3A_59, %dma_wait3A_72] : memref<8x128xi32, #tpu.memory_space<vmem>> -> memref<1x128xi32, #tpu.memory_space<vmem>>
          %dma_wait3A_74 = tpu.memref_squeeze %dma_wait3A_73 : memref<1x128xi32, #tpu.memory_space<vmem>> -> memref<128xi32, #tpu.memory_space<vmem>>
          %dma_wait3A_75 = arith.constant 0 : i32
          %dma_wait3A_76 = arith.constant 0 : i32
          %dma_wait3A_77 = tpu.memref_slice %arg7[%dma_wait3A_75, %dma_wait3A_76] : memref<10112x128xf32, #tpu.memory_space<vmem_shared>> -> memref<10112x128xf32, #tpu.memory_space<vmem_shared>>
          tpu.wait_indirect_dma semaphore(%run_scoped3A : memref<!tpu.dma_semaphore, #tpu.memory_space<semaphore_mem>>) src(%dma_wait3A_71 : memref<128x128xf32, #tpu.memory_space<vmem>>) dst(%dma_wait3A_77 : memref<10112x128xf32, #tpu.memory_space<vmem_shared>>)
          tpu.yield
        }) : () -> ()
      }
      %scan3A_18 = arith.constant 4 : i32
    }
    %scan3A_5 = arith.constant 10 : i32
    %barrier3A_6 = arith.constant 0 : index
    tpu.barrier barrier_id(%barrier3A_6)
    "tpu.region"() ({
      %run_scoped3A = tpu.sem_alloc : memref<!tpu.dma_semaphore, #tpu.memory_space<semaphore_mem>>
      %dma_start3A = arith.constant 0 : i32
      %dma_start3A_7 = tpu.memref_slice %arg6[%arg0, %mul3A_0, %dma_start3A] : memref<2x10112x128xf32, #tpu.memory_space<hbm>> -> memref<1x632x128xf32, #tpu.memory_space<hbm>>
      %dma_start3A_8 = tpu.memref_squeeze %dma_start3A_7 : memref<1x632x128xf32, #tpu.memory_space<hbm>> -> memref<632x128xf32, #tpu.memory_space<hbm>>
      %dma_start3A_9 = arith.constant 0 : i32
      %dma_start3A_10 = tpu.memref_slice %arg7[%mul3A_0, %dma_start3A_9] : memref<10112x128xf32, #tpu.memory_space<vmem_shared>> -> memref<632x128xf32, #tpu.memory_space<vmem_shared>>
      tpu.enqueue_dma source(%dma_start3A_10 : memref<632x128xf32, #tpu.memory_space<vmem_shared>>) target(%dma_start3A_8 : memref<632x128xf32, #tpu.memory_space<hbm>>) target_semaphore(%run_scoped3A : memref<!tpu.dma_semaphore, #tpu.memory_space<semaphore_mem>>)
      %dma_wait3A = arith.constant 0 : i32
      %dma_wait3A_11 = tpu.memref_slice %arg6[%arg0, %mul3A_0, %dma_wait3A] : memref<2x10112x128xf32, #tpu.memory_space<hbm>> -> memref<1x632x128xf32, #tpu.memory_space<hbm>>
      %dma_wait3A_12 = tpu.memref_squeeze %dma_wait3A_11 : memref<1x632x128xf32, #tpu.memory_space<hbm>> -> memref<632x128xf32, #tpu.memory_space<hbm>>
      %dma_wait3A_13 = arith.constant 0 : i32
      %dma_wait3A_14 = tpu.memref_slice %arg7[%mul3A_0, %dma_wait3A_13] : memref<10112x128xf32, #tpu.memory_space<vmem_shared>> -> memref<632x128xf32, #tpu.memory_space<vmem_shared>>
      tpu.wait_dma2 semaphore(%run_scoped3A : memref<!tpu.dma_semaphore, #tpu.memory_space<semaphore_mem>>) src(%dma_wait3A_14 : memref<632x128xf32, #tpu.memory_space<vmem_shared>>) dst(%dma_wait3A_12 : memref<632x128xf32, #tpu.memory_space<hbm>>)
      tpu.yield
    }) : () -> ()
    return
  }
}

module attributes {stable_mosaic.version = 14 : i64} {
  func.func @_tc_body(%arg0: i32, %arg1: memref<2x400x128xf32, #tpu.memory_space<vmem>>, %arg2: memref<2x400x128xf32, #tpu.memory_space<vmem>>, %arg3: memref<2x400x128xf32, #tpu.memory_space<vmem>>, %arg4: memref<256x256xf32, #tpu.memory_space<vmem>>, %arg5: memref<256x256xf32, #tpu.memory_space<vmem>>, %arg6: memref<1x256xf32, #tpu.memory_space<vmem>>, %arg7: memref<2x400x128xf32, #tpu.memory_space<vmem>>) attributes {dimension_semantics = [#tpu.dimension_semantics<arbitrary>], iteration_bounds = array<i64: 25>, scalar_prefetch = 0 : i64, scratch_operands = 0 : i64, tpu.core_type = #tpu.core_type<tc>, window_params = [{transform_indices = @transform_0, window_bounds = array<i64: 2, 400, 128>}, {transform_indices = @transform_1, window_bounds = array<i64: 2, 400, 128>}, {transform_indices = @transform_2, window_bounds = array<i64: 2, 400, 128>}, {pipeline_mode = #tpu.pipeline_mode<synchronous>, transform_indices = @transform_3, window_bounds = array<i64: 256, 256>}, {pipeline_mode = #tpu.pipeline_mode<synchronous>, transform_indices = @transform_4, window_bounds = array<i64: 256, 256>}, {pipeline_mode = #tpu.pipeline_mode<synchronous>, transform_indices = @transform_5, window_bounds = array<i64: 1, 256>}, {transform_indices = @transform_6, window_bounds = array<i64: 2, 400, 128>}]} {
    %get3A = arith.constant 0 : index
    %get3A_0 = arith.constant 0 : index
    %get3A_1 = arith.constant 0 : index
    %get3A_2 = vector.load %arg1[%get3A, %get3A_0, %get3A_1] : memref<2x400x128xf32, #tpu.memory_space<vmem>>, vector<1x400x128xf32>
    %get3A_3 = vector.shape_cast %get3A_2 : vector<1x400x128xf32> to vector<400x128xf32>
    %get3A_4 = arith.constant 1 : index
    %get3A_5 = arith.constant 0 : index
    %get3A_6 = arith.constant 0 : index
    %get3A_7 = vector.load %arg1[%get3A_4, %get3A_5, %get3A_6] : memref<2x400x128xf32, #tpu.memory_space<vmem>>, vector<1x400x128xf32>
    %get3A_8 = vector.shape_cast %get3A_7 : vector<1x400x128xf32> to vector<400x128xf32>
    %concatenate3A = tpu.concatenate %get3A_3, %get3A_8 in 1 : vector<400x128xf32>, vector<400x128xf32> -> vector<400x256xf32>
    %get3A_9 = arith.constant 0 : index
    %get3A_10 = arith.constant 0 : index
    %get3A_11 = arith.constant 0 : index
    %get3A_12 = vector.load %arg2[%get3A_9, %get3A_10, %get3A_11] : memref<2x400x128xf32, #tpu.memory_space<vmem>>, vector<1x400x128xf32>
    %get3A_13 = vector.shape_cast %get3A_12 : vector<1x400x128xf32> to vector<400x128xf32>
    %slice3A = vector.extract_strided_slice %get3A_13 {offsets = [0, 0], sizes = [400, 1], strides = [1, 1]} : vector<400x128xf32> to vector<400x1xf32>
    %get3A_14 = arith.constant 1 : index
    %get3A_15 = arith.constant 0 : index
    %get3A_16 = arith.constant 0 : index
    %get3A_17 = vector.load %arg2[%get3A_14, %get3A_15, %get3A_16] : memref<2x400x128xf32, #tpu.memory_space<vmem>>, vector<1x400x128xf32>
    %get3A_18 = vector.shape_cast %get3A_17 : vector<1x400x128xf32> to vector<400x128xf32>
    %slice3A_19 = vector.extract_strided_slice %get3A_18 {offsets = [0, 0], sizes = [400, 1], strides = [1, 1]} : vector<400x128xf32> to vector<400x1xf32>
    %add3A = arith.addf %slice3A, %slice3A_19 : vector<400x1xf32>
    %max3A = arith.constant 1.000000e+00 : f32
    %max3A_20 = vector.broadcast %max3A : f32 to vector<400x1xf32>
    %max3A_21 = arith.maximumf %add3A, %max3A_20 : vector<400x1xf32>
    %div3A = arith.constant 1.000000e+00 : f32
    %div3A_22 = vector.broadcast %div3A : f32 to vector<400x1xf32>
    %div3A_23 = arith.divf %div3A_22, %max3A_21 : vector<400x1xf32>
    %get3A_24 = arith.constant 0 : index
    %get3A_25 = arith.constant 0 : index
    %get3A_26 = arith.constant 0 : index
    %get3A_27 = vector.load %arg3[%get3A_24, %get3A_25, %get3A_26] : memref<2x400x128xf32, #tpu.memory_space<vmem>>, vector<1x400x128xf32>
    %get3A_28 = vector.shape_cast %get3A_27 : vector<1x400x128xf32> to vector<400x128xf32>
    %get3A_29 = arith.constant 1 : index
    %get3A_30 = arith.constant 0 : index
    %get3A_31 = arith.constant 0 : index
    %get3A_32 = vector.load %arg3[%get3A_29, %get3A_30, %get3A_31] : memref<2x400x128xf32, #tpu.memory_space<vmem>>, vector<1x400x128xf32>
    %get3A_33 = vector.shape_cast %get3A_32 : vector<1x400x128xf32> to vector<400x128xf32>
    %concatenate3A_34 = tpu.concatenate %get3A_28, %get3A_33 in 1 : vector<400x128xf32>, vector<400x128xf32> -> vector<400x256xf32>
    %mul3A = vector.broadcast %div3A_23 : vector<400x1xf32> to vector<400x256xf32>
    %mul3A_35 = arith.mulf %concatenate3A, %mul3A : vector<400x256xf32>
    %get3A_36 = arith.constant 0 : index
    %get3A_37 = arith.constant 0 : index
    %get3A_38 = vector.load %arg4[%get3A_36, %get3A_37] : memref<256x256xf32, #tpu.memory_space<vmem>>, vector<256x256xf32>
    %dot_general3A = arith.constant dense<0.000000e+00> : vector<400x256xf32>
    %dot_general3A_39 = tpu.matmul %mul3A_35, %get3A_38, %dot_general3A {dimension_numbers = #tpu.dot_dimension_numbers<[1], [0], [0], [1], [0, 0, 1, 1], [], []>, transpose_lhs_hint = false} : vector<400x256xf32>, vector<256x256xf32>, vector<400x256xf32> -> vector<400x256xf32>
    %get3A_40 = arith.constant 0 : index
    %get3A_41 = arith.constant 0 : index
    %get3A_42 = vector.load %arg5[%get3A_40, %get3A_41] : memref<256x256xf32, #tpu.memory_space<vmem>>, vector<256x256xf32>
    %dot_general3A_43 = arith.constant dense<0.000000e+00> : vector<400x256xf32>
    %dot_general3A_44 = tpu.matmul %concatenate3A_34, %get3A_42, %dot_general3A_43 {dimension_numbers = #tpu.dot_dimension_numbers<[1], [0], [0], [1], [0, 0, 1, 1], [], []>, transpose_lhs_hint = false} : vector<400x256xf32>, vector<256x256xf32>, vector<400x256xf32> -> vector<400x256xf32>
    %add3A_45 = arith.addf %dot_general3A_39, %dot_general3A_44 : vector<400x256xf32>
    %get3A_46 = arith.constant 0 : index
    %get3A_47 = arith.constant 0 : index
    %get3A_48 = vector.load %arg6[%get3A_46, %get3A_47] : memref<1x256xf32, #tpu.memory_space<vmem>>, vector<1x256xf32>
    %add3A_49 = vector.broadcast %get3A_48 : vector<1x256xf32> to vector<400x256xf32>
    %add3A_50 = arith.addf %add3A_45, %add3A_49 : vector<400x256xf32>
    %gt3A = arith.constant 0.000000e+00 : f32
    %gt3A_51 = vector.broadcast %gt3A : f32 to vector<400x256xf32>
    %gt3A_52 = arith.cmpf ogt, %add3A_50, %gt3A_51 : vector<400x256xf32>
    %min3A = arith.constant 0.000000e+00 : f32
    %min3A_53 = vector.broadcast %min3A : f32 to vector<400x256xf32>
    %min3A_54 = arith.minimumf %add3A_50, %min3A_53 : vector<400x256xf32>
    %exp3A = math.exp %min3A_54 : vector<400x256xf32>
    %sub3A = arith.constant 1.000000e+00 : f32
    %sub3A_55 = vector.broadcast %sub3A : f32 to vector<400x256xf32>
    %sub3A_56 = arith.subf %exp3A, %sub3A_55 : vector<400x256xf32>
    %select_n3A = arith.select %gt3A_52, %add3A_50, %sub3A_56 : vector<400x256xi1>, vector<400x256xf32>
    %slice3A_57 = vector.extract_strided_slice %select_n3A {offsets = [0, 0], sizes = [400, 128], strides = [1, 1]} : vector<400x256xf32> to vector<400x128xf32>
    %swap3A = arith.constant 0 : index
    %swap3A_58 = arith.constant 0 : index
    %swap3A_59 = arith.constant 0 : index
    %swap3A_60 = vector.load %arg7[%swap3A, %swap3A_58, %swap3A_59] : memref<2x400x128xf32, #tpu.memory_space<vmem>>, vector<1x400x128xf32>
    %swap3A_61 = vector.shape_cast %swap3A_60 : vector<1x400x128xf32> to vector<400x128xf32>
    %swap3A_62 = vector.shape_cast %slice3A_57 : vector<400x128xf32> to vector<1x400x128xf32>
    tpu.vector_store %arg7[%swap3A, %swap3A_58, %swap3A_59], %swap3A_62 {strides = array<i32>} : memref<2x400x128xf32, #tpu.memory_space<vmem>>, vector<1x400x128xf32>,
    %slice3A_63 = vector.extract_strided_slice %select_n3A {offsets = [0, 128], sizes = [400, 128], strides = [1, 1]} : vector<400x256xf32> to vector<400x128xf32>
    %swap3A_64 = arith.constant 1 : index
    %swap3A_65 = arith.constant 0 : index
    %swap3A_66 = arith.constant 0 : index
    %swap3A_67 = vector.load %arg7[%swap3A_64, %swap3A_65, %swap3A_66] : memref<2x400x128xf32, #tpu.memory_space<vmem>>, vector<1x400x128xf32>
    %swap3A_68 = vector.shape_cast %swap3A_67 : vector<1x400x128xf32> to vector<400x128xf32>
    %swap3A_69 = vector.shape_cast %slice3A_63 : vector<400x128xf32> to vector<1x400x128xf32>
    tpu.vector_store %arg7[%swap3A_64, %swap3A_65, %swap3A_66], %swap3A_69 {strides = array<i32>} : memref<2x400x128xf32, #tpu.memory_space<vmem>>, vector<1x400x128xf32>,
    return
  }
  func.func @transform_0(%arg0: i32) -> (i32, i32, i32) {
    %c0_i32 = arith.constant 0 : i32
    %c0_i32_0 = arith.constant 0 : i32
    %c0_i32_1 = arith.constant 0 : i32
    return %c0_i32, %arg0, %c0_i32_0 : i32, i32, i32
  }
  func.func @transform_1(%arg0: i32) -> (i32, i32, i32) {
    %c0_i32 = arith.constant 0 : i32
    %c0_i32_0 = arith.constant 0 : i32
    %c0_i32_1 = arith.constant 0 : i32
    return %c0_i32, %arg0, %c0_i32_0 : i32, i32, i32
  }
  func.func @transform_2(%arg0: i32) -> (i32, i32, i32) {
    %c0_i32 = arith.constant 0 : i32
    %c0_i32_0 = arith.constant 0 : i32
    %c0_i32_1 = arith.constant 0 : i32
    return %c0_i32, %arg0, %c0_i32_0 : i32, i32, i32
  }
  func.func @transform_3(%arg0: i32) -> (i32, i32) {
    %c0_i32 = arith.constant 0 : i32
    %c0_i32_0 = arith.constant 0 : i32
    %c0_i32_1 = arith.constant 0 : i32
    return %c0_i32, %c0_i32_0 : i32, i32
  }
  func.func @transform_4(%arg0: i32) -> (i32, i32) {
    %c0_i32 = arith.constant 0 : i32
    %c0_i32_0 = arith.constant 0 : i32
    %c0_i32_1 = arith.constant 0 : i32
    return %c0_i32, %c0_i32_0 : i32, i32
  }
  func.func @transform_5(%arg0: i32) -> (i32, i32) {
    %c0_i32 = arith.constant 0 : i32
    %c0_i32_0 = arith.constant 0 : i32
    %c0_i32_1 = arith.constant 0 : i32
    return %c0_i32, %c0_i32_0 : i32, i32
  }
  func.func @transform_6(%arg0: i32) -> (i32, i32, i32) {
    %c0_i32 = arith.constant 0 : i32
    %c0_i32_0 = arith.constant 0 : i32
    %c0_i32_1 = arith.constant 0 : i32
    return %c0_i32, %arg0, %c0_i32_0 : i32, i32, i32
  }
}

module attributes {stable_mosaic.version = 14 : i64} {
  func.func @_tc_body(%arg0: i32, %arg1: memref<2x400x128xf32, #tpu.memory_space<vmem>>, %arg2: memref<2x400x128xf32, #tpu.memory_space<vmem>>, %arg3: memref<2x400x128xf32, #tpu.memory_space<vmem>>, %arg4: memref<256x256xf32, #tpu.memory_space<vmem>>, %arg5: memref<256x256xf32, #tpu.memory_space<vmem>>, %arg6: memref<1x256xf32, #tpu.memory_space<vmem>>, %arg7: memref<400x256xf32, #tpu.memory_space<vmem>>) attributes {dimension_semantics = [#tpu.dimension_semantics<arbitrary>], iteration_bounds = array<i64: 25>, scalar_prefetch = 0 : i64, scratch_operands = 0 : i64, tpu.core_type = #tpu.core_type<tc>, window_params = [{transform_indices = @transform_0, window_bounds = array<i64: 2, 400, 128>}, {transform_indices = @transform_1, window_bounds = array<i64: 2, 400, 128>}, {transform_indices = @transform_2, window_bounds = array<i64: 2, 400, 128>}, {pipeline_mode = #tpu.pipeline_mode<synchronous>, transform_indices = @transform_3, window_bounds = array<i64: 256, 256>}, {pipeline_mode = #tpu.pipeline_mode<synchronous>, transform_indices = @transform_4, window_bounds = array<i64: 256, 256>}, {pipeline_mode = #tpu.pipeline_mode<synchronous>, transform_indices = @transform_5, window_bounds = array<i64: 1, 256>}, {transform_indices = @transform_6, window_bounds = array<i64: 400, 256>}]} {
    %get3A = arith.constant 0 : index
    %get3A_0 = arith.constant 0 : index
    %get3A_1 = arith.constant 0 : index
    %get3A_2 = vector.load %arg1[%get3A, %get3A_0, %get3A_1] : memref<2x400x128xf32, #tpu.memory_space<vmem>>, vector<1x400x128xf32>
    %get3A_3 = vector.shape_cast %get3A_2 : vector<1x400x128xf32> to vector<400x128xf32>
    %get3A_4 = arith.constant 1 : index
    %get3A_5 = arith.constant 0 : index
    %get3A_6 = arith.constant 0 : index
    %get3A_7 = vector.load %arg1[%get3A_4, %get3A_5, %get3A_6] : memref<2x400x128xf32, #tpu.memory_space<vmem>>, vector<1x400x128xf32>
    %get3A_8 = vector.shape_cast %get3A_7 : vector<1x400x128xf32> to vector<400x128xf32>
    %concatenate3A = tpu.concatenate %get3A_3, %get3A_8 in 1 : vector<400x128xf32>, vector<400x128xf32> -> vector<400x256xf32>
    %get3A_9 = arith.constant 0 : index
    %get3A_10 = arith.constant 0 : index
    %get3A_11 = arith.constant 0 : index
    %get3A_12 = vector.load %arg2[%get3A_9, %get3A_10, %get3A_11] : memref<2x400x128xf32, #tpu.memory_space<vmem>>, vector<1x400x128xf32>
    %get3A_13 = vector.shape_cast %get3A_12 : vector<1x400x128xf32> to vector<400x128xf32>
    %slice3A = vector.extract_strided_slice %get3A_13 {offsets = [0, 0], sizes = [400, 1], strides = [1, 1]} : vector<400x128xf32> to vector<400x1xf32>
    %get3A_14 = arith.constant 1 : index
    %get3A_15 = arith.constant 0 : index
    %get3A_16 = arith.constant 0 : index
    %get3A_17 = vector.load %arg2[%get3A_14, %get3A_15, %get3A_16] : memref<2x400x128xf32, #tpu.memory_space<vmem>>, vector<1x400x128xf32>
    %get3A_18 = vector.shape_cast %get3A_17 : vector<1x400x128xf32> to vector<400x128xf32>
    %slice3A_19 = vector.extract_strided_slice %get3A_18 {offsets = [0, 0], sizes = [400, 1], strides = [1, 1]} : vector<400x128xf32> to vector<400x1xf32>
    %add3A = arith.addf %slice3A, %slice3A_19 : vector<400x1xf32>
    %max3A = arith.constant 1.000000e+00 : f32
    %max3A_20 = vector.broadcast %max3A : f32 to vector<400x1xf32>
    %max3A_21 = arith.maximumf %add3A, %max3A_20 : vector<400x1xf32>
    %div3A = arith.constant 1.000000e+00 : f32
    %div3A_22 = vector.broadcast %div3A : f32 to vector<400x1xf32>
    %div3A_23 = arith.divf %div3A_22, %max3A_21 : vector<400x1xf32>
    %get3A_24 = arith.constant 0 : index
    %get3A_25 = arith.constant 0 : index
    %get3A_26 = arith.constant 0 : index
    %get3A_27 = vector.load %arg3[%get3A_24, %get3A_25, %get3A_26] : memref<2x400x128xf32, #tpu.memory_space<vmem>>, vector<1x400x128xf32>
    %get3A_28 = vector.shape_cast %get3A_27 : vector<1x400x128xf32> to vector<400x128xf32>
    %get3A_29 = arith.constant 1 : index
    %get3A_30 = arith.constant 0 : index
    %get3A_31 = arith.constant 0 : index
    %get3A_32 = vector.load %arg3[%get3A_29, %get3A_30, %get3A_31] : memref<2x400x128xf32, #tpu.memory_space<vmem>>, vector<1x400x128xf32>
    %get3A_33 = vector.shape_cast %get3A_32 : vector<1x400x128xf32> to vector<400x128xf32>
    %concatenate3A_34 = tpu.concatenate %get3A_28, %get3A_33 in 1 : vector<400x128xf32>, vector<400x128xf32> -> vector<400x256xf32>
    %mul3A = vector.broadcast %div3A_23 : vector<400x1xf32> to vector<400x256xf32>
    %mul3A_35 = arith.mulf %concatenate3A, %mul3A : vector<400x256xf32>
    %get3A_36 = arith.constant 0 : index
    %get3A_37 = arith.constant 0 : index
    %get3A_38 = vector.load %arg4[%get3A_36, %get3A_37] : memref<256x256xf32, #tpu.memory_space<vmem>>, vector<256x256xf32>
    %dot_general3A = arith.constant dense<0.000000e+00> : vector<400x256xf32>
    %dot_general3A_39 = tpu.matmul %mul3A_35, %get3A_38, %dot_general3A {dimension_numbers = #tpu.dot_dimension_numbers<[1], [0], [0], [1], [0, 0, 1, 1], [], []>, transpose_lhs_hint = false} : vector<400x256xf32>, vector<256x256xf32>, vector<400x256xf32> -> vector<400x256xf32>
    %get3A_40 = arith.constant 0 : index
    %get3A_41 = arith.constant 0 : index
    %get3A_42 = vector.load %arg5[%get3A_40, %get3A_41] : memref<256x256xf32, #tpu.memory_space<vmem>>, vector<256x256xf32>
    %dot_general3A_43 = arith.constant dense<0.000000e+00> : vector<400x256xf32>
    %dot_general3A_44 = tpu.matmul %concatenate3A_34, %get3A_42, %dot_general3A_43 {dimension_numbers = #tpu.dot_dimension_numbers<[1], [0], [0], [1], [0, 0, 1, 1], [], []>, transpose_lhs_hint = false} : vector<400x256xf32>, vector<256x256xf32>, vector<400x256xf32> -> vector<400x256xf32>
    %add3A_45 = arith.addf %dot_general3A_39, %dot_general3A_44 : vector<400x256xf32>
    %get3A_46 = arith.constant 0 : index
    %get3A_47 = arith.constant 0 : index
    %get3A_48 = vector.load %arg6[%get3A_46, %get3A_47] : memref<1x256xf32, #tpu.memory_space<vmem>>, vector<1x256xf32>
    %add3A_49 = vector.broadcast %get3A_48 : vector<1x256xf32> to vector<400x256xf32>
    %add3A_50 = arith.addf %add3A_45, %add3A_49 : vector<400x256xf32>
    %gt3A = arith.constant 0.000000e+00 : f32
    %gt3A_51 = vector.broadcast %gt3A : f32 to vector<400x256xf32>
    %gt3A_52 = arith.cmpf ogt, %add3A_50, %gt3A_51 : vector<400x256xf32>
    %min3A = arith.constant 0.000000e+00 : f32
    %min3A_53 = vector.broadcast %min3A : f32 to vector<400x256xf32>
    %min3A_54 = arith.minimumf %add3A_50, %min3A_53 : vector<400x256xf32>
    %exp3A = math.exp %min3A_54 : vector<400x256xf32>
    %sub3A = arith.constant 1.000000e+00 : f32
    %sub3A_55 = vector.broadcast %sub3A : f32 to vector<400x256xf32>
    %sub3A_56 = arith.subf %exp3A, %sub3A_55 : vector<400x256xf32>
    %select_n3A = arith.select %gt3A_52, %add3A_50, %sub3A_56 : vector<400x256xi1>, vector<400x256xf32>
    %swap3A = arith.constant 0 : index
    %swap3A_57 = arith.constant 0 : index
    %swap3A_58 = vector.load %arg7[%swap3A, %swap3A_57] : memref<400x256xf32, #tpu.memory_space<vmem>>, vector<400x256xf32>
    tpu.vector_store %arg7[%swap3A, %swap3A_57], %select_n3A {strides = array<i32>} : memref<400x256xf32, #tpu.memory_space<vmem>>, vector<400x256xf32>,
    return
  }
  func.func @transform_0(%arg0: i32) -> (i32, i32, i32) {
    %c0_i32 = arith.constant 0 : i32
    %c0_i32_0 = arith.constant 0 : i32
    %c0_i32_1 = arith.constant 0 : i32
    return %c0_i32, %arg0, %c0_i32_0 : i32, i32, i32
  }
  func.func @transform_1(%arg0: i32) -> (i32, i32, i32) {
    %c0_i32 = arith.constant 0 : i32
    %c0_i32_0 = arith.constant 0 : i32
    %c0_i32_1 = arith.constant 0 : i32
    return %c0_i32, %arg0, %c0_i32_0 : i32, i32, i32
  }
  func.func @transform_2(%arg0: i32) -> (i32, i32, i32) {
    %c0_i32 = arith.constant 0 : i32
    %c0_i32_0 = arith.constant 0 : i32
    %c0_i32_1 = arith.constant 0 : i32
    return %c0_i32, %arg0, %c0_i32_0 : i32, i32, i32
  }
  func.func @transform_3(%arg0: i32) -> (i32, i32) {
    %c0_i32 = arith.constant 0 : i32
    %c0_i32_0 = arith.constant 0 : i32
    %c0_i32_1 = arith.constant 0 : i32
    return %c0_i32, %c0_i32_0 : i32, i32
  }
  func.func @transform_4(%arg0: i32) -> (i32, i32) {
    %c0_i32 = arith.constant 0 : i32
    %c0_i32_0 = arith.constant 0 : i32
    %c0_i32_1 = arith.constant 0 : i32
    return %c0_i32, %c0_i32_0 : i32, i32
  }
  func.func @transform_5(%arg0: i32) -> (i32, i32) {
    %c0_i32 = arith.constant 0 : i32
    %c0_i32_0 = arith.constant 0 : i32
    %c0_i32_1 = arith.constant 0 : i32
    return %c0_i32, %c0_i32_0 : i32, i32
  }
  func.func @transform_6(%arg0: i32) -> (i32, i32) {
    %c0_i32 = arith.constant 0 : i32
    %c0_i32_0 = arith.constant 0 : i32
    return %arg0, %c0_i32 : i32, i32
  }
}

</mosaic_0001>

<sc_bundles>
// kernel: kernel.12.cloned.1.call-start
scs
__scs_entry_jumppad:
0x0: {  	(pc) =	sbr.rel $0x88, $3  }
0x1: {  	(tag) =	ssettag $0x0;
	lr =	simm.s32 $0x1  }
0x2: {  	[smem:$0x3F96] =	sst lr;
	_ =	strace $0xD0000000  }
0x3: {  	_ = 	snop  }
0x4: {  	_ = 	snop  }
0x5: {  	_ = 	snop  }
0x6: {  	_ = 	snop  }
0x7: {  	_ = 	snop  }
__scs_overlays_trampoline_lowered:
0x8: {  	[smem:$0x3FA5] =	sst s0  }
0x9: {  	[smem:$0x3FA6] =	sst s1  }
0xa: {  	[smem:$0x3FA7] =	sst s2  }
0xb: {  	[smem:$0x3FA8] =	sst s3  }
0xc: {  	[smem:$0x3FA9] =	sst s4  }
0xd: {  	[smem:$0x3FAA] =	sst s5  }
0xe: {  	[smem:$0x3FAB] =	sst s6  }
0xf: {  	[smem:$0x3FAC] =	sst s7  }
0x10: {  	[smem:$0x3FAD] =	sst s8  }
0x11: {  	[smem:$0x3FAE] =	sst s9;
	s0 =	simm.s32 @!p0 $0x0  }
0x12: {  	s1 =	sld [smem:$0x3F94];
	s0 =	simm.s32 @p0 $0x1  }
0x13: {  	[smem:$0x3FAF] =	sst s0;
	s0 =	simm.s32 @!p1 $0x0  }
0x14: {  	s2 =	sld [smem:$0x3F93];
	s0 =	simm.s32 @p1 $0x1  }
0x15: {  	[smem:$0x3FB0] =	sst s0;
	s0 =	simm.s32 @!p2 $0x0  }
0x16: {  	s3 =	sld [smem:$0x3FDB];
	s0 =	simm.s32 @p2 $0x1  }
0x17: {  	s4 =	simm.s32 $0x1BF5;
	[smem:$0x3FB2] =	sst s0  }
0x18: {  	s0 =	sld [smem:$0x3F95];
	_ =	swait.ge [sflag:s4], $0x0  }
0x19: {  	s7 =	sld [smem:$0x3F96]  }
0x1a: {  	s8 =	sadd.s32 $0xFFFFE003, lr  }
0x1b: {  	s9 =	sadd.s32 $0xFFFFFEF7, lr;
	s5 =	simm.s32 $0xFFFFFFFF;
	p2 =	slt.u32 s8, $0xFFFFF086  }
0x1c: {  	p1 =	slt.u32 s9, $0xF7A;
	s5 =	simm.s32 @!p2 $0x0  }
0x1d: {  	s5 =	simm.s32 @p1 $0x1;
	p0 =	seq.s32 s7, s2  }
0x1e: {  	s7 =	smul.u32 @!p0 $0xF7A, s2;
	p2 =	seq.s32 @!p0 s5, $0x0  }
0x1f: {  	s9 =	smul.u32 $0xF7A, s1;
	s8 =	simm.s32 @!p0 $0x1BF5;
	p2 =	por !p2, p0  }
0x20: {  	[sflag:s8] =	ssyncset.s32 @!p0 $0xFFFFF086;
	s6 =	sadd.s32 @!p0 s3, s7;
	s7 =	simm.s32 @!p0 $0x108  }
0x21: {  	s3 =	sadd.s32 s3, s9;
	s6 =	sadd.s32 @!p0 $0x88, s6;
	s7 =	simm.s32 @p2 $0x1082  }
0x22: {  	[simem:s7], [sflag:s8] =	dma.local @!p0 [hbm:s6], $0xF7A  }
0x23: {  	s9 =	sor.u32 $0xD0000000, s2;
	s6 =	simm.s32 $0x108;
	_ =	swait.ge @!p0 [sflag:s8], $0x0  }
0x24: {  	s3 =	sadd.s32 $0x88, s3;
	s6 =	simm.s32 @!p1 $0x1082;
	[sflag:s4] =	ssyncset.s32 $0xFFFFF086  }
0x25: {  	[simem:s6], [sflag:s4] =	dma.local [hbm:s3], $0xF7A  }
0x26: {  	[smem:$0x3F96] =	sst s1;
	(tag) =	ssettag s2;
	_ =	strace s9  }
0x27: {  	s1 =	sld [smem:$0x3FA6]  }
0x28: {  	s2 =	sld [smem:$0x3FA7]  }
0x29: {  	s4 =	sld [smem:$0x3FA9]  }
0x2a: {  	p0 =	seq.s32 s5, $0x0;
	s5 =	sld [smem:$0x3FAA]  }
0x2b: {  	s6 =	sld [smem:$0x3FAB]  }
0x2c: {  	s7 =	sld [smem:$0x3FAC]  }
0x2d: {  	s3 =	simm.s32 $0x108;
	s8 =	sld [smem:$0x3FAD]  }
0x2e: {  	s3 =	simm.s32 @!p0 $0x1082;
	s9 =	sld [smem:$0x3FAE]  }
0x2f: {  	lr =	sadd.s32 s0, s3;
	s0 =	sld [smem:$0x3FA5]  }
0x30: {  	s3 =	sld [smem:$0x3FA8]  }
0x31: {  	[smem:$0x3FB1] =	sst s10  }
0x32: {  	s10 =	sld [smem:$0x3FAF];
	_ =	sdelay $0x3  }
0x33: {  	p0 =	seq.s32 s10, $0x1;
	s10 =	sld [smem:$0x3FB1];
	_ =	sdelay $0x3  }
0x34: {  	[smem:$0x3FB1] =	sst s10  }
0x35: {  	s10 =	sld [smem:$0x3FB0];
	_ =	sdelay $0x3  }
0x36: {  	p1 =	seq.s32 s10, $0x1;
	s10 =	sld [smem:$0x3FB1];
	_ =	sdelay $0x3  }
0x37: {  	[smem:$0x3FB1] =	sst s10  }
0x38: {  	s10 =	sld [smem:$0x3FB2]  }
0x39: {  	_ = 	snop;
	(pc) =	sbr.ind lr, $3  }
0x3a: {  	_ = 	snop  }
0x3b: {  	_ = 	snop  }
0x3c: {  	p2 =	seq.s32 s10, $0x1;
	s10 =	sld [smem:$0x3FB1]  }
0x3d: {  	_ =	shalt  }
0x3e: {  	_ =	shalt  }
0x3f: {  	_ =	shalt  }
0x40: {  	_ =	shalt  }
0x41: {  	_ =	shalt  }
0x42: {  	_ =	shalt  }
0x43: {  	_ =	shalt  }
0x44: {  	_ =	shalt  }
0x45: {  	_ =	shalt  }
0x46: {  	_ =	shalt  }
0x47: {  	_ =	shalt  }
0x48: {  	_ =	shalt  }
0x49: {  	_ =	shalt  }
0x4a: {  	_ =	shalt  }
0x4b: {  	_ =	shalt  }
0x4c: {  	_ =	shalt  }
0x4d: {  	_ =	shalt  }
0x4e: {  	_ =	shalt  }
0x4f: {  	_ =	shalt  }
0x50: {  	_ =	shalt  }
0x51: {  	_ =	shalt  }
0x52: {  	_ =	shalt  }
0x53: {  	_ =	shalt  }
0x54: {  	_ =	shalt  }
0x55: {  	_ =	shalt  }
0x56: {  	_ =	shalt  }
0x57: {  	_ =	shalt  }
0x58: {  	_ =	shalt  }
0x59: {  	_ =	shalt  }
0x5a: {  	_ =	shalt  }
0x5b: {  	_ =	shalt  }
0x5c: {  	_ =	shalt  }
0x5d: {  	_ =	shalt  }
0x5e: {  	_ =	shalt  }
0x5f: {  	_ =	shalt  }
0x60: {  	_ =	shalt  }
0x61: {  	_ =	shalt  }
0x62: {  	_ =	shalt  }
0x63: {  	_ =	shalt  }
0x64: {  	_ =	shalt  }
0x65: {  	_ =	shalt  }
0x66: {  	_ =	shalt  }
0x67: {  	_ =	shalt  }
0x68: {  	_ =	shalt  }
0x69: {  	_ =	shalt  }
0x6a: {  	_ =	shalt  }
0x6b: {  	_ =	shalt  }
0x6c: {  	_ =	shalt  }
0x6d: {  	_ =	shalt  }
0x6e: {  	_ =	shalt  }
0x6f: {  	_ =	shalt  }
0x70: {  	_ =	shalt  }
0x71: {  	_ =	shalt  }
0x72: {  	_ =	shalt  }
0x73: {  	_ =	shalt  }
0x74: {  	_ =	shalt  }
0x75: {  	_ =	shalt  }
0x76: {  	_ =	shalt  }
0x77: {  	_ =	shalt  }
0x78: {  	_ =	shalt  }
0x79: {  	_ =	shalt  }
0x7a: {  	_ =	shalt  }
0x7b: {  	_ =	shalt  }
0x7c: {  	_ =	shalt  }
0x7d: {  	_ =	shalt  }
0x7e: {  	_ =	shalt  }
0x7f: {  	_ =	shalt  }
0x80: {  	_ =	shalt  }
0x81: {  	_ =	shalt  }
0x82: {  	_ =	shalt  }
0x83: {  	_ =	shalt  }
0x84: {  	_ =	shalt  }
0x85: {  	_ =	shalt  }
0x86: {  	_ =	shalt  }
0x87: {  	_ =	shalt  }
.Lfunc_end0:
.L_simem_size_0:
called_computation.1_lowered:
.L_overlay_start_0:
0x88: {  	s2 =	sld [smem:$0x3FD9]  }
0x89: {  	s3 =	sld [smem:$0x3FFE];
	_ =	sdelay $0x1  }
0x8a: {  	s1 =	srdreg.scid  }
0x8b: {  	s0 =	sand.u32 $0x1, s1  }
0x8c: {  	s17 =	sshll.u32 s0, $0xA;
	s2 =	sadd.s32 s3, s2  }
0x8d: {  	s2 =	sadd.s32 s2, s17  }
0x8e: {  	[smem:$0x3FBD] =	sst s2  }
0x8f: {  	_ = 	snop  }
0x90: {  	s2 =	sld [smem:$0x3FD0];
	(tm) =	ssettm $0x1  }
0x91: {  	s18 =	sld [smem:$0x3FFB];
	_ =	sdelay $0x3  }
0x92: {  	_ =	strace s18  }
0x93: {  	s3 =	sld [smem:$0x3FFC];
	_ =	sdelay $0x3  }
0x94: {  	_ =	strace s3  }
0x95: {  	s3 =	sld [smem:$0x3FFD];
	_ =	sdelay $0x3  }
0x96: {  	_ =	strace s3  }
0x97: {  	_ =	strace $0x8FFFFFFF  }
0x98: {  	s19 =	sld [smem:$0x3FDB];
	_ =	sdelay $0x1  }
0x99: {  	s4 =	simm.s32 $_scs_section_size  }
0x9a: {  	s5 =	simm.s32 $_size__tile_overlayer_lowered;
	s6 =	simm.s32 $_tile_overlayer_lowered  }
0x9b: {  	s22 =	simm.s32 $0x1BFF;
	s21 =	sshll.u32 s6, $0x1;
	s3 =	sadd.s32 s4, s19  }
0x9c: {  	s7 =	simm.s32 $0x0;
	s20 =	sshll.u32 s5, $0x1;
	s5 =	sadd.s32 s21, s3  }
0x9d: {  	[timem:s7], [sflag:s22] =	dma.local [hbm:s5], s20  }
0x9e: {  	_ =	swait.ge [sflag:s22], s20  }
0x9f: {  	s4 =	ssub.s32 $0x0, s20;
	[sflag:s22] =	ssyncset.done $0x0  }
0xa0: {  	[sflag:s22] =	ssyncadd.s32 s4;
	_ =	sdelay $0x1  }
0xa1: {  	s23 =	simm.s32 $0x1B8B  }
0xa2: {  	_ =	swait.ge [sflag:s23], $0x1  }
0xa3: {  	[sflag:s23] =	ssyncset.done $0x0  }
0xa4: {  	s25 =	simm.s32 $0x1B8E;
	s24 =	sld [smem:$0x3FFE];
	[sflag:s23] =	ssyncadd.s32 $0xFFFFFFFF  }
0xa5: {  	s26 =	simm.s32 $execute0_lowered;
	[smem:$0x3FD2] =	sst s25  }
0xa6: {  	s5 =	sshll.u32 s26, $0x1;
	_ =	strace $0x80000046;
	[dreg:$0x1] =	wrdreg $0xFFFFFFFF  }
0xa7: {  	s28 =	simm.s32 $_size_execute0_lowered;
	s3 =	sadd.s32 s3, s5;
	[dreg:$0x0] =	wrdreg $0x0  }
0xa8: {  	s5 =	sshll.u32 s28, $0x1;
	[dreg:$0x2] =	wrdreg s3  }
0xa9: {  	[dreg:$0x3] =	wrdreg s5  }
0xaa: {  	[dreg:$0x4] =	wrdreg $0xC0  }
0xab: {  	_ =	task [dreg:s7], $0x5FFFF  }
0xac: {  	[dreg:$0x1] =	wrdreg $0xFFFFFFFF  }
0xad: {  	[dreg:$0x0] =	wrdreg $0x60  }
0xae: {  	[dreg:$0x2] =	wrdreg s2  }
0xaf: {  	[dreg:$0x3] =	wrdreg s24  }
0xb0: {  	[dreg:$0x4] =	wrdreg $0x0  }
0xb1: {  	[dreg:$0x5] =	wrdreg $0xA  }
0xb2: {  	_ =	task.clear_ibuf [dreg:s7], $0x6FFFF;
	_ =	strace $0x90000046  }
0xb3: {  	s29 =	simm.s32 $0xA;
	_ =	strace $0x80000048  }
0xb4: {  	_ =	swait.ge [sflag:s29], $0x1  }
0xb5: {  	[sflag:s29] =	ssyncadd.s32 $0xFFFFFFFF  }
0xb6: {  	_ =	strace $0x90000048  }
0xb7: {  	_ =	sfence  }
0xb8: {  	s30 =	sld [smem:$0x0];
	_ =	sdelay $0x2  }
0xb9: {  	s31 =	sshll.u32 s1, $0xD;
	s1 =	sshrl.u32 s1, $0x2  }
0xba: {  	s3 =	sand.u32 $0x4000, s31;
	s1 =	sadd.s32 s1, s30  }
0xbb: {  	s0 =	sor.u32 s3, s0;
	s1 =	sshll.u32 s1, $0x11  }
0xbc: {  	s0 =	sor.u32 s1, s0  }
0xbd: {  	s0 =	sadd.s32 $0x8F2B, s0  }
0xbe: {  	[sflag:s0] =	ssyncadd.remote.s32 $0x1  }
0xbf: {  	_ =	sfence.sel $0xFFFF  }
0xc0: {  	[dreg:$0x0] =	wrdreg $0xFFFFFFFF;
	(pc) =	sbr.abs _section_cstart, $3  }
0xc1: {  	[dreg:$0x1] =	wrdreg $0xFFFFFFFF  }
0xc2: {  	_ =	task.clear_ibuf [dreg:s7], $0x2FFFF;
	_ =	strace $0x9FFFFFFF  }
0xc3: {  	(tm) =	ssettm $0x7FFFFFFF  }
tec
execute0_lowered:
.L_overlay_start_1:
0x0: {  	(tag) =	ssettag $0x1  }
0x1: {  	s1 =	rddreg [dreg:$0x0]  }
0x2: {  	s0 =	srdreg.scid;
	s2 =	rddreg [dreg:$0x1]  }
0x3: {  	s9 =	stileid.u32;
	s3 =	rddreg [dreg:$0x2]  }
0x4: {  	s4 =	simm.s32 $0x0;
	s12 =	simm.s32 $0x2;
	s13 =	simm.s32 $0x13C00  }
0x5: {  	s14 =	simm.s32 $0x14000;
	s15 =	simm.s32 $0x80;
	s16 =	simm.s32 $0x14400  }
0x6: {  	s17 =	simm.s32 $0x13C80;
	s18 =	simm.s32 $0x18400;
	s19 =	simm.s32 $0x1  }
0x7: {  	s20 =	simm.s32 $0x14080;
	s21 =	simm.s32 $0x13D00;
	s6 =	smul.u32 $0x2800, s9  }
0x8: {  	s28 =	simm.s32 $0x14200;
	s29 =	simm.s32 $0x14280;
	s22 =	smul.u32 $0x13C00, s9  }
0x9: {  	s30 =	simm.s32 $0x13F00;
	s31 =	simm.s32 $0x13F80;
	s8 =	smul.u32 $0x500, s9  }
0xa: {  	s0 =	sand.u32 $0x1, s0;
	[smem:$0x7FF] =	sst s4;
	s24 =	smul.u32 $0x4F000, s9  }
0xb: {  	s10 =	sadd.s32 $0x12400, s2;
	s9 =	sshll.u32 s9, $0x6;
	s5 =	smul.u32 $0x28000, s0  }
0xc: {  	s7 =	smul.u32 $0x13C000, s0;
	_ =	strace $0x80000047;
	s0 =	ssub.s32 $0x2, s0  }
0xd: {  	[dreg:$0x4] =	wrdreg s10;
	s23 =	sadd.s32 s8, s2;
	s25 =	sshrl.u32 s0, $0x1  }
0xe: {  	s8 =	sshrl.u32 s24, $0x2;
	s24 =	simm.s32 $0x14180;
	s5 =	sadd.s32 s6, s5  }
0xf: {  	s6 =	sadd.s32 s22, s7;
	s0 =	ssub.s32 s0, s25;
	s26 =	sadd.s32 s8, s3  }
0x10: {  	s8 =	sor.u32 $0x1C02, s9;
	s9 =	sadd.s32 $0x3400, s23;
	s22 =	simm.s32 $0x13D80  }
0x11: {  	s23 =	simm.s32 $0x14100;
	s25 =	simm.s32 $0x13E00;
	s7 =	simm.s32 $0x0  }
0x12: {  	s5 =	sshrl.u32 s5, $0x3;
	s6 =	sshrl.u32 s6, $0x3;
	s0 =	smax.u32 s0, $0x1  }
0x13: {  	[dreg:$0x5] =	wrdreg s8;
	s5 =	sadd.s32 s5, s2;
	s2 =	sadd.s32 s6, s2  }
0x14: {  	[dreg:$0x7] =	wrdreg s0;
	s6 =	sshrl.u32 s26, $0x3;
	s26 =	simm.s32 $0x13E80  }
0x15: {  	s0 =	simm.s32 $0x14380;
	s2 =	sadd.s32 $0x14C00, s2;
	[dreg:$0x8] =	wrdreg s6  }
0x16: {  	s10 =	sadd.s32 $0x8400, s5;
	[dreg:$0x6] =	wrdreg s2;
	s2 =	simm.s32 $0x14300  }
.LBB2_1:
0x17: {  	[dreg:$0x9] =	wrdreg s7  }
0x18: {  	s5 =	rddreg [dreg:$0x4]  }
0x19: {  	[spmem:s6], [sflag:s8] =	dma.local [hbm:s5], $0x2780  }
0x1a: {  	_ =	swait.ge [sflag:s12], $0x2780  }
0x1b: {  	[sflag:s12] =	ssyncset.done $0x0  }
0x1c: {  	[sflag:s12] =	ssyncadd.s32 $0xFFFFD880  }
0x1d: {  	s8 =	sadd.s32 $0x0, s10;
	[bflag:$0x0] =	sbarrier.arrive $0xFFFF  }
0x1e: {  	[tilespmem:s13], [sflag:$0x2] =	stream.linear.gather [hbm4b:s8+s4], $0x400, $0x38;
	[tilespmem:$0x1C400] =	vst v63  }
0x1f: {  	_ =	swait.ge [sflag:s12], $0x400  }
0x20: {  	[sflag:s12] =	ssyncset.done $0x0  }
0x21: {  	s11 =	sadd.s32 $0x0, s9;
	[sflag:s12] =	ssyncadd.s32 $0xFFFFFC00  }
0x22: {  	[tilespmem:s14], [sflag:$0x2] =	stream.linear.gather [hbm4b:s11+s4], $0x400, $0x38;
	[tilespmem:$0x1C400] =	vst v63  }
0x23: {  	_ =	swait.ge [sflag:s12], $0x400  }
0x24: {  	[sflag:s12] =	ssyncset.done $0x0  }
0x25: {  	[sflag:s12] =	ssyncadd.s32 $0xFFFFFC00  }
0x26: {  	[tilespmem:s16], [sflag:$0x1] =	stream.indirect.gather [hbm4b:s1+s15], $0x80, s13, s15, $0xb8;
	[tilespmem:$0x1C400] =	vst v63  }
0x27: {  	_ = 	snop  }
0x28: {  	[tilespmem:s18], [sflag:$0x1] =	stream.indirect.gather [hbm4b:s1+s15], $0x80, s17, s15, $0xb8;
	[tilespmem:$0x1C400] =	vst v63  }
0x29: {  	_ =	swait.ge [sflag:s19], $0x4000  }
0x2a: {  	[sflag:s19] =	ssyncset.done $0x0  }
0x2b: {  	[sflag:s19] =	ssyncadd.s32 $0xFFFFC000  }
0x2c: {  	[spmem:s3] =	stream.indirect.scatter.add.f32 [tilespmem:s16], [sflag:$0x2], $0x80, s14, s15, $0xb8;
	[tilespmem:$0x1C400] =	vst v63  }
0x2d: {  	_ =	swait.ge [sflag:s12], $0x4000  }
0x2e: {  	[sflag:s12] =	ssyncset.done $0x0  }
0x2f: {  	[sflag:s12] =	ssyncadd.s32 $0xFFFFC000  }
0x30: {  	_ =	swait.ge [sflag:s19], $0x4000  }
0x31: {  	[sflag:s19] =	ssyncset.done $0x0  }
0x32: {  	[sflag:s19] =	ssyncadd.s32 $0xFFFFC000  }
0x33: {  	[spmem:s3] =	stream.indirect.scatter.add.f32 [tilespmem:s18], [sflag:$0x2], $0x80, s20, s15, $0xb8;
	[tilespmem:$0x1C400] =	vst v63  }
0x34: {  	_ =	swait.ge [sflag:s12], $0x4000  }
0x35: {  	[sflag:s12] =	ssyncset.done $0x0  }
0x36: {  	[sflag:s12] =	ssyncadd.s32 $0xFFFFC000  }
0x37: {  	[tilespmem:s16], [sflag:$0x1] =	stream.indirect.gather [hbm4b:s1+s15], $0x80, s21, s15, $0xb8;
	[tilespmem:$0x1C400] =	vst v63  }
0x38: {  	_ = 	snop  }
0x39: {  	[tilespmem:s18], [sflag:$0x1] =	stream.indirect.gather [hbm4b:s1+s15], $0x80, s22, s15, $0xb8;
	[tilespmem:$0x1C400] =	vst v63  }
0x3a: {  	_ =	swait.ge [sflag:s19], $0x4000  }
0x3b: {  	[sflag:s19] =	ssyncset.done $0x0  }
0x3c: {  	[sflag:s19] =	ssyncadd.s32 $0xFFFFC000  }
0x3d: {  	[spmem:s3] =	stream.indirect.scatter.add.f32 [tilespmem:s16], [sflag:$0x2], $0x80, s23, s15, $0xb8;
	[tilespmem:$0x1C400] =	vst v63  }
0x3e: {  	_ =	swait.ge [sflag:s12], $0x4000  }
0x3f: {  	[sflag:s12] =	ssyncset.done $0x0  }
0x40: {  	[sflag:s12] =	ssyncadd.s32 $0xFFFFC000  }
0x41: {  	_ =	swait.ge [sflag:s19], $0x4000  }
0x42: {  	[sflag:s19] =	ssyncset.done $0x0  }
0x43: {  	[sflag:s19] =	ssyncadd.s32 $0xFFFFC000  }
0x44: {  	[spmem:s3] =	stream.indirect.scatter.add.f32 [tilespmem:s18], [sflag:$0x2], $0x80, s24, s15, $0xb8;
	[tilespmem:$0x1C400] =	vst v63  }
0x45: {  	_ =	swait.ge [sflag:s12], $0x4000  }
0x46: {  	[sflag:s12] =	ssyncset.done $0x0  }
0x47: {  	[sflag:s12] =	ssyncadd.s32 $0xFFFFC000  }
0x48: {  	[tilespmem:s16], [sflag:$0x1] =	stream.indirect.gather [hbm4b:s1+s15], $0x80, s25, s15, $0xb8;
	[tilespmem:$0x1C400] =	vst v63  }
0x49: {  	_ = 	snop  }
0x4a: {  	[tilespmem:s18], [sflag:$0x1] =	stream.indirect.gather [hbm4b:s1+s15], $0x80, s26, s15, $0xb8;
	[tilespmem:$0x1C400] =	vst v63  }
0x4b: {  	_ =	swait.ge [sflag:s19], $0x4000  }
0x4c: {  	[sflag:s19] =	ssyncset.done $0x0  }
0x4d: {  	[sflag:s19] =	ssyncadd.s32 $0xFFFFC000  }
0x4e: {  	[spmem:s3] =	stream.indirect.scatter.add.f32 [tilespmem:s16], [sflag:$0x2], $0x80, s28, s15, $0xb8;
	[tilespmem:$0x1C400] =	vst v63  }
0x4f: {  	_ =	swait.ge [sflag:s12], $0x4000  }
0x50: {  	[sflag:s12] =	ssyncset.done $0x0  }
0x51: {  	[sflag:s12] =	ssyncadd.s32 $0xFFFFC000  }
0x52: {  	_ =	swait.ge [sflag:s19], $0x4000  }
0x53: {  	[sflag:s19] =	ssyncset.done $0x0  }
0x54: {  	[sflag:s19] =	ssyncadd.s32 $0xFFFFC000  }
0x55: {  	[spmem:s3] =	stream.indirect.scatter.add.f32 [tilespmem:s18], [sflag:$0x2], $0x80, s29, s15, $0xb8;
	[tilespmem:$0x1C400] =	vst v63  }
0x56: {  	_ =	swait.ge [sflag:s12], $0x4000  }
0x57: {  	[sflag:s12] =	ssyncset.done $0x0  }
0x58: {  	[sflag:s12] =	ssyncadd.s32 $0xFFFFC000  }
0x59: {  	[tilespmem:s16], [sflag:$0x1] =	stream.indirect.gather [hbm4b:s1+s15], $0x80, s30, s15, $0xb8;
	[tilespmem:$0x1C400] =	vst v63  }
0x5a: {  	_ = 	snop  }
0x5b: {  	[tilespmem:s18], [sflag:$0x1] =	stream.indirect.gather [hbm4b:s1+s15], $0x80, s31, s15, $0xb8;
	[tilespmem:$0x1C400] =	vst v63  }
0x5c: {  	_ =	swait.ge [sflag:s19], $0x4000  }
0x5d: {  	[sflag:s19] =	ssyncset.done $0x0  }
0x5e: {  	[sflag:s19] =	ssyncadd.s32 $0xFFFFC000  }
0x5f: {  	[spmem:s3] =	stream.indirect.scatter.add.f32 [tilespmem:s16], [sflag:$0x2], $0x80, s2, s15, $0xb8;
	[tilespmem:$0x1C400] =	vst v63  }
0x60: {  	_ =	swait.ge [sflag:s12], $0x4000  }
0x61: {  	[sflag:s12] =	ssyncset.done $0x0  }
0x62: {  	[sflag:s12] =	ssyncadd.s32 $0xFFFFC000  }
0x63: {  	_ =	swait.ge [sflag:s19], $0x4000  }
0x64: {  	[sflag:s19] =	ssyncset.done $0x0  }
0x65: {  	[sflag:s19] =	ssyncadd.s32 $0xFFFFC000  }
0x66: {  	[spmem:s3] =	stream.indirect.scatter.add.f32 [tilespmem:s18], [sflag:$0x2], $0x80, s0, s15, $0xb8;
	[tilespmem:$0x1C400] =	vst v63  }
0x67: {  	_ =	swait.ge [sflag:s12], $0x4000  }
0x68: {  	s7 =	simm.s32 $0x80;
	s8 =	simm.s32 $0x100;
	[sflag:s12] =	ssyncset.done $0x0  }
.LBB2_2:
0x69: {  	s11 =	sadd.s32 s7, s10  }
0x6a: {  	[sflag:s12] =	ssyncadd.s32 $0xFFFFC000;
	s5 =	smov.u32 s8;
	s6 =	sadd.s32 $0x80, s8  }
0x6b: {  	[tilespmem:s13], [sflag:$0x2] =	stream.linear.gather [hbm4b:s11+s4], $0x400, $0x38;
	[tilespmem:$0x1C400] =	vst v63  }
0x6c: {  	p0 =	sne.s32 s8, $0x480;
	_ =	swait.ge [sflag:s12], $0x400  }
0x6d: {  	[sflag:s12] =	ssyncset.done $0x0  }
0x6e: {  	s8 =	sadd.s32 s7, s9;
	s7 =	smov.u32 s5;
	[sflag:s12] =	ssyncadd.s32 $0xFFFFFC00  }
0x6f: {  	[tilespmem:s14], [sflag:$0x2] =	stream.linear.gather [hbm4b:s8+s4], $0x400, $0x38;
	[tilespmem:$0x1C400] =	vst v63  }
0x70: {  	_ =	swait.ge [sflag:s12], $0x400  }
0x71: {  	[sflag:s12] =	ssyncset.done $0x0  }
0x72: {  	[sflag:s12] =	ssyncadd.s32 $0xFFFFFC00  }
0x73: {  	[tilespmem:s16], [sflag:$0x1] =	stream.indirect.gather [hbm4b:s1+s15], $0x80, s13, s15, $0xb8;
	[tilespmem:$0x1C400] =	vst v63  }
0x74: {  	_ = 	snop  }
0x75: {  	[tilespmem:s18], [sflag:$0x1] =	stream.indirect.gather [hbm4b:s1+s15], $0x80, s17, s15, $0xb8;
	[tilespmem:$0x1C400] =	vst v63  }
0x76: {  	_ =	swait.ge [sflag:s19], $0x4000  }
0x77: {  	[sflag:s19] =	ssyncset.done $0x0  }
0x78: {  	[sflag:s19] =	ssyncadd.s32 $0xFFFFC000  }
0x79: {  	[spmem:s3] =	stream.indirect.scatter.add.f32 [tilespmem:s16], [sflag:$0x2], $0x80, s14, s15, $0xb8;
	[tilespmem:$0x1C400] =	vst v63  }
0x7a: {  	_ =	swait.ge [sflag:s12], $0x4000  }
0x7b: {  	[sflag:s12] =	ssyncset.done $0x0  }
0x7c: {  	[sflag:s12] =	ssyncadd.s32 $0xFFFFC000  }
0x7d: {  	_ =	swait.ge [sflag:s19], $0x4000  }
0x7e: {  	[sflag:s19] =	ssyncset.done $0x0  }
0x7f: {  	[sflag:s19] =	ssyncadd.s32 $0xFFFFC000  }
0x80: {  	[spmem:s3] =	stream.indirect.scatter.add.f32 [tilespmem:s18], [sflag:$0x2], $0x80, s20, s15, $0xb8;
	[tilespmem:$0x1C400] =	vst v63  }
0x81: {  	_ =	swait.ge [sflag:s12], $0x4000  }
0x82: {  	[sflag:s12] =	ssyncset.done $0x0  }
0x83: {  	[sflag:s12] =	ssyncadd.s32 $0xFFFFC000  }
0x84: {  	[tilespmem:s16], [sflag:$0x1] =	stream.indirect.gather [hbm4b:s1+s15], $0x80, s21, s15, $0xb8;
	[tilespmem:$0x1C400] =	vst v63  }
0x85: {  	_ = 	snop  }
0x86: {  	[tilespmem:s18], [sflag:$0x1] =	stream.indirect.gather [hbm4b:s1+s15], $0x80, s22, s15, $0xb8;
	[tilespmem:$0x1C400] =	vst v63  }
0x87: {  	_ =	swait.ge [sflag:s19], $0x4000  }
0x88: {  	[sflag:s19] =	ssyncset.done $0x0  }
0x89: {  	[sflag:s19] =	ssyncadd.s32 $0xFFFFC000  }
0x8a: {  	[spmem:s3] =	stream.indirect.scatter.add.f32 [tilespmem:s16], [sflag:$0x2], $0x80, s23, s15, $0xb8;
	[tilespmem:$0x1C400] =	vst v63  }
0x8b: {  	_ =	swait.ge [sflag:s12], $0x4000  }
0x8c: {  	[sflag:s12] =	ssyncset.done $0x0  }
0x8d: {  	[sflag:s12] =	ssyncadd.s32 $0xFFFFC000  }
0x8e: {  	_ =	swait.ge [sflag:s19], $0x4000  }
0x8f: {  	[sflag:s19] =	ssyncset.done $0x0  }
0x90: {  	[sflag:s19] =	ssyncadd.s32 $0xFFFFC000  }
0x91: {  	[spmem:s3] =	stream.indirect.scatter.add.f32 [tilespmem:s18], [sflag:$0x2], $0x80, s24, s15, $0xb8;
	[tilespmem:$0x1C400] =	vst v63  }
0x92: {  	_ =	swait.ge [sflag:s12], $0x4000  }
0x93: {  	[sflag:s12] =	ssyncset.done $0x0  }
0x94: {  	[sflag:s12] =	ssyncadd.s32 $0xFFFFC000  }
0x95: {  	[tilespmem:s16], [sflag:$0x1] =	stream.indirect.gather [hbm4b:s1+s15], $0x80, s25, s15, $0xb8;
	[tilespmem:$0x1C400] =	vst v63  }
0x96: {  	_ = 	snop  }
0x97: {  	[tilespmem:s18], [sflag:$0x1] =	stream.indirect.gather [hbm4b:s1+s15], $0x80, s26, s15, $0xb8;
	[tilespmem:$0x1C400] =	vst v63  }
0x98: {  	_ =	swait.ge [sflag:s19], $0x4000  }
0x99: {  	[sflag:s19] =	ssyncset.done $0x0  }
0x9a: {  	[sflag:s19] =	ssyncadd.s32 $0xFFFFC000  }
0x9b: {  	[spmem:s3] =	stream.indirect.scatter.add.f32 [tilespmem:s16], [sflag:$0x2], $0x80, s28, s15, $0xb8;
	[tilespmem:$0x1C400] =	vst v63  }
0x9c: {  	_ =	swait.ge [sflag:s12], $0x4000  }
0x9d: {  	[sflag:s12] =	ssyncset.done $0x0  }
0x9e: {  	[sflag:s12] =	ssyncadd.s32 $0xFFFFC000  }
0x9f: {  	_ =	swait.ge [sflag:s19], $0x4000  }
0xa0: {  	[sflag:s19] =	ssyncset.done $0x0  }
0xa1: {  	[sflag:s19] =	ssyncadd.s32 $0xFFFFC000  }
0xa2: {  	[spmem:s3] =	stream.indirect.scatter.add.f32 [tilespmem:s18], [sflag:$0x2], $0x80, s29, s15, $0xb8;
	[tilespmem:$0x1C400] =	vst v63  }
0xa3: {  	_ =	swait.ge [sflag:s12], $0x4000  }
0xa4: {  	[sflag:s12] =	ssyncset.done $0x0  }
0xa5: {  	[sflag:s12] =	ssyncadd.s32 $0xFFFFC000  }
0xa6: {  	[tilespmem:s16], [sflag:$0x1] =	stream.indirect.gather [hbm4b:s1+s15], $0x80, s30, s15, $0xb8;
	[tilespmem:$0x1C400] =	vst v63  }
0xa7: {  	_ = 	snop  }
0xa8: {  	[tilespmem:s18], [sflag:$0x1] =	stream.indirect.gather [hbm4b:s1+s15], $0x80, s31, s15, $0xb8;
	[tilespmem:$0x1C400] =	vst v63  }
0xa9: {  	_ =	swait.ge [sflag:s19], $0x4000  }
0xaa: {  	[sflag:s19] =	ssyncset.done $0x0  }
0xab: {  	[sflag:s19] =	ssyncadd.s32 $0xFFFFC000  }
0xac: {  	[spmem:s3] =	stream.indirect.scatter.add.f32 [tilespmem:s16], [sflag:$0x2], $0x80, s2, s15, $0xb8;
	[tilespmem:$0x1C400] =	vst v63  }
0xad: {  	_ =	swait.ge [sflag:s12], $0x4000  }
0xae: {  	[sflag:s12] =	ssyncset.done $0x0  }
0xaf: {  	[sflag:s12] =	ssyncadd.s32 $0xFFFFC000  }
0xb0: {  	_ =	swait.ge [sflag:s19], $0x4000  }
.Ltmp0:
0xb1: {  	[sflag:s19] =	ssyncset.done $0x0;
	(pc) =	sbr.rel @p0 .LBB2_2-.Ltmp0, $4  }
0xb2: {  	[sflag:s19] =	ssyncadd.s32 $0xFFFFC000  }
0xb3: {  	[spmem:s3] =	stream.indirect.scatter.add.f32 [tilespmem:s18], [sflag:$0x2], $0x80, s0, s15, $0xb8;
	[tilespmem:$0x1C400] =	vst v63  }
0xb4: {  	_ =	swait.ge [sflag:s12], $0x4000  }
0xb5: {  	s8 =	smov.u32 s6;
	[sflag:s12] =	ssyncset.done $0x0  }
0xb6: {  	s5 =	sadd.s32 s7, s10;
	[sflag:s12] =	ssyncadd.s32 $0xFFFFC000  }
0xb7: {  	[tilespmem:s13], [sflag:$0x2] =	stream.linear.gather [hbm4b:s5+s4], $0x400, $0x38;
	[tilespmem:$0x1C400] =	vst v63  }
0xb8: {  	_ =	swait.ge [sflag:s12], $0x400  }
0xb9: {  	[sflag:s12] =	ssyncset.done $0x0  }
0xba: {  	s8 =	sadd.s32 s7, s9;
	[sflag:s12] =	ssyncadd.s32 $0xFFFFFC00  }
0xbb: {  	[tilespmem:s14], [sflag:$0x2] =	stream.linear.gather [hbm4b:s8+s4], $0x400, $0x38;
	[tilespmem:$0x1C400] =	vst v63  }
0xbc: {  	_ =	swait.ge [sflag:s12], $0x400  }
0xbd: {  	[sflag:s12] =	ssyncset.done $0x0  }
0xbe: {  	[sflag:s12] =	ssyncadd.s32 $0xFFFFFC00  }
0xbf: {  	[tilespmem:s16], [sflag:$0x1] =	stream.indirect.gather [hbm4b:s1+s15], $0x80, s13, s15, $0xb8;
	[tilespmem:$0x1C400] =	vst v63  }
0xc0: {  	_ = 	snop  }
0xc1: {  	[tilespmem:s18], [sflag:$0x1] =	stream.indirect.gather [hbm4b:s1+s15], $0x80, s17, s15, $0xb8;
	[tilespmem:$0x1C400] =	vst v63  }
0xc2: {  	_ =	swait.ge [sflag:s19], $0x4000  }
0xc3: {  	[sflag:s19] =	ssyncset.done $0x0  }
0xc4: {  	[sflag:s19] =	ssyncadd.s32 $0xFFFFC000  }
0xc5: {  	[spmem:s3] =	stream.indirect.scatter.add.f32 [tilespmem:s16], [sflag:$0x2], $0x80, s14, s15, $0xb8;
	[tilespmem:$0x1C400] =	vst v63  }
0xc6: {  	_ =	swait.ge [sflag:s12], $0x4000  }
0xc7: {  	[sflag:s12] =	ssyncset.done $0x0  }
0xc8: {  	[sflag:s12] =	ssyncadd.s32 $0xFFFFC000  }
0xc9: {  	_ =	swait.ge [sflag:s19], $0x4000  }
0xca: {  	[sflag:s19] =	ssyncset.done $0x0  }
0xcb: {  	[sflag:s19] =	ssyncadd.s32 $0xFFFFC000  }
0xcc: {  	[spmem:s3] =	stream.indirect.scatter.add.f32 [tilespmem:s18], [sflag:$0x2], $0x80, s20, s15, $0xb8;
	[tilespmem:$0x1C400] =	vst v63  }
0xcd: {  	_ =	swait.ge [sflag:s12], $0x4000  }
0xce: {  	[sflag:s12] =	ssyncset.done $0x0  }
0xcf: {  	[sflag:s12] =	ssyncadd.s32 $0xFFFFC000  }
0xd0: {  	[tilespmem:s16], [sflag:$0x1] =	stream.indirect.gather [hbm4b:s1+s15], $0x80, s21, s15, $0xb8;
	[tilespmem:$0x1C400] =	vst v63  }
0xd1: {  	_ = 	snop  }
0xd2: {  	[tilespmem:s18], [sflag:$0x1] =	stream.indirect.gather [hbm4b:s1+s15], $0x80, s22, s15, $0xb8;
	[tilespmem:$0x1C400] =	vst v63  }
0xd3: {  	_ =	swait.ge [sflag:s19], $0x4000  }
0xd4: {  	[sflag:s19] =	ssyncset.done $0x0  }
0xd5: {  	[sflag:s19] =	ssyncadd.s32 $0xFFFFC000  }
0xd6: {  	[spmem:s3] =	stream.indirect.scatter.add.f32 [tilespmem:s16], [sflag:$0x2], $0x80, s23, s15, $0xb8;
	[tilespmem:$0x1C400] =	vst v63  }
0xd7: {  	_ =	swait.ge [sflag:s12], $0x4000  }
0xd8: {  	[sflag:s12] =	ssyncset.done $0x0  }
0xd9: {  	[sflag:s12] =	ssyncadd.s32 $0xFFFFC000  }
0xda: {  	_ =	swait.ge [sflag:s19], $0x4000  }
0xdb: {  	[sflag:s19] =	ssyncset.done $0x0  }
0xdc: {  	[sflag:s19] =	ssyncadd.s32 $0xFFFFC000  }
0xdd: {  	[spmem:s3] =	stream.indirect.scatter.add.f32 [tilespmem:s18], [sflag:$0x2], $0x80, s24, s15, $0xb8;
	[tilespmem:$0x1C400] =	vst v63  }
0xde: {  	_ =	swait.ge [sflag:s12], $0x4000  }
0xdf: {  	[sflag:s12] =	ssyncset.done $0x0  }
0xe0: {  	[sflag:s12] =	ssyncadd.s32 $0xFFFFC000  }
0xe1: {  	[tilespmem:s16], [sflag:$0x1] =	stream.indirect.gather [hbm4b:s1+s15], $0x80, s25, s15, $0xb8;
	[tilespmem:$0x1C400] =	vst v63  }
0xe2: {  	_ = 	snop  }
0xe3: {  	[tilespmem:s18], [sflag:$0x1] =	stream.indirect.gather [hbm4b:s1+s15], $0x80, s26, s15, $0xb8;
	[tilespmem:$0x1C400] =	vst v63  }
0xe4: {  	_ =	swait.ge [sflag:s19], $0x4000  }
0xe5: {  	[sflag:s19] =	ssyncset.done $0x0  }
0xe6: {  	[sflag:s19] =	ssyncadd.s32 $0xFFFFC000  }
0xe7: {  	[spmem:s3] =	stream.indirect.scatter.add.f32 [tilespmem:s16], [sflag:$0x2], $0x80, s28, s15, $0xb8;
	[tilespmem:$0x1C400] =	vst v63  }
0xe8: {  	_ =	swait.ge [sflag:s12], $0x4000  }
0xe9: {  	[sflag:s12] =	ssyncset.done $0x0  }
0xea: {  	[sflag:s12] =	ssyncadd.s32 $0xFFFFC000  }
0xeb: {  	_ =	swait.ge [sflag:s19], $0x4000  }
0xec: {  	[sflag:s19] =	ssyncset.done $0x0  }
0xed: {  	[sflag:s19] =	ssyncadd.s32 $0xFFFFC000  }
0xee: {  	[spmem:s3] =	stream.indirect.scatter.add.f32 [tilespmem:s18], [sflag:$0x2], $0x80, s29, s15, $0xb8;
	[tilespmem:$0x1C400] =	vst v63  }
0xef: {  	_ =	swait.ge [sflag:s12], $0x4000  }
0xf0: {  	[sflag:s12] =	ssyncset.done $0x0  }
0xf1: {  	[sflag:s12] =	ssyncadd.s32 $0xFFFFC000  }
0xf2: {  	[tilespmem:s16], [sflag:$0x1] =	stream.indirect.gather [hbm4b:s1+s15], $0x80, s30, s15, $0xb8;
	[tilespmem:$0x1C400] =	vst v63  }
0xf3: {  	_ = 	snop  }
0xf4: {  	[tilespmem:s18], [sflag:$0x1] =	stream.indirect.gather [hbm4b:s1+s15], $0x80, s31, s15, $0xb8;
	[tilespmem:$0x1C400] =	vst v63  }
0xf5: {  	_ =	swait.ge [sflag:s19], $0x4000  }
0xf6: {  	[sflag:s19] =	ssyncset.done $0x0  }
0xf7: {  	[sflag:s19] =	ssyncadd.s32 $0xFFFFC000  }
0xf8: {  	[spmem:s3] =	stream.indirect.scatter.add.f32 [tilespmem:s16], [sflag:$0x2], $0x80, s2, s15, $0xb8;
	[tilespmem:$0x1C400] =	vst v63  }
0xf9: {  	_ =	swait.ge [sflag:s12], $0x4000  }
0xfa: {  	[sflag:s12] =	ssyncset.done $0x0  }
0xfb: {  	[sflag:s12] =	ssyncadd.s32 $0xFFFFC000  }
0xfc: {  	_ =	swait.ge [sflag:s19], $0x4000  }
0xfd: {  	[sflag:s19] =	ssyncset.done $0x0  }
0xfe: {  	[sflag:s19] =	ssyncadd.s32 $0xFFFFC000  }
0xff: {  	[spmem:s3] =	stream.indirect.scatter.add.f32 [tilespmem:s18], [sflag:$0x2], $0x80, s0, s15, $0xb8;
	[tilespmem:$0x1C400] =	vst v63  }
0x100: {  	_ =	swait.ge [sflag:s12], $0x4000  }
0x101: {  	[sflag:s12] =	ssyncset.done $0x0  }
0x102: {  	[sflag:s12] =	ssyncadd.s32 $0xFFFFC000  }
0x103: {  	[bflag:$0x0] =	sbarrier.arrive $0xFFFF  }
0x104: {  	s8 =	rddreg [dreg:$0x5]  }
0x105: {  	s11 =	rddreg [dreg:$0x6]  }
0x106: {  	s6 =	rddreg [dreg:$0x8]  }
0x107: {  	[hbm:s11], [sflag:s8] =	dma.local [spmem:s6], $0x2780  }
0x108: {  	_ =	swait.ge [sflag:s12], $0x2780  }
0x109: {  	s5 =	rddreg [dreg:$0x9]  }
0x10a: {  	s11 =	rddreg [dreg:$0x7];
	s7 =	sadd.s32 $0x1, s5  }
0x10b: {  	p0 =	sne.s32 s7, s11  }
.Ltmp1:
0x10c: {  	_ = 	snop;
	(pc) =	sbr.rel @p0 .LBB2_1-.Ltmp1, $3  }
0x10d: {  	_ =	sdelay $0x1  }
0x10e: {  	[sflag:s12] =	ssyncset.done $0x0  }
0x10f: {  	[sflag:s12] =	ssyncadd.s32 $0xFFFFD880  }
0x110: {  	_ =	sfence.sel $0x180000  }
0x111: {  	[bflag:$0x0] =	sbarrier.arrive $0xFFFF  }
0x112: {  	_ =	strace $0x90000047  }
0x113: {  	s0 =	stileid.u32;
	[bflag:$0x2] =	sbarrier.arrive $0xFFFF  }
0x114: {  	p0 =	sne.s32 s0, $0x0;
	s0 =	rddreg [dreg:$0x3]  }
0x115: {  	s0 =	sadd.s32 @!p0 $0x100000, s0  }
0x116: {  	[sflag:s0] =	ssyncadd.tile.s32 @!p0 $0x1;
	_ =	shalt  }
.Lfunc_end2:
_tile_overlayer_lowered:
.L_overlay_start_2:
0x117: {  	(tag) =	ssettag $0x2  }
0x118: {  	s0 =	rddreg [dreg:$0x0];
	s2 =	stileid.u32  }
0x119: {  	s1 =	rddreg [dreg:$0x1];
	p0 =	sne.s32 s2, $0x0  }
0x11a: {  	s3 =	rddreg [dreg:$0x2];
	[bflag:$0x3] =	sbarrier.arrive $0xFFFF;
	s2 =	simm.s32 @!p0 $0x1C02  }
0x11b: {  	[timem:s3], [sflag:s2] =	dma.local @!p0 [hbm:s0], s1  }
0x11c: {  	s0 =	simm.s32 @!p0 $0x2  }
0x11d: {  	_ =	swait.ge @!p0 [sflag:s0], s1  }
0x11e: {  	s1 =	ssub.s32 @!p0 $0x0, s1;
	[sflag:s0] =	ssyncset.done @!p0 $0x0  }
0x11f: {  	[sflag:s0] =	ssyncadd.s32 @!p0 s1  }
0x120: {  	[bflag:$0x3] =	sbarrier.arrive $0xFFFF  }
0x121: {  	_ =	shalt  }

// kernel: kernel.15.cloned.1.call-start
scs
__scs_entry_jumppad:
0x0: {  	(pc) =	sbr.rel $0x88, $3  }
0x1: {  	(tag) =	ssettag $0x0;
	lr =	simm.s32 $0x1  }
0x2: {  	[smem:$0x3F96] =	sst lr;
	_ =	strace $0xD0000000  }
0x3: {  	_ = 	snop  }
0x4: {  	_ = 	snop  }
0x5: {  	_ = 	snop  }
0x6: {  	_ = 	snop  }
0x7: {  	_ = 	snop  }
__scs_overlays_trampoline_lowered:
0x8: {  	[smem:$0x3FA5] =	sst s0  }
0x9: {  	[smem:$0x3FA6] =	sst s1  }
0xa: {  	[smem:$0x3FA7] =	sst s2  }
0xb: {  	[smem:$0x3FA8] =	sst s3  }
0xc: {  	[smem:$0x3FA9] =	sst s4  }
0xd: {  	[smem:$0x3FAA] =	sst s5  }
0xe: {  	[smem:$0x3FAB] =	sst s6  }
0xf: {  	[smem:$0x3FAC] =	sst s7  }
0x10: {  	[smem:$0x3FAD] =	sst s8  }
0x11: {  	[smem:$0x3FAE] =	sst s9;
	s0 =	simm.s32 @!p0 $0x0  }
0x12: {  	s1 =	sld [smem:$0x3F94];
	s0 =	simm.s32 @p0 $0x1  }
0x13: {  	[smem:$0x3FAF] =	sst s0;
	s0 =	simm.s32 @!p1 $0x0  }
0x14: {  	s2 =	sld [smem:$0x3F93];
	s0 =	simm.s32 @p1 $0x1  }
0x15: {  	[smem:$0x3FB0] =	sst s0;
	s0 =	simm.s32 @!p2 $0x0  }
0x16: {  	s3 =	sld [smem:$0x3FDB];
	s0 =	simm.s32 @p2 $0x1  }
0x17: {  	s4 =	simm.s32 $0x1BF5;
	[smem:$0x3FB2] =	sst s0  }
0x18: {  	s0 =	sld [smem:$0x3F95];
	_ =	swait.ge [sflag:s4], $0x0  }
0x19: {  	s7 =	sld [smem:$0x3F96]  }
0x1a: {  	s8 =	sadd.s32 $0xFFFFE003, lr  }
0x1b: {  	s9 =	sadd.s32 $0xFFFFFEF7, lr;
	s5 =	simm.s32 $0xFFFFFFFF;
	p2 =	slt.u32 s8, $0xFFFFF086  }
0x1c: {  	p1 =	slt.u32 s9, $0xF7A;
	s5 =	simm.s32 @!p2 $0x0  }
0x1d: {  	s5 =	simm.s32 @p1 $0x1;
	p0 =	seq.s32 s7, s2  }
0x1e: {  	s7 =	smul.u32 @!p0 $0xF7A, s2;
	p2 =	seq.s32 @!p0 s5, $0x0  }
0x1f: {  	s9 =	smul.u32 $0xF7A, s1;
	s8 =	simm.s32 @!p0 $0x1BF5;
	p2 =	por !p2, p0  }
0x20: {  	[sflag:s8] =	ssyncset.s32 @!p0 $0xFFFFF086;
	s6 =	sadd.s32 @!p0 s3, s7;
	s7 =	simm.s32 @!p0 $0x108  }
0x21: {  	s3 =	sadd.s32 s3, s9;
	s6 =	sadd.s32 @!p0 $0x88, s6;
	s7 =	simm.s32 @p2 $0x1082  }
0x22: {  	[simem:s7], [sflag:s8] =	dma.local @!p0 [hbm:s6], $0xF7A  }
0x23: {  	s9 =	sor.u32 $0xD0000000, s2;
	s6 =	simm.s32 $0x108;
	_ =	swait.ge @!p0 [sflag:s8], $0x0  }
0x24: {  	s3 =	sadd.s32 $0x88, s3;
	s6 =	simm.s32 @!p1 $0x1082;
	[sflag:s4] =	ssyncset.s32 $0xFFFFF086  }
0x25: {  	[simem:s6], [sflag:s4] =	dma.local [hbm:s3], $0xF7A  }
0x26: {  	[smem:$0x3F96] =	sst s1;
	(tag) =	ssettag s2;
	_ =	strace s9  }
0x27: {  	s1 =	sld [smem:$0x3FA6]  }
0x28: {  	s2 =	sld [smem:$0x3FA7]  }
0x29: {  	s4 =	sld [smem:$0x3FA9]  }
0x2a: {  	p0 =	seq.s32 s5, $0x0;
	s5 =	sld [smem:$0x3FAA]  }
0x2b: {  	s6 =	sld [smem:$0x3FAB]  }
0x2c: {  	s7 =	sld [smem:$0x3FAC]  }
0x2d: {  	s3 =	simm.s32 $0x108;
	s8 =	sld [smem:$0x3FAD]  }
0x2e: {  	s3 =	simm.s32 @!p0 $0x1082;
	s9 =	sld [smem:$0x3FAE]  }
0x2f: {  	lr =	sadd.s32 s0, s3;
	s0 =	sld [smem:$0x3FA5]  }
0x30: {  	s3 =	sld [smem:$0x3FA8]  }
0x31: {  	[smem:$0x3FB1] =	sst s10  }
0x32: {  	s10 =	sld [smem:$0x3FAF];
	_ =	sdelay $0x3  }
0x33: {  	p0 =	seq.s32 s10, $0x1;
	s10 =	sld [smem:$0x3FB1];
	_ =	sdelay $0x3  }
0x34: {  	[smem:$0x3FB1] =	sst s10  }
0x35: {  	s10 =	sld [smem:$0x3FB0];
	_ =	sdelay $0x3  }
0x36: {  	p1 =	seq.s32 s10, $0x1;
	s10 =	sld [smem:$0x3FB1];
	_ =	sdelay $0x3  }
0x37: {  	[smem:$0x3FB1] =	sst s10  }
0x38: {  	s10 =	sld [smem:$0x3FB2]  }
0x39: {  	_ = 	snop;
	(pc) =	sbr.ind lr, $3  }
0x3a: {  	_ = 	snop  }
0x3b: {  	_ = 	snop  }
0x3c: {  	p2 =	seq.s32 s10, $0x1;
	s10 =	sld [smem:$0x3FB1]  }
0x3d: {  	_ =	shalt  }
0x3e: {  	_ =	shalt  }
0x3f: {  	_ =	shalt  }
0x40: {  	_ =	shalt  }
0x41: {  	_ =	shalt  }
0x42: {  	_ =	shalt  }
0x43: {  	_ =	shalt  }
0x44: {  	_ =	shalt  }
0x45: {  	_ =	shalt  }
0x46: {  	_ =	shalt  }
0x47: {  	_ =	shalt  }
0x48: {  	_ =	shalt  }
0x49: {  	_ =	shalt  }
0x4a: {  	_ =	shalt  }
0x4b: {  	_ =	shalt  }
0x4c: {  	_ =	shalt  }
0x4d: {  	_ =	shalt  }
0x4e: {  	_ =	shalt  }
0x4f: {  	_ =	shalt  }
0x50: {  	_ =	shalt  }
0x51: {  	_ =	shalt  }
0x52: {  	_ =	shalt  }
0x53: {  	_ =	shalt  }
0x54: {  	_ =	shalt  }
0x55: {  	_ =	shalt  }
0x56: {  	_ =	shalt  }
0x57: {  	_ =	shalt  }
0x58: {  	_ =	shalt  }
0x59: {  	_ =	shalt  }
0x5a: {  	_ =	shalt  }
0x5b: {  	_ =	shalt  }
0x5c: {  	_ =	shalt  }
0x5d: {  	_ =	shalt  }
0x5e: {  	_ =	shalt  }
0x5f: {  	_ =	shalt  }
0x60: {  	_ =	shalt  }
0x61: {  	_ =	shalt  }
0x62: {  	_ =	shalt  }
0x63: {  	_ =	shalt  }
0x64: {  	_ =	shalt  }
0x65: {  	_ =	shalt  }
0x66: {  	_ =	shalt  }
0x67: {  	_ =	shalt  }
0x68: {  	_ =	shalt  }
0x69: {  	_ =	shalt  }
0x6a: {  	_ =	shalt  }
0x6b: {  	_ =	shalt  }
0x6c: {  	_ =	shalt  }
0x6d: {  	_ =	shalt  }
0x6e: {  	_ =	shalt  }
0x6f: {  	_ =	shalt  }
0x70: {  	_ =	shalt  }
0x71: {  	_ =	shalt  }
0x72: {  	_ =	shalt  }
0x73: {  	_ =	shalt  }
0x74: {  	_ =	shalt  }
0x75: {  	_ =	shalt  }
0x76: {  	_ =	shalt  }
0x77: {  	_ =	shalt  }
0x78: {  	_ =	shalt  }
0x79: {  	_ =	shalt  }
0x7a: {  	_ =	shalt  }
0x7b: {  	_ =	shalt  }
0x7c: {  	_ =	shalt  }
0x7d: {  	_ =	shalt  }
0x7e: {  	_ =	shalt  }
0x7f: {  	_ =	shalt  }
0x80: {  	_ =	shalt  }
0x81: {  	_ =	shalt  }
0x82: {  	_ =	shalt  }
0x83: {  	_ =	shalt  }
0x84: {  	_ =	shalt  }
0x85: {  	_ =	shalt  }
0x86: {  	_ =	shalt  }
0x87: {  	_ =	shalt  }
.Lfunc_end0:
.L_simem_size_0:
called_computation.2_lowered:
.L_overlay_start_0:
0x88: {  	s2 =	sld [smem:$0x3FD9]  }
0x89: {  	s3 =	sld [smem:$0x3FFE];
	_ =	sdelay $0x1  }
0x8a: {  	s1 =	srdreg.scid  }
0x8b: {  	s0 =	sand.u32 $0x1, s1  }
0x8c: {  	s17 =	sshll.u32 s0, $0xA;
	s2 =	sadd.s32 s3, s2  }
0x8d: {  	s2 =	sadd.s32 s2, s17  }
0x8e: {  	[smem:$0x3FBD] =	sst s2  }
0x8f: {  	_ = 	snop  }
0x90: {  	s2 =	sld [smem:$0x3FD0];
	(tm) =	ssettm $0x1  }
0x91: {  	s18 =	sld [smem:$0x3FFB];
	_ =	sdelay $0x3  }
0x92: {  	_ =	strace s18  }
0x93: {  	s3 =	sld [smem:$0x3FFC];
	_ =	sdelay $0x3  }
0x94: {  	_ =	strace s3  }
0x95: {  	s3 =	sld [smem:$0x3FFD];
	_ =	sdelay $0x3  }
0x96: {  	_ =	strace s3  }
0x97: {  	_ =	strace $0x8FFFFFFF  }
0x98: {  	s19 =	sld [smem:$0x3FDB];
	_ =	sdelay $0x1  }
0x99: {  	s4 =	simm.s32 $_scs_section_size  }
0x9a: {  	s5 =	simm.s32 $_size__tile_overlayer_lowered;
	s6 =	simm.s32 $_tile_overlayer_lowered  }
0x9b: {  	s22 =	simm.s32 $0x1BFF;
	s21 =	sshll.u32 s6, $0x1;
	s3 =	sadd.s32 s4, s19  }
0x9c: {  	s7 =	simm.s32 $0x0;
	s20 =	sshll.u32 s5, $0x1;
	s5 =	sadd.s32 s21, s3  }
0x9d: {  	[timem:s7], [sflag:s22] =	dma.local [hbm:s5], s20  }
0x9e: {  	_ =	swait.ge [sflag:s22], s20  }
0x9f: {  	s4 =	ssub.s32 $0x0, s20;
	[sflag:s22] =	ssyncset.done $0x0  }
0xa0: {  	[sflag:s22] =	ssyncadd.s32 s4;
	_ =	sdelay $0x1  }
0xa1: {  	s23 =	simm.s32 $0x1B8B  }
0xa2: {  	_ =	swait.ge [sflag:s23], $0x1  }
0xa3: {  	[sflag:s23] =	ssyncset.done $0x0  }
0xa4: {  	s25 =	simm.s32 $0x1B8E;
	s24 =	sld [smem:$0x3FFE];
	[sflag:s23] =	ssyncadd.s32 $0xFFFFFFFF  }
0xa5: {  	s26 =	simm.s32 $execute0_lowered;
	[smem:$0x3FD2] =	sst s25  }
0xa6: {  	s5 =	sshll.u32 s26, $0x1;
	_ =	strace $0x8000004C;
	[dreg:$0x1] =	wrdreg $0xFFFFFFFF  }
0xa7: {  	s28 =	simm.s32 $_size_execute0_lowered;
	s3 =	sadd.s32 s3, s5;
	[dreg:$0x0] =	wrdreg $0x0  }
0xa8: {  	s5 =	sshll.u32 s28, $0x1;
	[dreg:$0x2] =	wrdreg s3  }
0xa9: {  	[dreg:$0x3] =	wrdreg s5  }
0xaa: {  	[dreg:$0x4] =	wrdreg $0xC0  }
0xab: {  	_ =	task [dreg:s7], $0x5FFFF  }
0xac: {  	[dreg:$0x1] =	wrdreg $0xFFFFFFFF  }
0xad: {  	[dreg:$0x0] =	wrdreg $0x60  }
0xae: {  	[dreg:$0x2] =	wrdreg s2  }
0xaf: {  	[dreg:$0x3] =	wrdreg s24  }
0xb0: {  	[dreg:$0x4] =	wrdreg $0x0  }
0xb1: {  	[dreg:$0x5] =	wrdreg $0x9  }
0xb2: {  	_ =	task.clear_ibuf [dreg:s7], $0x6FFFF;
	_ =	strace $0x9000004C  }
0xb3: {  	s29 =	simm.s32 $0x9;
	_ =	strace $0x8000004E  }
0xb4: {  	_ =	swait.ge [sflag:s29], $0x1  }
0xb5: {  	[sflag:s29] =	ssyncadd.s32 $0xFFFFFFFF  }
0xb6: {  	_ =	strace $0x9000004E  }
0xb7: {  	_ =	sfence  }
0xb8: {  	s30 =	sld [smem:$0x0];
	_ =	sdelay $0x2  }
0xb9: {  	s31 =	sshll.u32 s1, $0xD;
	s1 =	sshrl.u32 s1, $0x2  }
0xba: {  	s3 =	sand.u32 $0x4000, s31;
	s1 =	sadd.s32 s1, s30  }
0xbb: {  	s0 =	sor.u32 s3, s0;
	s1 =	sshll.u32 s1, $0x11  }
0xbc: {  	s0 =	sor.u32 s1, s0  }
0xbd: {  	s0 =	sadd.s32 $0x8F2B, s0  }
0xbe: {  	[sflag:s0] =	ssyncadd.remote.s32 $0x1  }
0xbf: {  	_ =	sfence.sel $0xFFFF  }
0xc0: {  	[dreg:$0x0] =	wrdreg $0xFFFFFFFF;
	(pc) =	sbr.abs _section_cstart, $3  }
0xc1: {  	[dreg:$0x1] =	wrdreg $0xFFFFFFFF  }
0xc2: {  	_ =	task.clear_ibuf [dreg:s7], $0x2FFFF;
	_ =	strace $0x9FFFFFFF  }
0xc3: {  	(tm) =	ssettm $0x7FFFFFFF  }
tec
execute0_lowered:
.L_overlay_start_1:
0x0: {  	(tag) =	ssettag $0x1  }
0x1: {  	s1 =	rddreg [dreg:$0x0]  }
0x2: {  	s0 =	srdreg.scid;
	s2 =	rddreg [dreg:$0x1]  }
0x3: {  	s9 =	stileid.u32;
	s3 =	rddreg [dreg:$0x2]  }
0x4: {  	s4 =	simm.s32 $0x0;
	s12 =	simm.s32 $0x2;
	s13 =	simm.s32 $0x13C00  }
0x5: {  	s14 =	simm.s32 $0x14000;
	s15 =	simm.s32 $0x80;
	s16 =	simm.s32 $0x14400  }
0x6: {  	s17 =	simm.s32 $0x13C80;
	s18 =	simm.s32 $0x18400;
	s19 =	simm.s32 $0x1  }
0x7: {  	s20 =	simm.s32 $0x14080;
	s21 =	simm.s32 $0x13D00;
	s6 =	smul.u32 $0x2800, s9  }
0x8: {  	s28 =	simm.s32 $0x14200;
	s29 =	simm.s32 $0x14280;
	s22 =	smul.u32 $0x13C00, s9  }
0x9: {  	s30 =	simm.s32 $0x13F00;
	s31 =	simm.s32 $0x13F80;
	s8 =	smul.u32 $0x500, s9  }
0xa: {  	s0 =	sand.u32 $0x1, s0;
	[smem:$0x7FF] =	sst s4;
	s24 =	smul.u32 $0x4F000, s9  }
0xb: {  	s10 =	sadd.s32 $0x12400, s2;
	s9 =	sshll.u32 s9, $0x6;
	s5 =	smul.u32 $0x28000, s0  }
0xc: {  	s7 =	smul.u32 $0x13C000, s0;
	_ =	strace $0x8000004D;
	s0 =	ssub.s32 $0x2, s0  }
0xd: {  	[dreg:$0x4] =	wrdreg s10;
	s23 =	sadd.s32 s8, s2;
	s25 =	sshrl.u32 s0, $0x1  }
0xe: {  	s8 =	sshrl.u32 s24, $0x2;
	s24 =	simm.s32 $0x14180;
	s5 =	sadd.s32 s6, s5  }
0xf: {  	s6 =	sadd.s32 s22, s7;
	s0 =	ssub.s32 s0, s25;
	s26 =	sadd.s32 s8, s3  }
0x10: {  	s8 =	sor.u32 $0x1C02, s9;
	s9 =	sadd.s32 $0x3400, s23;
	s22 =	simm.s32 $0x13D80  }
0x11: {  	s23 =	simm.s32 $0x14100;
	s25 =	simm.s32 $0x13E00;
	s7 =	simm.s32 $0x0  }
0x12: {  	s5 =	sshrl.u32 s5, $0x3;
	s6 =	sshrl.u32 s6, $0x3;
	s0 =	smax.u32 s0, $0x1  }
0x13: {  	[dreg:$0x5] =	wrdreg s8;
	s5 =	sadd.s32 s5, s2;
	s2 =	sadd.s32 s6, s2  }
0x14: {  	[dreg:$0x7] =	wrdreg s0;
	s6 =	sshrl.u32 s26, $0x3;
	s26 =	simm.s32 $0x13E80  }
0x15: {  	s0 =	simm.s32 $0x14380;
	s2 =	sadd.s32 $0x14C00, s2;
	[dreg:$0x8] =	wrdreg s6  }
0x16: {  	s10 =	sadd.s32 $0x8400, s5;
	[dreg:$0x6] =	wrdreg s2;
	s2 =	simm.s32 $0x14300  }
.LBB2_1:
0x17: {  	[dreg:$0x9] =	wrdreg s7  }
0x18: {  	s5 =	rddreg [dreg:$0x4]  }
0x19: {  	[spmem:s6], [sflag:s8] =	dma.local [hbm:s5], $0x2780  }
0x1a: {  	_ =	swait.ge [sflag:s12], $0x2780  }
0x1b: {  	[sflag:s12] =	ssyncset.done $0x0  }
0x1c: {  	[sflag:s12] =	ssyncadd.s32 $0xFFFFD880  }
0x1d: {  	s8 =	sadd.s32 $0x0, s10;
	[bflag:$0x0] =	sbarrier.arrive $0xFFFF  }
0x1e: {  	[tilespmem:s13], [sflag:$0x2] =	stream.linear.gather [hbm4b:s8+s4], $0x400, $0x38;
	[tilespmem:$0x1C400] =	vst v63  }
0x1f: {  	_ =	swait.ge [sflag:s12], $0x400  }
0x20: {  	[sflag:s12] =	ssyncset.done $0x0  }
0x21: {  	s11 =	sadd.s32 $0x0, s9;
	[sflag:s12] =	ssyncadd.s32 $0xFFFFFC00  }
0x22: {  	[tilespmem:s14], [sflag:$0x2] =	stream.linear.gather [hbm4b:s11+s4], $0x400, $0x38;
	[tilespmem:$0x1C400] =	vst v63  }
0x23: {  	_ =	swait.ge [sflag:s12], $0x400  }
0x24: {  	[sflag:s12] =	ssyncset.done $0x0  }
0x25: {  	[sflag:s12] =	ssyncadd.s32 $0xFFFFFC00  }
0x26: {  	[tilespmem:s16], [sflag:$0x1] =	stream.indirect.gather [hbm4b:s1+s15], $0x80, s13, s15, $0xb8;
	[tilespmem:$0x1C400] =	vst v63  }
0x27: {  	_ = 	snop  }
0x28: {  	[tilespmem:s18], [sflag:$0x1] =	stream.indirect.gather [hbm4b:s1+s15], $0x80, s17, s15, $0xb8;
	[tilespmem:$0x1C400] =	vst v63  }
0x29: {  	_ =	swait.ge [sflag:s19], $0x4000  }
0x2a: {  	[sflag:s19] =	ssyncset.done $0x0  }
0x2b: {  	[sflag:s19] =	ssyncadd.s32 $0xFFFFC000  }
0x2c: {  	[spmem:s3] =	stream.indirect.scatter.add.f32 [tilespmem:s16], [sflag:$0x2], $0x80, s14, s15, $0xb8;
	[tilespmem:$0x1C400] =	vst v63  }
0x2d: {  	_ =	swait.ge [sflag:s12], $0x4000  }
0x2e: {  	[sflag:s12] =	ssyncset.done $0x0  }
0x2f: {  	[sflag:s12] =	ssyncadd.s32 $0xFFFFC000  }
0x30: {  	_ =	swait.ge [sflag:s19], $0x4000  }
0x31: {  	[sflag:s19] =	ssyncset.done $0x0  }
0x32: {  	[sflag:s19] =	ssyncadd.s32 $0xFFFFC000  }
0x33: {  	[spmem:s3] =	stream.indirect.scatter.add.f32 [tilespmem:s18], [sflag:$0x2], $0x80, s20, s15, $0xb8;
	[tilespmem:$0x1C400] =	vst v63  }
0x34: {  	_ =	swait.ge [sflag:s12], $0x4000  }
0x35: {  	[sflag:s12] =	ssyncset.done $0x0  }
0x36: {  	[sflag:s12] =	ssyncadd.s32 $0xFFFFC000  }
0x37: {  	[tilespmem:s16], [sflag:$0x1] =	stream.indirect.gather [hbm4b:s1+s15], $0x80, s21, s15, $0xb8;
	[tilespmem:$0x1C400] =	vst v63  }
0x38: {  	_ = 	snop  }
0x39: {  	[tilespmem:s18], [sflag:$0x1] =	stream.indirect.gather [hbm4b:s1+s15], $0x80, s22, s15, $0xb8;
	[tilespmem:$0x1C400] =	vst v63  }
0x3a: {  	_ =	swait.ge [sflag:s19], $0x4000  }
0x3b: {  	[sflag:s19] =	ssyncset.done $0x0  }
0x3c: {  	[sflag:s19] =	ssyncadd.s32 $0xFFFFC000  }
0x3d: {  	[spmem:s3] =	stream.indirect.scatter.add.f32 [tilespmem:s16], [sflag:$0x2], $0x80, s23, s15, $0xb8;
	[tilespmem:$0x1C400] =	vst v63  }
0x3e: {  	_ =	swait.ge [sflag:s12], $0x4000  }
0x3f: {  	[sflag:s12] =	ssyncset.done $0x0  }
0x40: {  	[sflag:s12] =	ssyncadd.s32 $0xFFFFC000  }
0x41: {  	_ =	swait.ge [sflag:s19], $0x4000  }
0x42: {  	[sflag:s19] =	ssyncset.done $0x0  }
0x43: {  	[sflag:s19] =	ssyncadd.s32 $0xFFFFC000  }
0x44: {  	[spmem:s3] =	stream.indirect.scatter.add.f32 [tilespmem:s18], [sflag:$0x2], $0x80, s24, s15, $0xb8;
	[tilespmem:$0x1C400] =	vst v63  }
0x45: {  	_ =	swait.ge [sflag:s12], $0x4000  }
0x46: {  	[sflag:s12] =	ssyncset.done $0x0  }
0x47: {  	[sflag:s12] =	ssyncadd.s32 $0xFFFFC000  }
0x48: {  	[tilespmem:s16], [sflag:$0x1] =	stream.indirect.gather [hbm4b:s1+s15], $0x80, s25, s15, $0xb8;
	[tilespmem:$0x1C400] =	vst v63  }
0x49: {  	_ = 	snop  }
0x4a: {  	[tilespmem:s18], [sflag:$0x1] =	stream.indirect.gather [hbm4b:s1+s15], $0x80, s26, s15, $0xb8;
	[tilespmem:$0x1C400] =	vst v63  }
0x4b: {  	_ =	swait.ge [sflag:s19], $0x4000  }
0x4c: {  	[sflag:s19] =	ssyncset.done $0x0  }
0x4d: {  	[sflag:s19] =	ssyncadd.s32 $0xFFFFC000  }
0x4e: {  	[spmem:s3] =	stream.indirect.scatter.add.f32 [tilespmem:s16], [sflag:$0x2], $0x80, s28, s15, $0xb8;
	[tilespmem:$0x1C400] =	vst v63  }
0x4f: {  	_ =	swait.ge [sflag:s12], $0x4000  }
0x50: {  	[sflag:s12] =	ssyncset.done $0x0  }
0x51: {  	[sflag:s12] =	ssyncadd.s32 $0xFFFFC000  }
0x52: {  	_ =	swait.ge [sflag:s19], $0x4000  }
0x53: {  	[sflag:s19] =	ssyncset.done $0x0  }
0x54: {  	[sflag:s19] =	ssyncadd.s32 $0xFFFFC000  }
0x55: {  	[spmem:s3] =	stream.indirect.scatter.add.f32 [tilespmem:s18], [sflag:$0x2], $0x80, s29, s15, $0xb8;
	[tilespmem:$0x1C400] =	vst v63  }
0x56: {  	_ =	swait.ge [sflag:s12], $0x4000  }
0x57: {  	[sflag:s12] =	ssyncset.done $0x0  }
0x58: {  	[sflag:s12] =	ssyncadd.s32 $0xFFFFC000  }
0x59: {  	[tilespmem:s16], [sflag:$0x1] =	stream.indirect.gather [hbm4b:s1+s15], $0x80, s30, s15, $0xb8;
	[tilespmem:$0x1C400] =	vst v63  }
0x5a: {  	_ = 	snop  }
0x5b: {  	[tilespmem:s18], [sflag:$0x1] =	stream.indirect.gather [hbm4b:s1+s15], $0x80, s31, s15, $0xb8;
	[tilespmem:$0x1C400] =	vst v63  }
0x5c: {  	_ =	swait.ge [sflag:s19], $0x4000  }
0x5d: {  	[sflag:s19] =	ssyncset.done $0x0  }
0x5e: {  	[sflag:s19] =	ssyncadd.s32 $0xFFFFC000  }
0x5f: {  	[spmem:s3] =	stream.indirect.scatter.add.f32 [tilespmem:s16], [sflag:$0x2], $0x80, s2, s15, $0xb8;
	[tilespmem:$0x1C400] =	vst v63  }
0x60: {  	_ =	swait.ge [sflag:s12], $0x4000  }
0x61: {  	[sflag:s12] =	ssyncset.done $0x0  }
0x62: {  	[sflag:s12] =	ssyncadd.s32 $0xFFFFC000  }
0x63: {  	_ =	swait.ge [sflag:s19], $0x4000  }
0x64: {  	[sflag:s19] =	ssyncset.done $0x0  }
0x65: {  	[sflag:s19] =	ssyncadd.s32 $0xFFFFC000  }
0x66: {  	[spmem:s3] =	stream.indirect.scatter.add.f32 [tilespmem:s18], [sflag:$0x2], $0x80, s0, s15, $0xb8;
	[tilespmem:$0x1C400] =	vst v63  }
0x67: {  	_ =	swait.ge [sflag:s12], $0x4000  }
0x68: {  	s7 =	simm.s32 $0x80;
	s8 =	simm.s32 $0x100;
	[sflag:s12] =	ssyncset.done $0x0  }
.LBB2_2:
0x69: {  	s11 =	sadd.s32 s7, s10  }
0x6a: {  	[sflag:s12] =	ssyncadd.s32 $0xFFFFC000;
	s5 =	smov.u32 s8;
	s6 =	sadd.s32 $0x80, s8  }
0x6b: {  	[tilespmem:s13], [sflag:$0x2] =	stream.linear.gather [hbm4b:s11+s4], $0x400, $0x38;
	[tilespmem:$0x1C400] =	vst v63  }
0x6c: {  	p0 =	sne.s32 s8, $0x480;
	_ =	swait.ge [sflag:s12], $0x400  }
0x6d: {  	[sflag:s12] =	ssyncset.done $0x0  }
0x6e: {  	s8 =	sadd.s32 s7, s9;
	s7 =	smov.u32 s5;
	[sflag:s12] =	ssyncadd.s32 $0xFFFFFC00  }
0x6f: {  	[tilespmem:s14], [sflag:$0x2] =	stream.linear.gather [hbm4b:s8+s4], $0x400, $0x38;
	[tilespmem:$0x1C400] =	vst v63  }
0x70: {  	_ =	swait.ge [sflag:s12], $0x400  }
0x71: {  	[sflag:s12] =	ssyncset.done $0x0  }
0x72: {  	[sflag:s12] =	ssyncadd.s32 $0xFFFFFC00  }
0x73: {  	[tilespmem:s16], [sflag:$0x1] =	stream.indirect.gather [hbm4b:s1+s15], $0x80, s13, s15, $0xb8;
	[tilespmem:$0x1C400] =	vst v63  }
0x74: {  	_ = 	snop  }
0x75: {  	[tilespmem:s18], [sflag:$0x1] =	stream.indirect.gather [hbm4b:s1+s15], $0x80, s17, s15, $0xb8;
	[tilespmem:$0x1C400] =	vst v63  }
0x76: {  	_ =	swait.ge [sflag:s19], $0x4000  }
0x77: {  	[sflag:s19] =	ssyncset.done $0x0  }
0x78: {  	[sflag:s19] =	ssyncadd.s32 $0xFFFFC000  }
0x79: {  	[spmem:s3] =	stream.indirect.scatter.add.f32 [tilespmem:s16], [sflag:$0x2], $0x80, s14, s15, $0xb8;
	[tilespmem:$0x1C400] =	vst v63  }
0x7a: {  	_ =	swait.ge [sflag:s12], $0x4000  }
0x7b: {  	[sflag:s12] =	ssyncset.done $0x0  }
0x7c: {  	[sflag:s12] =	ssyncadd.s32 $0xFFFFC000  }
0x7d: {  	_ =	swait.ge [sflag:s19], $0x4000  }
0x7e: {  	[sflag:s19] =	ssyncset.done $0x0  }
0x7f: {  	[sflag:s19] =	ssyncadd.s32 $0xFFFFC000  }
0x80: {  	[spmem:s3] =	stream.indirect.scatter.add.f32 [tilespmem:s18], [sflag:$0x2], $0x80, s20, s15, $0xb8;
	[tilespmem:$0x1C400] =	vst v63  }
0x81: {  	_ =	swait.ge [sflag:s12], $0x4000  }
0x82: {  	[sflag:s12] =	ssyncset.done $0x0  }
0x83: {  	[sflag:s12] =	ssyncadd.s32 $0xFFFFC000  }
0x84: {  	[tilespmem:s16], [sflag:$0x1] =	stream.indirect.gather [hbm4b:s1+s15], $0x80, s21, s15, $0xb8;
	[tilespmem:$0x1C400] =	vst v63  }
0x85: {  	_ = 	snop  }
0x86: {  	[tilespmem:s18], [sflag:$0x1] =	stream.indirect.gather [hbm4b:s1+s15], $0x80, s22, s15, $0xb8;
	[tilespmem:$0x1C400] =	vst v63  }
0x87: {  	_ =	swait.ge [sflag:s19], $0x4000  }
0x88: {  	[sflag:s19] =	ssyncset.done $0x0  }
0x89: {  	[sflag:s19] =	ssyncadd.s32 $0xFFFFC000  }
0x8a: {  	[spmem:s3] =	stream.indirect.scatter.add.f32 [tilespmem:s16], [sflag:$0x2], $0x80, s23, s15, $0xb8;
	[tilespmem:$0x1C400] =	vst v63  }
0x8b: {  	_ =	swait.ge [sflag:s12], $0x4000  }
0x8c: {  	[sflag:s12] =	ssyncset.done $0x0  }
0x8d: {  	[sflag:s12] =	ssyncadd.s32 $0xFFFFC000  }
0x8e: {  	_ =	swait.ge [sflag:s19], $0x4000  }
0x8f: {  	[sflag:s19] =	ssyncset.done $0x0  }
0x90: {  	[sflag:s19] =	ssyncadd.s32 $0xFFFFC000  }
0x91: {  	[spmem:s3] =	stream.indirect.scatter.add.f32 [tilespmem:s18], [sflag:$0x2], $0x80, s24, s15, $0xb8;
	[tilespmem:$0x1C400] =	vst v63  }
0x92: {  	_ =	swait.ge [sflag:s12], $0x4000  }
0x93: {  	[sflag:s12] =	ssyncset.done $0x0  }
0x94: {  	[sflag:s12] =	ssyncadd.s32 $0xFFFFC000  }
0x95: {  	[tilespmem:s16], [sflag:$0x1] =	stream.indirect.gather [hbm4b:s1+s15], $0x80, s25, s15, $0xb8;
	[tilespmem:$0x1C400] =	vst v63  }
0x96: {  	_ = 	snop  }
0x97: {  	[tilespmem:s18], [sflag:$0x1] =	stream.indirect.gather [hbm4b:s1+s15], $0x80, s26, s15, $0xb8;
	[tilespmem:$0x1C400] =	vst v63  }
0x98: {  	_ =	swait.ge [sflag:s19], $0x4000  }
0x99: {  	[sflag:s19] =	ssyncset.done $0x0  }
0x9a: {  	[sflag:s19] =	ssyncadd.s32 $0xFFFFC000  }
0x9b: {  	[spmem:s3] =	stream.indirect.scatter.add.f32 [tilespmem:s16], [sflag:$0x2], $0x80, s28, s15, $0xb8;
	[tilespmem:$0x1C400] =	vst v63  }
0x9c: {  	_ =	swait.ge [sflag:s12], $0x4000  }
0x9d: {  	[sflag:s12] =	ssyncset.done $0x0  }
0x9e: {  	[sflag:s12] =	ssyncadd.s32 $0xFFFFC000  }
0x9f: {  	_ =	swait.ge [sflag:s19], $0x4000  }
0xa0: {  	[sflag:s19] =	ssyncset.done $0x0  }
0xa1: {  	[sflag:s19] =	ssyncadd.s32 $0xFFFFC000  }
0xa2: {  	[spmem:s3] =	stream.indirect.scatter.add.f32 [tilespmem:s18], [sflag:$0x2], $0x80, s29, s15, $0xb8;
	[tilespmem:$0x1C400] =	vst v63  }
0xa3: {  	_ =	swait.ge [sflag:s12], $0x4000  }
0xa4: {  	[sflag:s12] =	ssyncset.done $0x0  }
0xa5: {  	[sflag:s12] =	ssyncadd.s32 $0xFFFFC000  }
0xa6: {  	[tilespmem:s16], [sflag:$0x1] =	stream.indirect.gather [hbm4b:s1+s15], $0x80, s30, s15, $0xb8;
	[tilespmem:$0x1C400] =	vst v63  }
0xa7: {  	_ = 	snop  }
0xa8: {  	[tilespmem:s18], [sflag:$0x1] =	stream.indirect.gather [hbm4b:s1+s15], $0x80, s31, s15, $0xb8;
	[tilespmem:$0x1C400] =	vst v63  }
0xa9: {  	_ =	swait.ge [sflag:s19], $0x4000  }
0xaa: {  	[sflag:s19] =	ssyncset.done $0x0  }
0xab: {  	[sflag:s19] =	ssyncadd.s32 $0xFFFFC000  }
0xac: {  	[spmem:s3] =	stream.indirect.scatter.add.f32 [tilespmem:s16], [sflag:$0x2], $0x80, s2, s15, $0xb8;
	[tilespmem:$0x1C400] =	vst v63  }
0xad: {  	_ =	swait.ge [sflag:s12], $0x4000  }
0xae: {  	[sflag:s12] =	ssyncset.done $0x0  }
0xaf: {  	[sflag:s12] =	ssyncadd.s32 $0xFFFFC000  }
0xb0: {  	_ =	swait.ge [sflag:s19], $0x4000  }
.Ltmp0:
0xb1: {  	[sflag:s19] =	ssyncset.done $0x0;
	(pc) =	sbr.rel @p0 .LBB2_2-.Ltmp0, $4  }
0xb2: {  	[sflag:s19] =	ssyncadd.s32 $0xFFFFC000  }
0xb3: {  	[spmem:s3] =	stream.indirect.scatter.add.f32 [tilespmem:s18], [sflag:$0x2], $0x80, s0, s15, $0xb8;
	[tilespmem:$0x1C400] =	vst v63  }
0xb4: {  	_ =	swait.ge [sflag:s12], $0x4000  }
0xb5: {  	s8 =	smov.u32 s6;
	[sflag:s12] =	ssyncset.done $0x0  }
0xb6: {  	s5 =	sadd.s32 s7, s10;
	[sflag:s12] =	ssyncadd.s32 $0xFFFFC000  }
0xb7: {  	[tilespmem:s13], [sflag:$0x2] =	stream.linear.gather [hbm4b:s5+s4], $0x400, $0x38;
	[tilespmem:$0x1C400] =	vst v63  }
0xb8: {  	_ =	swait.ge [sflag:s12], $0x400  }
0xb9: {  	[sflag:s12] =	ssyncset.done $0x0  }
0xba: {  	s8 =	sadd.s32 s7, s9;
	[sflag:s12] =	ssyncadd.s32 $0xFFFFFC00  }
0xbb: {  	[tilespmem:s14], [sflag:$0x2] =	stream.linear.gather [hbm4b:s8+s4], $0x400, $0x38;
	[tilespmem:$0x1C400] =	vst v63  }
0xbc: {  	_ =	swait.ge [sflag:s12], $0x400  }
0xbd: {  	[sflag:s12] =	ssyncset.done $0x0  }
0xbe: {  	[sflag:s12] =	ssyncadd.s32 $0xFFFFFC00  }
0xbf: {  	[tilespmem:s16], [sflag:$0x1] =	stream.indirect.gather [hbm4b:s1+s15], $0x80, s13, s15, $0xb8;
	[tilespmem:$0x1C400] =	vst v63  }
0xc0: {  	_ = 	snop  }
0xc1: {  	[tilespmem:s18], [sflag:$0x1] =	stream.indirect.gather [hbm4b:s1+s15], $0x80, s17, s15, $0xb8;
	[tilespmem:$0x1C400] =	vst v63  }
0xc2: {  	_ =	swait.ge [sflag:s19], $0x4000  }
0xc3: {  	[sflag:s19] =	ssyncset.done $0x0  }
0xc4: {  	[sflag:s19] =	ssyncadd.s32 $0xFFFFC000  }
0xc5: {  	[spmem:s3] =	stream.indirect.scatter.add.f32 [tilespmem:s16], [sflag:$0x2], $0x80, s14, s15, $0xb8;
	[tilespmem:$0x1C400] =	vst v63  }
0xc6: {  	_ =	swait.ge [sflag:s12], $0x4000  }
0xc7: {  	[sflag:s12] =	ssyncset.done $0x0  }
0xc8: {  	[sflag:s12] =	ssyncadd.s32 $0xFFFFC000  }
0xc9: {  	_ =	swait.ge [sflag:s19], $0x4000  }
0xca: {  	[sflag:s19] =	ssyncset.done $0x0  }
0xcb: {  	[sflag:s19] =	ssyncadd.s32 $0xFFFFC000  }
0xcc: {  	[spmem:s3] =	stream.indirect.scatter.add.f32 [tilespmem:s18], [sflag:$0x2], $0x80, s20, s15, $0xb8;
	[tilespmem:$0x1C400] =	vst v63  }
0xcd: {  	_ =	swait.ge [sflag:s12], $0x4000  }
0xce: {  	[sflag:s12] =	ssyncset.done $0x0  }
0xcf: {  	[sflag:s12] =	ssyncadd.s32 $0xFFFFC000  }
0xd0: {  	[tilespmem:s16], [sflag:$0x1] =	stream.indirect.gather [hbm4b:s1+s15], $0x80, s21, s15, $0xb8;
	[tilespmem:$0x1C400] =	vst v63  }
0xd1: {  	_ = 	snop  }
0xd2: {  	[tilespmem:s18], [sflag:$0x1] =	stream.indirect.gather [hbm4b:s1+s15], $0x80, s22, s15, $0xb8;
	[tilespmem:$0x1C400] =	vst v63  }
0xd3: {  	_ =	swait.ge [sflag:s19], $0x4000  }
0xd4: {  	[sflag:s19] =	ssyncset.done $0x0  }
0xd5: {  	[sflag:s19] =	ssyncadd.s32 $0xFFFFC000  }
0xd6: {  	[spmem:s3] =	stream.indirect.scatter.add.f32 [tilespmem:s16], [sflag:$0x2], $0x80, s23, s15, $0xb8;
	[tilespmem:$0x1C400] =	vst v63  }
0xd7: {  	_ =	swait.ge [sflag:s12], $0x4000  }
0xd8: {  	[sflag:s12] =	ssyncset.done $0x0  }
0xd9: {  	[sflag:s12] =	ssyncadd.s32 $0xFFFFC000  }
0xda: {  	_ =	swait.ge [sflag:s19], $0x4000  }
0xdb: {  	[sflag:s19] =	ssyncset.done $0x0  }
0xdc: {  	[sflag:s19] =	ssyncadd.s32 $0xFFFFC000  }
0xdd: {  	[spmem:s3] =	stream.indirect.scatter.add.f32 [tilespmem:s18], [sflag:$0x2], $0x80, s24, s15, $0xb8;
	[tilespmem:$0x1C400] =	vst v63  }
0xde: {  	_ =	swait.ge [sflag:s12], $0x4000  }
0xdf: {  	[sflag:s12] =	ssyncset.done $0x0  }
0xe0: {  	[sflag:s12] =	ssyncadd.s32 $0xFFFFC000  }
0xe1: {  	[tilespmem:s16], [sflag:$0x1] =	stream.indirect.gather [hbm4b:s1+s15], $0x80, s25, s15, $0xb8;
	[tilespmem:$0x1C400] =	vst v63  }
0xe2: {  	_ = 	snop  }
0xe3: {  	[tilespmem:s18], [sflag:$0x1] =	stream.indirect.gather [hbm4b:s1+s15], $0x80, s26, s15, $0xb8;
	[tilespmem:$0x1C400] =	vst v63  }
0xe4: {  	_ =	swait.ge [sflag:s19], $0x4000  }
0xe5: {  	[sflag:s19] =	ssyncset.done $0x0  }
0xe6: {  	[sflag:s19] =	ssyncadd.s32 $0xFFFFC000  }
0xe7: {  	[spmem:s3] =	stream.indirect.scatter.add.f32 [tilespmem:s16], [sflag:$0x2], $0x80, s28, s15, $0xb8;
	[tilespmem:$0x1C400] =	vst v63  }
0xe8: {  	_ =	swait.ge [sflag:s12], $0x4000  }
0xe9: {  	[sflag:s12] =	ssyncset.done $0x0  }
0xea: {  	[sflag:s12] =	ssyncadd.s32 $0xFFFFC000  }
0xeb: {  	_ =	swait.ge [sflag:s19], $0x4000  }
0xec: {  	[sflag:s19] =	ssyncset.done $0x0  }
0xed: {  	[sflag:s19] =	ssyncadd.s32 $0xFFFFC000  }
0xee: {  	[spmem:s3] =	stream.indirect.scatter.add.f32 [tilespmem:s18], [sflag:$0x2], $0x80, s29, s15, $0xb8;
	[tilespmem:$0x1C400] =	vst v63  }
0xef: {  	_ =	swait.ge [sflag:s12], $0x4000  }
0xf0: {  	[sflag:s12] =	ssyncset.done $0x0  }
0xf1: {  	[sflag:s12] =	ssyncadd.s32 $0xFFFFC000  }
0xf2: {  	[tilespmem:s16], [sflag:$0x1] =	stream.indirect.gather [hbm4b:s1+s15], $0x80, s30, s15, $0xb8;
	[tilespmem:$0x1C400] =	vst v63  }
0xf3: {  	_ = 	snop  }
0xf4: {  	[tilespmem:s18], [sflag:$0x1] =	stream.indirect.gather [hbm4b:s1+s15], $0x80, s31, s15, $0xb8;
	[tilespmem:$0x1C400] =	vst v63  }
0xf5: {  	_ =	swait.ge [sflag:s19], $0x4000  }
0xf6: {  	[sflag:s19] =	ssyncset.done $0x0  }
0xf7: {  	[sflag:s19] =	ssyncadd.s32 $0xFFFFC000  }
0xf8: {  	[spmem:s3] =	stream.indirect.scatter.add.f32 [tilespmem:s16], [sflag:$0x2], $0x80, s2, s15, $0xb8;
	[tilespmem:$0x1C400] =	vst v63  }
0xf9: {  	_ =	swait.ge [sflag:s12], $0x4000  }
0xfa: {  	[sflag:s12] =	ssyncset.done $0x0  }
0xfb: {  	[sflag:s12] =	ssyncadd.s32 $0xFFFFC000  }
0xfc: {  	_ =	swait.ge [sflag:s19], $0x4000  }
0xfd: {  	[sflag:s19] =	ssyncset.done $0x0  }
0xfe: {  	[sflag:s19] =	ssyncadd.s32 $0xFFFFC000  }
0xff: {  	[spmem:s3] =	stream.indirect.scatter.add.f32 [tilespmem:s18], [sflag:$0x2], $0x80, s0, s15, $0xb8;
	[tilespmem:$0x1C400] =	vst v63  }
0x100: {  	_ =	swait.ge [sflag:s12], $0x4000  }
0x101: {  	[sflag:s12] =	ssyncset.done $0x0  }
0x102: {  	[sflag:s12] =	ssyncadd.s32 $0xFFFFC000  }
0x103: {  	[bflag:$0x0] =	sbarrier.arrive $0xFFFF  }
0x104: {  	s8 =	rddreg [dreg:$0x5]  }
0x105: {  	s11 =	rddreg [dreg:$0x6]  }
0x106: {  	s6 =	rddreg [dreg:$0x8]  }
0x107: {  	[hbm:s11], [sflag:s8] =	dma.local [spmem:s6], $0x2780  }
0x108: {  	_ =	swait.ge [sflag:s12], $0x2780  }
0x109: {  	s5 =	rddreg [dreg:$0x9]  }
0x10a: {  	s11 =	rddreg [dreg:$0x7];
	s7 =	sadd.s32 $0x1, s5  }
0x10b: {  	p0 =	sne.s32 s7, s11  }
.Ltmp1:
0x10c: {  	_ = 	snop;
	(pc) =	sbr.rel @p0 .LBB2_1-.Ltmp1, $3  }
0x10d: {  	_ =	sdelay $0x1  }
0x10e: {  	[sflag:s12] =	ssyncset.done $0x0  }
0x10f: {  	[sflag:s12] =	ssyncadd.s32 $0xFFFFD880  }
0x110: {  	_ =	sfence.sel $0x180000  }
0x111: {  	[bflag:$0x0] =	sbarrier.arrive $0xFFFF  }
0x112: {  	_ =	strace $0x9000004D  }
0x113: {  	s0 =	stileid.u32;
	[bflag:$0x2] =	sbarrier.arrive $0xFFFF  }
0x114: {  	p0 =	sne.s32 s0, $0x0;
	s0 =	rddreg [dreg:$0x3]  }
0x115: {  	s0 =	sadd.s32 @!p0 $0x100000, s0  }
0x116: {  	[sflag:s0] =	ssyncadd.tile.s32 @!p0 $0x1;
	_ =	shalt  }
.Lfunc_end2:
_tile_overlayer_lowered:
.L_overlay_start_2:
0x117: {  	(tag) =	ssettag $0x2  }
0x118: {  	s0 =	rddreg [dreg:$0x0];
	s2 =	stileid.u32  }
0x119: {  	s1 =	rddreg [dreg:$0x1];
	p0 =	sne.s32 s2, $0x0  }
0x11a: {  	s3 =	rddreg [dreg:$0x2];
	[bflag:$0x3] =	sbarrier.arrive $0xFFFF;
	s2 =	simm.s32 @!p0 $0x1C02  }
0x11b: {  	[timem:s3], [sflag:s2] =	dma.local @!p0 [hbm:s0], s1  }
0x11c: {  	s0 =	simm.s32 @!p0 $0x2  }
0x11d: {  	_ =	swait.ge @!p0 [sflag:s0], s1  }
0x11e: {  	s1 =	ssub.s32 @!p0 $0x0, s1;
	[sflag:s0] =	ssyncset.done @!p0 $0x0  }
0x11f: {  	[sflag:s0] =	ssyncadd.s32 @!p0 s1  }
0x120: {  	[bflag:$0x3] =	sbarrier.arrive $0xFFFF  }
0x121: {  	_ =	shalt  }

// kernel: kernel.18.cloned.1.call-start
scs
__scs_entry_jumppad:
0x0: {  	(pc) =	sbr.rel $0x88, $3  }
0x1: {  	(tag) =	ssettag $0x0;
	lr =	simm.s32 $0x1  }
0x2: {  	[smem:$0x3F96] =	sst lr;
	_ =	strace $0xD0000000  }
0x3: {  	_ = 	snop  }
0x4: {  	_ = 	snop  }
0x5: {  	_ = 	snop  }
0x6: {  	_ = 	snop  }
0x7: {  	_ = 	snop  }
__scs_overlays_trampoline_lowered:
0x8: {  	[smem:$0x3FA5] =	sst s0  }
0x9: {  	[smem:$0x3FA6] =	sst s1  }
0xa: {  	[smem:$0x3FA7] =	sst s2  }
0xb: {  	[smem:$0x3FA8] =	sst s3  }
0xc: {  	[smem:$0x3FA9] =	sst s4  }
0xd: {  	[smem:$0x3FAA] =	sst s5  }
0xe: {  	[smem:$0x3FAB] =	sst s6  }
0xf: {  	[smem:$0x3FAC] =	sst s7  }
0x10: {  	[smem:$0x3FAD] =	sst s8  }
0x11: {  	[smem:$0x3FAE] =	sst s9;
	s0 =	simm.s32 @!p0 $0x0  }
0x12: {  	s1 =	sld [smem:$0x3F94];
	s0 =	simm.s32 @p0 $0x1  }
0x13: {  	[smem:$0x3FAF] =	sst s0;
	s0 =	simm.s32 @!p1 $0x0  }
0x14: {  	s2 =	sld [smem:$0x3F93];
	s0 =	simm.s32 @p1 $0x1  }
0x15: {  	[smem:$0x3FB0] =	sst s0;
	s0 =	simm.s32 @!p2 $0x0  }
0x16: {  	s3 =	sld [smem:$0x3FDB];
	s0 =	simm.s32 @p2 $0x1  }
0x17: {  	s4 =	simm.s32 $0x1BF5;
	[smem:$0x3FB2] =	sst s0  }
0x18: {  	s0 =	sld [smem:$0x3F95];
	_ =	swait.ge [sflag:s4], $0x0  }
0x19: {  	s7 =	sld [smem:$0x3F96]  }
0x1a: {  	s8 =	sadd.s32 $0xFFFFE003, lr  }
0x1b: {  	s9 =	sadd.s32 $0xFFFFFEF7, lr;
	s5 =	simm.s32 $0xFFFFFFFF;
	p2 =	slt.u32 s8, $0xFFFFF086  }
0x1c: {  	p1 =	slt.u32 s9, $0xF7A;
	s5 =	simm.s32 @!p2 $0x0  }
0x1d: {  	s5 =	simm.s32 @p1 $0x1;
	p0 =	seq.s32 s7, s2  }
0x1e: {  	s7 =	smul.u32 @!p0 $0xF7A, s2;
	p2 =	seq.s32 @!p0 s5, $0x0  }
0x1f: {  	s9 =	smul.u32 $0xF7A, s1;
	s8 =	simm.s32 @!p0 $0x1BF5;
	p2 =	por !p2, p0  }
0x20: {  	[sflag:s8] =	ssyncset.s32 @!p0 $0xFFFFF086;
	s6 =	sadd.s32 @!p0 s3, s7;
	s7 =	simm.s32 @!p0 $0x108  }
0x21: {  	s3 =	sadd.s32 s3, s9;
	s6 =	sadd.s32 @!p0 $0x88, s6;
	s7 =	simm.s32 @p2 $0x1082  }
0x22: {  	[simem:s7], [sflag:s8] =	dma.local @!p0 [hbm:s6], $0xF7A  }
0x23: {  	s9 =	sor.u32 $0xD0000000, s2;
	s6 =	simm.s32 $0x108;
	_ =	swait.ge @!p0 [sflag:s8], $0x0  }
0x24: {  	s3 =	sadd.s32 $0x88, s3;
	s6 =	simm.s32 @!p1 $0x1082;
	[sflag:s4] =	ssyncset.s32 $0xFFFFF086  }
0x25: {  	[simem:s6], [sflag:s4] =	dma.local [hbm:s3], $0xF7A  }
0x26: {  	[smem:$0x3F96] =	sst s1;
	(tag) =	ssettag s2;
	_ =	strace s9  }
0x27: {  	s1 =	sld [smem:$0x3FA6]  }
0x28: {  	s2 =	sld [smem:$0x3FA7]  }
0x29: {  	s4 =	sld [smem:$0x3FA9]  }
0x2a: {  	p0 =	seq.s32 s5, $0x0;
	s5 =	sld [smem:$0x3FAA]  }
0x2b: {  	s6 =	sld [smem:$0x3FAB]  }
0x2c: {  	s7 =	sld [smem:$0x3FAC]  }
0x2d: {  	s3 =	simm.s32 $0x108;
	s8 =	sld [smem:$0x3FAD]  }
0x2e: {  	s3 =	simm.s32 @!p0 $0x1082;
	s9 =	sld [smem:$0x3FAE]  }
0x2f: {  	lr =	sadd.s32 s0, s3;
	s0 =	sld [smem:$0x3FA5]  }
0x30: {  	s3 =	sld [smem:$0x3FA8]  }
0x31: {  	[smem:$0x3FB1] =	sst s10  }
0x32: {  	s10 =	sld [smem:$0x3FAF];
	_ =	sdelay $0x3  }
0x33: {  	p0 =	seq.s32 s10, $0x1;
	s10 =	sld [smem:$0x3FB1];
	_ =	sdelay $0x3  }
0x34: {  	[smem:$0x3FB1] =	sst s10  }
0x35: {  	s10 =	sld [smem:$0x3FB0];
	_ =	sdelay $0x3  }
0x36: {  	p1 =	seq.s32 s10, $0x1;
	s10 =	sld [smem:$0x3FB1];
	_ =	sdelay $0x3  }
0x37: {  	[smem:$0x3FB1] =	sst s10  }
0x38: {  	s10 =	sld [smem:$0x3FB2]  }
0x39: {  	_ = 	snop;
	(pc) =	sbr.ind lr, $3  }
0x3a: {  	_ = 	snop  }
0x3b: {  	_ = 	snop  }
0x3c: {  	p2 =	seq.s32 s10, $0x1;
	s10 =	sld [smem:$0x3FB1]  }
0x3d: {  	_ =	shalt  }
0x3e: {  	_ =	shalt  }
0x3f: {  	_ =	shalt  }
0x40: {  	_ =	shalt  }
0x41: {  	_ =	shalt  }
0x42: {  	_ =	shalt  }
0x43: {  	_ =	shalt  }
0x44: {  	_ =	shalt  }
0x45: {  	_ =	shalt  }
0x46: {  	_ =	shalt  }
0x47: {  	_ =	shalt  }
0x48: {  	_ =	shalt  }
0x49: {  	_ =	shalt  }
0x4a: {  	_ =	shalt  }
0x4b: {  	_ =	shalt  }
0x4c: {  	_ =	shalt  }
0x4d: {  	_ =	shalt  }
0x4e: {  	_ =	shalt  }
0x4f: {  	_ =	shalt  }
0x50: {  	_ =	shalt  }
0x51: {  	_ =	shalt  }
0x52: {  	_ =	shalt  }
0x53: {  	_ =	shalt  }
0x54: {  	_ =	shalt  }
0x55: {  	_ =	shalt  }
0x56: {  	_ =	shalt  }
0x57: {  	_ =	shalt  }
0x58: {  	_ =	shalt  }
0x59: {  	_ =	shalt  }
0x5a: {  	_ =	shalt  }
0x5b: {  	_ =	shalt  }
0x5c: {  	_ =	shalt  }
0x5d: {  	_ =	shalt  }
0x5e: {  	_ =	shalt  }
0x5f: {  	_ =	shalt  }
0x60: {  	_ =	shalt  }
0x61: {  	_ =	shalt  }
0x62: {  	_ =	shalt  }
0x63: {  	_ =	shalt  }
0x64: {  	_ =	shalt  }
0x65: {  	_ =	shalt  }
0x66: {  	_ =	shalt  }
0x67: {  	_ =	shalt  }
0x68: {  	_ =	shalt  }
0x69: {  	_ =	shalt  }
0x6a: {  	_ =	shalt  }
0x6b: {  	_ =	shalt  }
0x6c: {  	_ =	shalt  }
0x6d: {  	_ =	shalt  }
0x6e: {  	_ =	shalt  }
0x6f: {  	_ =	shalt  }
0x70: {  	_ =	shalt  }
0x71: {  	_ =	shalt  }
0x72: {  	_ =	shalt  }
0x73: {  	_ =	shalt  }
0x74: {  	_ =	shalt  }
0x75: {  	_ =	shalt  }
0x76: {  	_ =	shalt  }
0x77: {  	_ =	shalt  }
0x78: {  	_ =	shalt  }
0x79: {  	_ =	shalt  }
0x7a: {  	_ =	shalt  }
0x7b: {  	_ =	shalt  }
0x7c: {  	_ =	shalt  }
0x7d: {  	_ =	shalt  }
0x7e: {  	_ =	shalt  }
0x7f: {  	_ =	shalt  }
0x80: {  	_ =	shalt  }
0x81: {  	_ =	shalt  }
0x82: {  	_ =	shalt  }
0x83: {  	_ =	shalt  }
0x84: {  	_ =	shalt  }
0x85: {  	_ =	shalt  }
0x86: {  	_ =	shalt  }
0x87: {  	_ =	shalt  }
.Lfunc_end0:
.L_simem_size_0:
called_computation.3_lowered:
.L_overlay_start_0:
0x88: {  	s2 =	sld [smem:$0x3FD9]  }
0x89: {  	s3 =	sld [smem:$0x3FFE];
	_ =	sdelay $0x1  }
0x8a: {  	s1 =	srdreg.scid  }
0x8b: {  	s0 =	sand.u32 $0x1, s1  }
0x8c: {  	s17 =	sshll.u32 s0, $0xA;
	s2 =	sadd.s32 s3, s2  }
0x8d: {  	s2 =	sadd.s32 s2, s17  }
0x8e: {  	[smem:$0x3FBD] =	sst s2  }
0x8f: {  	_ = 	snop  }
0x90: {  	s2 =	sld [smem:$0x3FD0];
	(tm) =	ssettm $0x1  }
0x91: {  	s18 =	sld [smem:$0x3FFB];
	_ =	sdelay $0x3  }
0x92: {  	_ =	strace s18  }
0x93: {  	s3 =	sld [smem:$0x3FFC];
	_ =	sdelay $0x3  }
0x94: {  	_ =	strace s3  }
0x95: {  	s3 =	sld [smem:$0x3FFD];
	_ =	sdelay $0x3  }
0x96: {  	_ =	strace s3  }
0x97: {  	_ =	strace $0x8FFFFFFF  }
0x98: {  	s19 =	sld [smem:$0x3FDB];
	_ =	sdelay $0x1  }
0x99: {  	s4 =	simm.s32 $_scs_section_size  }
0x9a: {  	s5 =	simm.s32 $_size__tile_overlayer_lowered;
	s6 =	simm.s32 $_tile_overlayer_lowered  }
0x9b: {  	s22 =	simm.s32 $0x1BFF;
	s21 =	sshll.u32 s6, $0x1;
	s3 =	sadd.s32 s4, s19  }
0x9c: {  	s7 =	simm.s32 $0x0;
	s20 =	sshll.u32 s5, $0x1;
	s5 =	sadd.s32 s21, s3  }
0x9d: {  	[timem:s7], [sflag:s22] =	dma.local [hbm:s5], s20  }
0x9e: {  	_ =	swait.ge [sflag:s22], s20  }
0x9f: {  	s4 =	ssub.s32 $0x0, s20;
	[sflag:s22] =	ssyncset.done $0x0  }
0xa0: {  	[sflag:s22] =	ssyncadd.s32 s4;
	_ =	sdelay $0x1  }
0xa1: {  	s23 =	simm.s32 $0x1B8B  }
0xa2: {  	_ =	swait.ge [sflag:s23], $0x1  }
0xa3: {  	[sflag:s23] =	ssyncset.done $0x0  }
0xa4: {  	s25 =	simm.s32 $0x1B8E;
	s24 =	sld [smem:$0x3FFE];
	[sflag:s23] =	ssyncadd.s32 $0xFFFFFFFF  }
0xa5: {  	s26 =	simm.s32 $execute0_lowered;
	[smem:$0x3FD2] =	sst s25  }
0xa6: {  	s5 =	sshll.u32 s26, $0x1;
	_ =	strace $0x8000004F;
	[dreg:$0x1] =	wrdreg $0xFFFFFFFF  }
0xa7: {  	s28 =	simm.s32 $_size_execute0_lowered;
	s3 =	sadd.s32 s3, s5;
	[dreg:$0x0] =	wrdreg $0x0  }
0xa8: {  	s5 =	sshll.u32 s28, $0x1;
	[dreg:$0x2] =	wrdreg s3  }
0xa9: {  	[dreg:$0x3] =	wrdreg s5  }
0xaa: {  	[dreg:$0x4] =	wrdreg $0xC0  }
0xab: {  	_ =	task [dreg:s7], $0x5FFFF  }
0xac: {  	[dreg:$0x1] =	wrdreg $0xFFFFFFFF  }
0xad: {  	[dreg:$0x0] =	wrdreg $0x60  }
0xae: {  	[dreg:$0x2] =	wrdreg s2  }
0xaf: {  	[dreg:$0x3] =	wrdreg s24  }
0xb0: {  	[dreg:$0x4] =	wrdreg $0x0  }
0xb1: {  	[dreg:$0x5] =	wrdreg $0x9  }
0xb2: {  	_ =	task.clear_ibuf [dreg:s7], $0x6FFFF;
	_ =	strace $0x9000004F  }
0xb3: {  	s29 =	simm.s32 $0x9;
	_ =	strace $0x80000051  }
0xb4: {  	_ =	swait.ge [sflag:s29], $0x1  }
0xb5: {  	[sflag:s29] =	ssyncadd.s32 $0xFFFFFFFF  }
0xb6: {  	_ =	strace $0x90000051  }
0xb7: {  	_ =	sfence  }
0xb8: {  	s30 =	sld [smem:$0x0];
	_ =	sdelay $0x2  }
0xb9: {  	s31 =	sshll.u32 s1, $0xD;
	s1 =	sshrl.u32 s1, $0x2  }
0xba: {  	s3 =	sand.u32 $0x4000, s31;
	s1 =	sadd.s32 s1, s30  }
0xbb: {  	s0 =	sor.u32 s3, s0;
	s1 =	sshll.u32 s1, $0x11  }
0xbc: {  	s0 =	sor.u32 s1, s0  }
0xbd: {  	s0 =	sadd.s32 $0x8F2B, s0  }
0xbe: {  	[sflag:s0] =	ssyncadd.remote.s32 $0x1  }
0xbf: {  	_ =	sfence.sel $0xFFFF  }
0xc0: {  	[dreg:$0x0] =	wrdreg $0xFFFFFFFF;
	(pc) =	sbr.abs _section_cstart, $3  }
0xc1: {  	[dreg:$0x1] =	wrdreg $0xFFFFFFFF  }
0xc2: {  	_ =	task.clear_ibuf [dreg:s7], $0x2FFFF;
	_ =	strace $0x9FFFFFFF  }
0xc3: {  	(tm) =	ssettm $0x7FFFFFFF  }
tec
execute0_lowered:
.L_overlay_start_1:
0x0: {  	(tag) =	ssettag $0x1  }
0x1: {  	s1 =	rddreg [dreg:$0x0]  }
0x2: {  	s0 =	srdreg.scid;
	s2 =	rddreg [dreg:$0x1]  }
0x3: {  	s9 =	stileid.u32;
	s3 =	rddreg [dreg:$0x2]  }
0x4: {  	s4 =	simm.s32 $0x0;
	s12 =	simm.s32 $0x2;
	s13 =	simm.s32 $0x13C00  }
0x5: {  	s14 =	simm.s32 $0x14000;
	s15 =	simm.s32 $0x80;
	s16 =	simm.s32 $0x14400  }
0x6: {  	s17 =	simm.s32 $0x13C80;
	s18 =	simm.s32 $0x18400;
	s19 =	simm.s32 $0x1  }
0x7: {  	s20 =	simm.s32 $0x14080;
	s21 =	simm.s32 $0x13D00;
	s6 =	smul.u32 $0x2800, s9  }
0x8: {  	s28 =	simm.s32 $0x14200;
	s29 =	simm.s32 $0x14280;
	s22 =	smul.u32 $0x13C00, s9  }
0x9: {  	s30 =	simm.s32 $0x13F00;
	s31 =	simm.s32 $0x13F80;
	s8 =	smul.u32 $0x500, s9  }
0xa: {  	s0 =	sand.u32 $0x1, s0;
	[smem:$0x7FF] =	sst s4;
	s24 =	smul.u32 $0x4F000, s9  }
0xb: {  	s10 =	sadd.s32 $0x12400, s2;
	s9 =	sshll.u32 s9, $0x6;
	s5 =	smul.u32 $0x28000, s0  }
0xc: {  	s7 =	smul.u32 $0x13C000, s0;
	_ =	strace $0x80000050;
	s0 =	ssub.s32 $0x2, s0  }
0xd: {  	[dreg:$0x4] =	wrdreg s10;
	s23 =	sadd.s32 s8, s2;
	s25 =	sshrl.u32 s0, $0x1  }
0xe: {  	s8 =	sshrl.u32 s24, $0x2;
	s24 =	simm.s32 $0x14180;
	s5 =	sadd.s32 s6, s5  }
0xf: {  	s6 =	sadd.s32 s22, s7;
	s0 =	ssub.s32 s0, s25;
	s26 =	sadd.s32 s8, s3  }
0x10: {  	s8 =	sor.u32 $0x1C02, s9;
	s9 =	sadd.s32 $0x3400, s23;
	s22 =	simm.s32 $0x13D80  }
0x11: {  	s23 =	simm.s32 $0x14100;
	s25 =	simm.s32 $0x13E00;
	s7 =	simm.s32 $0x0  }
0x12: {  	s5 =	sshrl.u32 s5, $0x3;
	s6 =	sshrl.u32 s6, $0x3;
	s0 =	smax.u32 s0, $0x1  }
0x13: {  	[dreg:$0x5] =	wrdreg s8;
	s5 =	sadd.s32 s5, s2;
	s2 =	sadd.s32 s6, s2  }
0x14: {  	[dreg:$0x7] =	wrdreg s0;
	s6 =	sshrl.u32 s26, $0x3;
	s26 =	simm.s32 $0x13E80  }
0x15: {  	s0 =	simm.s32 $0x14380;
	s2 =	sadd.s32 $0x14C00, s2;
	[dreg:$0x8] =	wrdreg s6  }
0x16: {  	s10 =	sadd.s32 $0x8400, s5;
	[dreg:$0x6] =	wrdreg s2;
	s2 =	simm.s32 $0x14300  }
.LBB2_1:
0x17: {  	[dreg:$0x9] =	wrdreg s7  }
0x18: {  	s5 =	rddreg [dreg:$0x4]  }
0x19: {  	[spmem:s6], [sflag:s8] =	dma.local [hbm:s5], $0x2780  }
0x1a: {  	_ =	swait.ge [sflag:s12], $0x2780  }
0x1b: {  	[sflag:s12] =	ssyncset.done $0x0  }
0x1c: {  	[sflag:s12] =	ssyncadd.s32 $0xFFFFD880  }
0x1d: {  	s8 =	sadd.s32 $0x0, s10;
	[bflag:$0x0] =	sbarrier.arrive $0xFFFF  }
0x1e: {  	[tilespmem:s13], [sflag:$0x2] =	stream.linear.gather [hbm4b:s8+s4], $0x400, $0x38;
	[tilespmem:$0x1C400] =	vst v63  }
0x1f: {  	_ =	swait.ge [sflag:s12], $0x400  }
0x20: {  	[sflag:s12] =	ssyncset.done $0x0  }
0x21: {  	s11 =	sadd.s32 $0x0, s9;
	[sflag:s12] =	ssyncadd.s32 $0xFFFFFC00  }
0x22: {  	[tilespmem:s14], [sflag:$0x2] =	stream.linear.gather [hbm4b:s11+s4], $0x400, $0x38;
	[tilespmem:$0x1C400] =	vst v63  }
0x23: {  	_ =	swait.ge [sflag:s12], $0x400  }
0x24: {  	[sflag:s12] =	ssyncset.done $0x0  }
0x25: {  	[sflag:s12] =	ssyncadd.s32 $0xFFFFFC00  }
0x26: {  	[tilespmem:s16], [sflag:$0x1] =	stream.indirect.gather [hbm4b:s1+s15], $0x80, s13, s15, $0xb8;
	[tilespmem:$0x1C400] =	vst v63  }
0x27: {  	_ = 	snop  }
0x28: {  	[tilespmem:s18], [sflag:$0x1] =	stream.indirect.gather [hbm4b:s1+s15], $0x80, s17, s15, $0xb8;
	[tilespmem:$0x1C400] =	vst v63  }
0x29: {  	_ =	swait.ge [sflag:s19], $0x4000  }
0x2a: {  	[sflag:s19] =	ssyncset.done $0x0  }
0x2b: {  	[sflag:s19] =	ssyncadd.s32 $0xFFFFC000  }
0x2c: {  	[spmem:s3] =	stream.indirect.scatter.add.f32 [tilespmem:s16], [sflag:$0x2], $0x80, s14, s15, $0xb8;
	[tilespmem:$0x1C400] =	vst v63  }
0x2d: {  	_ =	swait.ge [sflag:s12], $0x4000  }
0x2e: {  	[sflag:s12] =	ssyncset.done $0x0  }
0x2f: {  	[sflag:s12] =	ssyncadd.s32 $0xFFFFC000  }
0x30: {  	_ =	swait.ge [sflag:s19], $0x4000  }
0x31: {  	[sflag:s19] =	ssyncset.done $0x0  }
0x32: {  	[sflag:s19] =	ssyncadd.s32 $0xFFFFC000  }
0x33: {  	[spmem:s3] =	stream.indirect.scatter.add.f32 [tilespmem:s18], [sflag:$0x2], $0x80, s20, s15, $0xb8;
	[tilespmem:$0x1C400] =	vst v63  }
0x34: {  	_ =	swait.ge [sflag:s12], $0x4000  }
0x35: {  	[sflag:s12] =	ssyncset.done $0x0  }
0x36: {  	[sflag:s12] =	ssyncadd.s32 $0xFFFFC000  }
0x37: {  	[tilespmem:s16], [sflag:$0x1] =	stream.indirect.gather [hbm4b:s1+s15], $0x80, s21, s15, $0xb8;
	[tilespmem:$0x1C400] =	vst v63  }
0x38: {  	_ = 	snop  }
0x39: {  	[tilespmem:s18], [sflag:$0x1] =	stream.indirect.gather [hbm4b:s1+s15], $0x80, s22, s15, $0xb8;
	[tilespmem:$0x1C400] =	vst v63  }
0x3a: {  	_ =	swait.ge [sflag:s19], $0x4000  }
0x3b: {  	[sflag:s19] =	ssyncset.done $0x0  }
0x3c: {  	[sflag:s19] =	ssyncadd.s32 $0xFFFFC000  }
0x3d: {  	[spmem:s3] =	stream.indirect.scatter.add.f32 [tilespmem:s16], [sflag:$0x2], $0x80, s23, s15, $0xb8;
	[tilespmem:$0x1C400] =	vst v63  }
0x3e: {  	_ =	swait.ge [sflag:s12], $0x4000  }
0x3f: {  	[sflag:s12] =	ssyncset.done $0x0  }
0x40: {  	[sflag:s12] =	ssyncadd.s32 $0xFFFFC000  }
0x41: {  	_ =	swait.ge [sflag:s19], $0x4000  }
0x42: {  	[sflag:s19] =	ssyncset.done $0x0  }
0x43: {  	[sflag:s19] =	ssyncadd.s32 $0xFFFFC000  }
0x44: {  	[spmem:s3] =	stream.indirect.scatter.add.f32 [tilespmem:s18], [sflag:$0x2], $0x80, s24, s15, $0xb8;
	[tilespmem:$0x1C400] =	vst v63  }
0x45: {  	_ =	swait.ge [sflag:s12], $0x4000  }
0x46: {  	[sflag:s12] =	ssyncset.done $0x0  }
0x47: {  	[sflag:s12] =	ssyncadd.s32 $0xFFFFC000  }
0x48: {  	[tilespmem:s16], [sflag:$0x1] =	stream.indirect.gather [hbm4b:s1+s15], $0x80, s25, s15, $0xb8;
	[tilespmem:$0x1C400] =	vst v63  }
0x49: {  	_ = 	snop  }
0x4a: {  	[tilespmem:s18], [sflag:$0x1] =	stream.indirect.gather [hbm4b:s1+s15], $0x80, s26, s15, $0xb8;
	[tilespmem:$0x1C400] =	vst v63  }
0x4b: {  	_ =	swait.ge [sflag:s19], $0x4000  }
0x4c: {  	[sflag:s19] =	ssyncset.done $0x0  }
0x4d: {  	[sflag:s19] =	ssyncadd.s32 $0xFFFFC000  }
0x4e: {  	[spmem:s3] =	stream.indirect.scatter.add.f32 [tilespmem:s16], [sflag:$0x2], $0x80, s28, s15, $0xb8;
	[tilespmem:$0x1C400] =	vst v63  }
0x4f: {  	_ =	swait.ge [sflag:s12], $0x4000  }
0x50: {  	[sflag:s12] =	ssyncset.done $0x0  }
0x51: {  	[sflag:s12] =	ssyncadd.s32 $0xFFFFC000  }
0x52: {  	_ =	swait.ge [sflag:s19], $0x4000  }
0x53: {  	[sflag:s19] =	ssyncset.done $0x0  }
0x54: {  	[sflag:s19] =	ssyncadd.s32 $0xFFFFC000  }
0x55: {  	[spmem:s3] =	stream.indirect.scatter.add.f32 [tilespmem:s18], [sflag:$0x2], $0x80, s29, s15, $0xb8;
	[tilespmem:$0x1C400] =	vst v63  }
0x56: {  	_ =	swait.ge [sflag:s12], $0x4000  }
0x57: {  	[sflag:s12] =	ssyncset.done $0x0  }
0x58: {  	[sflag:s12] =	ssyncadd.s32 $0xFFFFC000  }
0x59: {  	[tilespmem:s16], [sflag:$0x1] =	stream.indirect.gather [hbm4b:s1+s15], $0x80, s30, s15, $0xb8;
	[tilespmem:$0x1C400] =	vst v63  }
0x5a: {  	_ = 	snop  }
0x5b: {  	[tilespmem:s18], [sflag:$0x1] =	stream.indirect.gather [hbm4b:s1+s15], $0x80, s31, s15, $0xb8;
	[tilespmem:$0x1C400] =	vst v63  }
0x5c: {  	_ =	swait.ge [sflag:s19], $0x4000  }
0x5d: {  	[sflag:s19] =	ssyncset.done $0x0  }
0x5e: {  	[sflag:s19] =	ssyncadd.s32 $0xFFFFC000  }
0x5f: {  	[spmem:s3] =	stream.indirect.scatter.add.f32 [tilespmem:s16], [sflag:$0x2], $0x80, s2, s15, $0xb8;
	[tilespmem:$0x1C400] =	vst v63  }
0x60: {  	_ =	swait.ge [sflag:s12], $0x4000  }
0x61: {  	[sflag:s12] =	ssyncset.done $0x0  }
0x62: {  	[sflag:s12] =	ssyncadd.s32 $0xFFFFC000  }
0x63: {  	_ =	swait.ge [sflag:s19], $0x4000  }
0x64: {  	[sflag:s19] =	ssyncset.done $0x0  }
0x65: {  	[sflag:s19] =	ssyncadd.s32 $0xFFFFC000  }
0x66: {  	[spmem:s3] =	stream.indirect.scatter.add.f32 [tilespmem:s18], [sflag:$0x2], $0x80, s0, s15, $0xb8;
	[tilespmem:$0x1C400] =	vst v63  }
0x67: {  	_ =	swait.ge [sflag:s12], $0x4000  }
0x68: {  	s7 =	simm.s32 $0x80;
	s8 =	simm.s32 $0x100;
	[sflag:s12] =	ssyncset.done $0x0  }
.LBB2_2:
0x69: {  	s11 =	sadd.s32 s7, s10  }
0x6a: {  	[sflag:s12] =	ssyncadd.s32 $0xFFFFC000;
	s5 =	smov.u32 s8;
	s6 =	sadd.s32 $0x80, s8  }
0x6b: {  	[tilespmem:s13], [sflag:$0x2] =	stream.linear.gather [hbm4b:s11+s4], $0x400, $0x38;
	[tilespmem:$0x1C400] =	vst v63  }
0x6c: {  	p0 =	sne.s32 s8, $0x480;
	_ =	swait.ge [sflag:s12], $0x400  }
0x6d: {  	[sflag:s12] =	ssyncset.done $0x0  }
0x6e: {  	s8 =	sadd.s32 s7, s9;
	s7 =	smov.u32 s5;
	[sflag:s12] =	ssyncadd.s32 $0xFFFFFC00  }
0x6f: {  	[tilespmem:s14], [sflag:$0x2] =	stream.linear.gather [hbm4b:s8+s4], $0x400, $0x38;
	[tilespmem:$0x1C400] =	vst v63  }
0x70: {  	_ =	swait.ge [sflag:s12], $0x400  }
0x71: {  	[sflag:s12] =	ssyncset.done $0x0  }
0x72: {  	[sflag:s12] =	ssyncadd.s32 $0xFFFFFC00  }
0x73: {  	[tilespmem:s16], [sflag:$0x1] =	stream.indirect.gather [hbm4b:s1+s15], $0x80, s13, s15, $0xb8;
	[tilespmem:$0x1C400] =	vst v63  }
0x74: {  	_ = 	snop  }
0x75: {  	[tilespmem:s18], [sflag:$0x1] =	stream.indirect.gather [hbm4b:s1+s15], $0x80, s17, s15, $0xb8;
	[tilespmem:$0x1C400] =	vst v63  }
0x76: {  	_ =	swait.ge [sflag:s19], $0x4000  }
0x77: {  	[sflag:s19] =	ssyncset.done $0x0  }
0x78: {  	[sflag:s19] =	ssyncadd.s32 $0xFFFFC000  }
0x79: {  	[spmem:s3] =	stream.indirect.scatter.add.f32 [tilespmem:s16], [sflag:$0x2], $0x80, s14, s15, $0xb8;
	[tilespmem:$0x1C400] =	vst v63  }
0x7a: {  	_ =	swait.ge [sflag:s12], $0x4000  }
0x7b: {  	[sflag:s12] =	ssyncset.done $0x0  }
0x7c: {  	[sflag:s12] =	ssyncadd.s32 $0xFFFFC000  }
0x7d: {  	_ =	swait.ge [sflag:s19], $0x4000  }
0x7e: {  	[sflag:s19] =	ssyncset.done $0x0  }
0x7f: {  	[sflag:s19] =	ssyncadd.s32 $0xFFFFC000  }
0x80: {  	[spmem:s3] =	stream.indirect.scatter.add.f32 [tilespmem:s18], [sflag:$0x2], $0x80, s20, s15, $0xb8;
	[tilespmem:$0x1C400] =	vst v63  }
0x81: {  	_ =	swait.ge [sflag:s12], $0x4000  }
0x82: {  	[sflag:s12] =	ssyncset.done $0x0  }
0x83: {  	[sflag:s12] =	ssyncadd.s32 $0xFFFFC000  }
0x84: {  	[tilespmem:s16], [sflag:$0x1] =	stream.indirect.gather [hbm4b:s1+s15], $0x80, s21, s15, $0xb8;
	[tilespmem:$0x1C400] =	vst v63  }
0x85: {  	_ = 	snop  }
0x86: {  	[tilespmem:s18], [sflag:$0x1] =	stream.indirect.gather [hbm4b:s1+s15], $0x80, s22, s15, $0xb8;
	[tilespmem:$0x1C400] =	vst v63  }
0x87: {  	_ =	swait.ge [sflag:s19], $0x4000  }
0x88: {  	[sflag:s19] =	ssyncset.done $0x0  }
0x89: {  	[sflag:s19] =	ssyncadd.s32 $0xFFFFC000  }
0x8a: {  	[spmem:s3] =	stream.indirect.scatter.add.f32 [tilespmem:s16], [sflag:$0x2], $0x80, s23, s15, $0xb8;
	[tilespmem:$0x1C400] =	vst v63  }
0x8b: {  	_ =	swait.ge [sflag:s12], $0x4000  }
0x8c: {  	[sflag:s12] =	ssyncset.done $0x0  }
0x8d: {  	[sflag:s12] =	ssyncadd.s32 $0xFFFFC000  }
0x8e: {  	_ =	swait.ge [sflag:s19], $0x4000  }
0x8f: {  	[sflag:s19] =	ssyncset.done $0x0  }
0x90: {  	[sflag:s19] =	ssyncadd.s32 $0xFFFFC000  }
0x91: {  	[spmem:s3] =	stream.indirect.scatter.add.f32 [tilespmem:s18], [sflag:$0x2], $0x80, s24, s15, $0xb8;
	[tilespmem:$0x1C400] =	vst v63  }
0x92: {  	_ =	swait.ge [sflag:s12], $0x4000  }
0x93: {  	[sflag:s12] =	ssyncset.done $0x0  }
0x94: {  	[sflag:s12] =	ssyncadd.s32 $0xFFFFC000  }
0x95: {  	[tilespmem:s16], [sflag:$0x1] =	stream.indirect.gather [hbm4b:s1+s15], $0x80, s25, s15, $0xb8;
	[tilespmem:$0x1C400] =	vst v63  }
0x96: {  	_ = 	snop  }
0x97: {  	[tilespmem:s18], [sflag:$0x1] =	stream.indirect.gather [hbm4b:s1+s15], $0x80, s26, s15, $0xb8;
	[tilespmem:$0x1C400] =	vst v63  }
0x98: {  	_ =	swait.ge [sflag:s19], $0x4000  }
0x99: {  	[sflag:s19] =	ssyncset.done $0x0  }
0x9a: {  	[sflag:s19] =	ssyncadd.s32 $0xFFFFC000  }
0x9b: {  	[spmem:s3] =	stream.indirect.scatter.add.f32 [tilespmem:s16], [sflag:$0x2], $0x80, s28, s15, $0xb8;
	[tilespmem:$0x1C400] =	vst v63  }
0x9c: {  	_ =	swait.ge [sflag:s12], $0x4000  }
0x9d: {  	[sflag:s12] =	ssyncset.done $0x0  }
0x9e: {  	[sflag:s12] =	ssyncadd.s32 $0xFFFFC000  }
0x9f: {  	_ =	swait.ge [sflag:s19], $0x4000  }
0xa0: {  	[sflag:s19] =	ssyncset.done $0x0  }
0xa1: {  	[sflag:s19] =	ssyncadd.s32 $0xFFFFC000  }
0xa2: {  	[spmem:s3] =	stream.indirect.scatter.add.f32 [tilespmem:s18], [sflag:$0x2], $0x80, s29, s15, $0xb8;
	[tilespmem:$0x1C400] =	vst v63  }
0xa3: {  	_ =	swait.ge [sflag:s12], $0x4000  }
0xa4: {  	[sflag:s12] =	ssyncset.done $0x0  }
0xa5: {  	[sflag:s12] =	ssyncadd.s32 $0xFFFFC000  }
0xa6: {  	[tilespmem:s16], [sflag:$0x1] =	stream.indirect.gather [hbm4b:s1+s15], $0x80, s30, s15, $0xb8;
	[tilespmem:$0x1C400] =	vst v63  }
0xa7: {  	_ = 	snop  }
0xa8: {  	[tilespmem:s18], [sflag:$0x1] =	stream.indirect.gather [hbm4b:s1+s15], $0x80, s31, s15, $0xb8;
	[tilespmem:$0x1C400] =	vst v63  }
0xa9: {  	_ =	swait.ge [sflag:s19], $0x4000  }
0xaa: {  	[sflag:s19] =	ssyncset.done $0x0  }
0xab: {  	[sflag:s19] =	ssyncadd.s32 $0xFFFFC000  }
0xac: {  	[spmem:s3] =	stream.indirect.scatter.add.f32 [tilespmem:s16], [sflag:$0x2], $0x80, s2, s15, $0xb8;
	[tilespmem:$0x1C400] =	vst v63  }
0xad: {  	_ =	swait.ge [sflag:s12], $0x4000  }
0xae: {  	[sflag:s12] =	ssyncset.done $0x0  }
0xaf: {  	[sflag:s12] =	ssyncadd.s32 $0xFFFFC000  }
0xb0: {  	_ =	swait.ge [sflag:s19], $0x4000  }
.Ltmp0:
0xb1: {  	[sflag:s19] =	ssyncset.done $0x0;
	(pc) =	sbr.rel @p0 .LBB2_2-.Ltmp0, $4  }
0xb2: {  	[sflag:s19] =	ssyncadd.s32 $0xFFFFC000  }
0xb3: {  	[spmem:s3] =	stream.indirect.scatter.add.f32 [tilespmem:s18], [sflag:$0x2], $0x80, s0, s15, $0xb8;
	[tilespmem:$0x1C400] =	vst v63  }
0xb4: {  	_ =	swait.ge [sflag:s12], $0x4000  }
0xb5: {  	s8 =	smov.u32 s6;
	[sflag:s12] =	ssyncset.done $0x0  }
0xb6: {  	s5 =	sadd.s32 s7, s10;
	[sflag:s12] =	ssyncadd.s32 $0xFFFFC000  }
0xb7: {  	[tilespmem:s13], [sflag:$0x2] =	stream.linear.gather [hbm4b:s5+s4], $0x400, $0x38;
	[tilespmem:$0x1C400] =	vst v63  }
0xb8: {  	_ =	swait.ge [sflag:s12], $0x400  }
0xb9: {  	[sflag:s12] =	ssyncset.done $0x0  }
0xba: {  	s8 =	sadd.s32 s7, s9;
	[sflag:s12] =	ssyncadd.s32 $0xFFFFFC00  }
0xbb: {  	[tilespmem:s14], [sflag:$0x2] =	stream.linear.gather [hbm4b:s8+s4], $0x400, $0x38;
	[tilespmem:$0x1C400] =	vst v63  }
0xbc: {  	_ =	swait.ge [sflag:s12], $0x400  }
0xbd: {  	[sflag:s12] =	ssyncset.done $0x0  }
0xbe: {  	[sflag:s12] =	ssyncadd.s32 $0xFFFFFC00  }
0xbf: {  	[tilespmem:s16], [sflag:$0x1] =	stream.indirect.gather [hbm4b:s1+s15], $0x80, s13, s15, $0xb8;
	[tilespmem:$0x1C400] =	vst v63  }
0xc0: {  	_ = 	snop  }
0xc1: {  	[tilespmem:s18], [sflag:$0x1] =	stream.indirect.gather [hbm4b:s1+s15], $0x80, s17, s15, $0xb8;
	[tilespmem:$0x1C400] =	vst v63  }
0xc2: {  	_ =	swait.ge [sflag:s19], $0x4000  }
0xc3: {  	[sflag:s19] =	ssyncset.done $0x0  }
0xc4: {  	[sflag:s19] =	ssyncadd.s32 $0xFFFFC000  }
0xc5: {  	[spmem:s3] =	stream.indirect.scatter.add.f32 [tilespmem:s16], [sflag:$0x2], $0x80, s14, s15, $0xb8;
	[tilespmem:$0x1C400] =	vst v63  }
0xc6: {  	_ =	swait.ge [sflag:s12], $0x4000  }
0xc7: {  	[sflag:s12] =	ssyncset.done $0x0  }
0xc8: {  	[sflag:s12] =	ssyncadd.s32 $0xFFFFC000  }
0xc9: {  	_ =	swait.ge [sflag:s19], $0x4000  }
0xca: {  	[sflag:s19] =	ssyncset.done $0x0  }
0xcb: {  	[sflag:s19] =	ssyncadd.s32 $0xFFFFC000  }
0xcc: {  	[spmem:s3] =	stream.indirect.scatter.add.f32 [tilespmem:s18], [sflag:$0x2], $0x80, s20, s15, $0xb8;
	[tilespmem:$0x1C400] =	vst v63  }
0xcd: {  	_ =	swait.ge [sflag:s12], $0x4000  }
0xce: {  	[sflag:s12] =	ssyncset.done $0x0  }
0xcf: {  	[sflag:s12] =	ssyncadd.s32 $0xFFFFC000  }
0xd0: {  	[tilespmem:s16], [sflag:$0x1] =	stream.indirect.gather [hbm4b:s1+s15], $0x80, s21, s15, $0xb8;
	[tilespmem:$0x1C400] =	vst v63  }
0xd1: {  	_ = 	snop  }
0xd2: {  	[tilespmem:s18], [sflag:$0x1] =	stream.indirect.gather [hbm4b:s1+s15], $0x80, s22, s15, $0xb8;
	[tilespmem:$0x1C400] =	vst v63  }
0xd3: {  	_ =	swait.ge [sflag:s19], $0x4000  }
0xd4: {  	[sflag:s19] =	ssyncset.done $0x0  }
0xd5: {  	[sflag:s19] =	ssyncadd.s32 $0xFFFFC000  }
0xd6: {  	[spmem:s3] =	stream.indirect.scatter.add.f32 [tilespmem:s16], [sflag:$0x2], $0x80, s23, s15, $0xb8;
	[tilespmem:$0x1C400] =	vst v63  }
0xd7: {  	_ =	swait.ge [sflag:s12], $0x4000  }
0xd8: {  	[sflag:s12] =	ssyncset.done $0x0  }
0xd9: {  	[sflag:s12] =	ssyncadd.s32 $0xFFFFC000  }
0xda: {  	_ =	swait.ge [sflag:s19], $0x4000  }
0xdb: {  	[sflag:s19] =	ssyncset.done $0x0  }
0xdc: {  	[sflag:s19] =	ssyncadd.s32 $0xFFFFC000  }
0xdd: {  	[spmem:s3] =	stream.indirect.scatter.add.f32 [tilespmem:s18], [sflag:$0x2], $0x80, s24, s15, $0xb8;
	[tilespmem:$0x1C400] =	vst v63  }
0xde: {  	_ =	swait.ge [sflag:s12], $0x4000  }
0xdf: {  	[sflag:s12] =	ssyncset.done $0x0  }
0xe0: {  	[sflag:s12] =	ssyncadd.s32 $0xFFFFC000  }
0xe1: {  	[tilespmem:s16], [sflag:$0x1] =	stream.indirect.gather [hbm4b:s1+s15], $0x80, s25, s15, $0xb8;
	[tilespmem:$0x1C400] =	vst v63  }
0xe2: {  	_ = 	snop  }
0xe3: {  	[tilespmem:s18], [sflag:$0x1] =	stream.indirect.gather [hbm4b:s1+s15], $0x80, s26, s15, $0xb8;
	[tilespmem:$0x1C400] =	vst v63  }
0xe4: {  	_ =	swait.ge [sflag:s19], $0x4000  }
0xe5: {  	[sflag:s19] =	ssyncset.done $0x0  }
0xe6: {  	[sflag:s19] =	ssyncadd.s32 $0xFFFFC000  }
0xe7: {  	[spmem:s3] =	stream.indirect.scatter.add.f32 [tilespmem:s16], [sflag:$0x2], $0x80, s28, s15, $0xb8;
	[tilespmem:$0x1C400] =	vst v63  }
0xe8: {  	_ =	swait.ge [sflag:s12], $0x4000  }
0xe9: {  	[sflag:s12] =	ssyncset.done $0x0  }
0xea: {  	[sflag:s12] =	ssyncadd.s32 $0xFFFFC000  }
0xeb: {  	_ =	swait.ge [sflag:s19], $0x4000  }
0xec: {  	[sflag:s19] =	ssyncset.done $0x0  }
0xed: {  	[sflag:s19] =	ssyncadd.s32 $0xFFFFC000  }
0xee: {  	[spmem:s3] =	stream.indirect.scatter.add.f32 [tilespmem:s18], [sflag:$0x2], $0x80, s29, s15, $0xb8;
	[tilespmem:$0x1C400] =	vst v63  }
0xef: {  	_ =	swait.ge [sflag:s12], $0x4000  }
0xf0: {  	[sflag:s12] =	ssyncset.done $0x0  }
0xf1: {  	[sflag:s12] =	ssyncadd.s32 $0xFFFFC000  }
0xf2: {  	[tilespmem:s16], [sflag:$0x1] =	stream.indirect.gather [hbm4b:s1+s15], $0x80, s30, s15, $0xb8;
	[tilespmem:$0x1C400] =	vst v63  }
0xf3: {  	_ = 	snop  }
0xf4: {  	[tilespmem:s18], [sflag:$0x1] =	stream.indirect.gather [hbm4b:s1+s15], $0x80, s31, s15, $0xb8;
	[tilespmem:$0x1C400] =	vst v63  }
0xf5: {  	_ =	swait.ge [sflag:s19], $0x4000  }
0xf6: {  	[sflag:s19] =	ssyncset.done $0x0  }
0xf7: {  	[sflag:s19] =	ssyncadd.s32 $0xFFFFC000  }
0xf8: {  	[spmem:s3] =	stream.indirect.scatter.add.f32 [tilespmem:s16], [sflag:$0x2], $0x80, s2, s15, $0xb8;
	[tilespmem:$0x1C400] =	vst v63  }
0xf9: {  	_ =	swait.ge [sflag:s12], $0x4000  }
0xfa: {  	[sflag:s12] =	ssyncset.done $0x0  }
0xfb: {  	[sflag:s12] =	ssyncadd.s32 $0xFFFFC000  }
0xfc: {  	_ =	swait.ge [sflag:s19], $0x4000  }
0xfd: {  	[sflag:s19] =	ssyncset.done $0x0  }
0xfe: {  	[sflag:s19] =	ssyncadd.s32 $0xFFFFC000  }
0xff: {  	[spmem:s3] =	stream.indirect.scatter.add.f32 [tilespmem:s18], [sflag:$0x2], $0x80, s0, s15, $0xb8;
	[tilespmem:$0x1C400] =	vst v63  }
0x100: {  	_ =	swait.ge [sflag:s12], $0x4000  }
0x101: {  	[sflag:s12] =	ssyncset.done $0x0  }
0x102: {  	[sflag:s12] =	ssyncadd.s32 $0xFFFFC000  }
0x103: {  	[bflag:$0x0] =	sbarrier.arrive $0xFFFF  }
0x104: {  	s8 =	rddreg [dreg:$0x5]  }
0x105: {  	s11 =	rddreg [dreg:$0x6]  }
0x106: {  	s6 =	rddreg [dreg:$0x8]  }
0x107: {  	[hbm:s11], [sflag:s8] =	dma.local [spmem:s6], $0x2780  }
0x108: {  	_ =	swait.ge [sflag:s12], $0x2780  }
0x109: {  	s5 =	rddreg [dreg:$0x9]  }
0x10a: {  	s11 =	rddreg [dreg:$0x7];
	s7 =	sadd.s32 $0x1, s5  }
0x10b: {  	p0 =	sne.s32 s7, s11  }
.Ltmp1:
0x10c: {  	_ = 	snop;
	(pc) =	sbr.rel @p0 .LBB2_1-.Ltmp1, $3  }
0x10d: {  	_ =	sdelay $0x1  }
0x10e: {  	[sflag:s12] =	ssyncset.done $0x0  }
0x10f: {  	[sflag:s12] =	ssyncadd.s32 $0xFFFFD880  }
0x110: {  	_ =	sfence.sel $0x180000  }
0x111: {  	[bflag:$0x0] =	sbarrier.arrive $0xFFFF  }
0x112: {  	_ =	strace $0x90000050  }
0x113: {  	s0 =	stileid.u32;
	[bflag:$0x2] =	sbarrier.arrive $0xFFFF  }
0x114: {  	p0 =	sne.s32 s0, $0x0;
	s0 =	rddreg [dreg:$0x3]  }
0x115: {  	s0 =	sadd.s32 @!p0 $0x100000, s0  }
0x116: {  	[sflag:s0] =	ssyncadd.tile.s32 @!p0 $0x1;
	_ =	shalt  }
.Lfunc_end2:
_tile_overlayer_lowered:
.L_overlay_start_2:
0x117: {  	(tag) =	ssettag $0x2  }
0x118: {  	s0 =	rddreg [dreg:$0x0];
	s2 =	stileid.u32  }
0x119: {  	s1 =	rddreg [dreg:$0x1];
	p0 =	sne.s32 s2, $0x0  }
0x11a: {  	s3 =	rddreg [dreg:$0x2];
	[bflag:$0x3] =	sbarrier.arrive $0xFFFF;
	s2 =	simm.s32 @!p0 $0x1C02  }
0x11b: {  	[timem:s3], [sflag:s2] =	dma.local @!p0 [hbm:s0], s1  }
0x11c: {  	s0 =	simm.s32 @!p0 $0x2  }
0x11d: {  	_ =	swait.ge @!p0 [sflag:s0], s1  }
0x11e: {  	s1 =	ssub.s32 @!p0 $0x0, s1;
	[sflag:s0] =	ssyncset.done @!p0 $0x0  }
0x11f: {  	[sflag:s0] =	ssyncadd.s32 @!p0 s1  }
0x120: {  	[bflag:$0x3] =	sbarrier.arrive $0xFFFF  }
0x121: {  	_ =	shalt  }

// kernel: kernel.9.cloned.1.call-start
scs
__scs_entry_jumppad:
0x0: {  	(pc) =	sbr.rel $0x88, $3  }
0x1: {  	(tag) =	ssettag $0x0;
	lr =	simm.s32 $0x1  }
0x2: {  	[smem:$0x3F96] =	sst lr;
	_ =	strace $0xD0000000  }
0x3: {  	_ = 	snop  }
0x4: {  	_ = 	snop  }
0x5: {  	_ = 	snop  }
0x6: {  	_ = 	snop  }
0x7: {  	_ = 	snop  }
__scs_overlays_trampoline_lowered:
0x8: {  	[smem:$0x3FA5] =	sst s0  }
0x9: {  	[smem:$0x3FA6] =	sst s1  }
0xa: {  	[smem:$0x3FA7] =	sst s2  }
0xb: {  	[smem:$0x3FA8] =	sst s3  }
0xc: {  	[smem:$0x3FA9] =	sst s4  }
0xd: {  	[smem:$0x3FAA] =	sst s5  }
0xe: {  	[smem:$0x3FAB] =	sst s6  }
0xf: {  	[smem:$0x3FAC] =	sst s7  }
0x10: {  	[smem:$0x3FAD] =	sst s8  }
0x11: {  	[smem:$0x3FAE] =	sst s9;
	s0 =	simm.s32 @!p0 $0x0  }
0x12: {  	s1 =	sld [smem:$0x3F94];
	s0 =	simm.s32 @p0 $0x1  }
0x13: {  	[smem:$0x3FAF] =	sst s0;
	s0 =	simm.s32 @!p1 $0x0  }
0x14: {  	s2 =	sld [smem:$0x3F93];
	s0 =	simm.s32 @p1 $0x1  }
0x15: {  	[smem:$0x3FB0] =	sst s0;
	s0 =	simm.s32 @!p2 $0x0  }
0x16: {  	s3 =	sld [smem:$0x3FDB];
	s0 =	simm.s32 @p2 $0x1  }
0x17: {  	s4 =	simm.s32 $0x1BF5;
	[smem:$0x3FB2] =	sst s0  }
0x18: {  	s0 =	sld [smem:$0x3F95];
	_ =	swait.ge [sflag:s4], $0x0  }
0x19: {  	s7 =	sld [smem:$0x3F96]  }
0x1a: {  	s8 =	sadd.s32 $0xFFFFE003, lr  }
0x1b: {  	s9 =	sadd.s32 $0xFFFFFEF7, lr;
	s5 =	simm.s32 $0xFFFFFFFF;
	p2 =	slt.u32 s8, $0xFFFFF086  }
0x1c: {  	p1 =	slt.u32 s9, $0xF7A;
	s5 =	simm.s32 @!p2 $0x0  }
0x1d: {  	s5 =	simm.s32 @p1 $0x1;
	p0 =	seq.s32 s7, s2  }
0x1e: {  	s7 =	smul.u32 @!p0 $0xF7A, s2;
	p2 =	seq.s32 @!p0 s5, $0x0  }
0x1f: {  	s9 =	smul.u32 $0xF7A, s1;
	s8 =	simm.s32 @!p0 $0x1BF5;
	p2 =	por !p2, p0  }
0x20: {  	[sflag:s8] =	ssyncset.s32 @!p0 $0xFFFFF086;
	s6 =	sadd.s32 @!p0 s3, s7;
	s7 =	simm.s32 @!p0 $0x108  }
0x21: {  	s3 =	sadd.s32 s3, s9;
	s6 =	sadd.s32 @!p0 $0x88, s6;
	s7 =	simm.s32 @p2 $0x1082  }
0x22: {  	[simem:s7], [sflag:s8] =	dma.local @!p0 [hbm:s6], $0xF7A  }
0x23: {  	s9 =	sor.u32 $0xD0000000, s2;
	s6 =	simm.s32 $0x108;
	_ =	swait.ge @!p0 [sflag:s8], $0x0  }
0x24: {  	s3 =	sadd.s32 $0x88, s3;
	s6 =	simm.s32 @!p1 $0x1082;
	[sflag:s4] =	ssyncset.s32 $0xFFFFF086  }
0x25: {  	[simem:s6], [sflag:s4] =	dma.local [hbm:s3], $0xF7A  }
0x26: {  	[smem:$0x3F96] =	sst s1;
	(tag) =	ssettag s2;
	_ =	strace s9  }
0x27: {  	s1 =	sld [smem:$0x3FA6]  }
0x28: {  	s2 =	sld [smem:$0x3FA7]  }
0x29: {  	s4 =	sld [smem:$0x3FA9]  }
0x2a: {  	p0 =	seq.s32 s5, $0x0;
	s5 =	sld [smem:$0x3FAA]  }
0x2b: {  	s6 =	sld [smem:$0x3FAB]  }
0x2c: {  	s7 =	sld [smem:$0x3FAC]  }
0x2d: {  	s3 =	simm.s32 $0x108;
	s8 =	sld [smem:$0x3FAD]  }
0x2e: {  	s3 =	simm.s32 @!p0 $0x1082;
	s9 =	sld [smem:$0x3FAE]  }
0x2f: {  	lr =	sadd.s32 s0, s3;
	s0 =	sld [smem:$0x3FA5]  }
0x30: {  	s3 =	sld [smem:$0x3FA8]  }
0x31: {  	[smem:$0x3FB1] =	sst s10  }
0x32: {  	s10 =	sld [smem:$0x3FAF];
	_ =	sdelay $0x3  }
0x33: {  	p0 =	seq.s32 s10, $0x1;
	s10 =	sld [smem:$0x3FB1];
	_ =	sdelay $0x3  }
0x34: {  	[smem:$0x3FB1] =	sst s10  }
0x35: {  	s10 =	sld [smem:$0x3FB0];
	_ =	sdelay $0x3  }
0x36: {  	p1 =	seq.s32 s10, $0x1;
	s10 =	sld [smem:$0x3FB1];
	_ =	sdelay $0x3  }
0x37: {  	[smem:$0x3FB1] =	sst s10  }
0x38: {  	s10 =	sld [smem:$0x3FB2]  }
0x39: {  	_ = 	snop;
	(pc) =	sbr.ind lr, $3  }
0x3a: {  	_ = 	snop  }
0x3b: {  	_ = 	snop  }
0x3c: {  	p2 =	seq.s32 s10, $0x1;
	s10 =	sld [smem:$0x3FB1]  }
0x3d: {  	_ =	shalt  }
0x3e: {  	_ =	shalt  }
0x3f: {  	_ =	shalt  }
0x40: {  	_ =	shalt  }
0x41: {  	_ =	shalt  }
0x42: {  	_ =	shalt  }
0x43: {  	_ =	shalt  }
0x44: {  	_ =	shalt  }
0x45: {  	_ =	shalt  }
0x46: {  	_ =	shalt  }
0x47: {  	_ =	shalt  }
0x48: {  	_ =	shalt  }
0x49: {  	_ =	shalt  }
0x4a: {  	_ =	shalt  }
0x4b: {  	_ =	shalt  }
0x4c: {  	_ =	shalt  }
0x4d: {  	_ =	shalt  }
0x4e: {  	_ =	shalt  }
0x4f: {  	_ =	shalt  }
0x50: {  	_ =	shalt  }
0x51: {  	_ =	shalt  }
0x52: {  	_ =	shalt  }
0x53: {  	_ =	shalt  }
0x54: {  	_ =	shalt  }
0x55: {  	_ =	shalt  }
0x56: {  	_ =	shalt  }
0x57: {  	_ =	shalt  }
0x58: {  	_ =	shalt  }
0x59: {  	_ =	shalt  }
0x5a: {  	_ =	shalt  }
0x5b: {  	_ =	shalt  }
0x5c: {  	_ =	shalt  }
0x5d: {  	_ =	shalt  }
0x5e: {  	_ =	shalt  }
0x5f: {  	_ =	shalt  }
0x60: {  	_ =	shalt  }
0x61: {  	_ =	shalt  }
0x62: {  	_ =	shalt  }
0x63: {  	_ =	shalt  }
0x64: {  	_ =	shalt  }
0x65: {  	_ =	shalt  }
0x66: {  	_ =	shalt  }
0x67: {  	_ =	shalt  }
0x68: {  	_ =	shalt  }
0x69: {  	_ =	shalt  }
0x6a: {  	_ =	shalt  }
0x6b: {  	_ =	shalt  }
0x6c: {  	_ =	shalt  }
0x6d: {  	_ =	shalt  }
0x6e: {  	_ =	shalt  }
0x6f: {  	_ =	shalt  }
0x70: {  	_ =	shalt  }
0x71: {  	_ =	shalt  }
0x72: {  	_ =	shalt  }
0x73: {  	_ =	shalt  }
0x74: {  	_ =	shalt  }
0x75: {  	_ =	shalt  }
0x76: {  	_ =	shalt  }
0x77: {  	_ =	shalt  }
0x78: {  	_ =	shalt  }
0x79: {  	_ =	shalt  }
0x7a: {  	_ =	shalt  }
0x7b: {  	_ =	shalt  }
0x7c: {  	_ =	shalt  }
0x7d: {  	_ =	shalt  }
0x7e: {  	_ =	shalt  }
0x7f: {  	_ =	shalt  }
0x80: {  	_ =	shalt  }
0x81: {  	_ =	shalt  }
0x82: {  	_ =	shalt  }
0x83: {  	_ =	shalt  }
0x84: {  	_ =	shalt  }
0x85: {  	_ =	shalt  }
0x86: {  	_ =	shalt  }
0x87: {  	_ =	shalt  }
.Lfunc_end0:
.L_simem_size_0:
called_computation_lowered:
.L_overlay_start_0:
0x88: {  	s2 =	sld [smem:$0x3FD9]  }
0x89: {  	s3 =	sld [smem:$0x3FFE];
	_ =	sdelay $0x1  }
0x8a: {  	s1 =	srdreg.scid  }
0x8b: {  	s0 =	sand.u32 $0x1, s1  }
0x8c: {  	s17 =	sshll.u32 s0, $0xA;
	s2 =	sadd.s32 s3, s2  }
0x8d: {  	s2 =	sadd.s32 s2, s17  }
0x8e: {  	[smem:$0x3FBD] =	sst s2  }
0x8f: {  	_ = 	snop  }
0x90: {  	(tm) =	ssettm $0x1  }
0x91: {  	s18 =	sld [smem:$0x3FFB];
	_ =	sdelay $0x3  }
0x92: {  	_ =	strace s18  }
0x93: {  	s2 =	sld [smem:$0x3FFC];
	_ =	sdelay $0x3  }
0x94: {  	_ =	strace s2  }
0x95: {  	s2 =	sld [smem:$0x3FFD];
	_ =	sdelay $0x3  }
0x96: {  	_ =	strace s2  }
0x97: {  	_ =	strace $0x8FFFFFFF  }
0x98: {  	s19 =	sld [smem:$0x3FDB];
	_ =	sdelay $0x1  }
0x99: {  	s20 =	simm.s32 $_scs_section_size  }
0x9a: {  	s4 =	simm.s32 $_size__tile_overlayer_lowered;
	s5 =	simm.s32 $_tile_overlayer_lowered  }
0x9b: {  	s6 =	simm.s32 $0x1BFF;
	s21 =	sshll.u32 s5, $0x1;
	s3 =	sadd.s32 s20, s19  }
0x9c: {  	s22 =	simm.s32 $0x0;
	s4 =	sshll.u32 s4, $0x1;
	s5 =	sadd.s32 s21, s3  }
0x9d: {  	[timem:s22], [sflag:s6] =	dma.local [hbm:s5], s4  }
0x9e: {  	_ =	swait.ge [sflag:s6], s4  }
0x9f: {  	s4 =	ssub.s32 $0x0, s4;
	[sflag:s6] =	ssyncset.done $0x0  }
0xa0: {  	[sflag:s6] =	ssyncadd.s32 s4;
	_ =	sdelay $0x1  }
0xa1: {  	s23 =	simm.s32 $0x1B8B  }
0xa2: {  	_ =	swait.ge [sflag:s23], $0x1  }
0xa3: {  	[sflag:s23] =	ssyncset.done $0x0  }
0xa4: {  	[sflag:s23] =	ssyncadd.s32 $0xFFFFFFFF  }
0xa5: {  	s4 =	sld [smem:$0x0]  }
0xa6: {  	s5 =	sand.u32 $0xFFFFFFFE, s1  }
0xa7: {  	p0 =	sne.s32 s1, s5  }
0xa8: {  	s5 =	sshll.u32 @p0 s5, $0xE  }
0xa9: {  	s5 =	sadd.s32 @p0 $0x11B8D, s5;
	s6 =	sshll.u32 @p0 s4, $0x11  }
0xaa: {  	s5 =	sor.u32 @p0 s6, s5  }
0xab: {  	[sflag:s5] =	ssyncadd.remote.s32 @p0 $0x1;
	_ =	sdelay $0x1  }
0xac: {  	s5 =	simm.s32 @p0 $0x1B8D  }
0xad: {  	_ =	swait.eq @p0 [sflag:s5], $0x1  }
0xae: {  	[sflag:s5] =	ssyncadd.s32 @p0 $0xFFFFFFFF  }
0xaf: {  	s6 =	sshll.u32 @!p0 s1, $0xE  }
0xb0: {  	s6 =	sor.u32 @!p0 $0x4000, s6;
	s5 =	simm.s32 @!p0 $0x1B8D  }
0xb1: {  	s4 =	sshll.u32 @!p0 s4, $0x11;
	s6 =	sadd.s32 @!p0 $0x11B8D, s6;
	_ =	swait.eq @!p0 [sflag:s5], $0x1  }
0xb2: {  	s4 =	sor.u32 @!p0 s4, s6;
	[sflag:s5] =	ssyncadd.s32 @!p0 $0xFFFFFFFF  }
0xb3: {  	s25 =	simm.s32 $0x1B8E;
	s24 =	sld [smem:$0x3FFE];
	[sflag:s4] =	ssyncadd.remote.s32 @!p0 $0x1  }
0xb4: {  	s26 =	simm.s32 $execute0_lowered;
	[smem:$0x3FD2] =	sst s25  }
0xb5: {  	s5 =	sshll.u32 s26, $0x1;
	_ =	strace $0x80000049;
	[dreg:$0x1] =	wrdreg $0xFFFFFFFF  }
0xb6: {  	s28 =	simm.s32 $_size_execute0_lowered;
	s3 =	sadd.s32 s3, s5;
	[dreg:$0x0] =	wrdreg $0x0  }
0xb7: {  	s5 =	sshll.u32 s28, $0x1;
	[dreg:$0x2] =	wrdreg s3  }
0xb8: {  	[dreg:$0x3] =	wrdreg s5  }
0xb9: {  	[dreg:$0x4] =	wrdreg $0xC0  }
0xba: {  	_ =	task [dreg:s22], $0x5FFFF  }
0xbb: {  	[dreg:$0x1] =	wrdreg $0xFFFFFFFF  }
0xbc: {  	[dreg:$0x0] =	wrdreg $0x60  }
0xbd: {  	[dreg:$0x2] =	wrdreg s24  }
0xbe: {  	[dreg:$0x3] =	wrdreg $0x0  }
0xbf: {  	[dreg:$0x4] =	wrdreg $0x9  }
0xc0: {  	_ =	task.clear_ibuf [dreg:s22], $0x5FFFF;
	_ =	strace $0x90000049  }
0xc1: {  	s29 =	simm.s32 $0x9;
	_ =	strace $0x8000004B  }
0xc2: {  	_ =	swait.ge [sflag:s29], $0x1  }
0xc3: {  	[sflag:s29] =	ssyncadd.s32 $0xFFFFFFFF  }
0xc4: {  	_ =	strace $0x9000004B  }
0xc5: {  	_ =	sfence  }
0xc6: {  	s30 =	sld [smem:$0x0];
	_ =	sdelay $0x2  }
0xc7: {  	s31 =	sshll.u32 s1, $0xD;
	s1 =	sshrl.u32 s1, $0x2  }
0xc8: {  	s4 =	sand.u32 $0x4000, s31;
	s1 =	sadd.s32 s1, s30  }
0xc9: {  	s0 =	sor.u32 s4, s0;
	s1 =	sshll.u32 s1, $0x11  }
0xca: {  	s0 =	sor.u32 s1, s0  }
0xcb: {  	s0 =	sadd.s32 $0x8F2B, s0  }
0xcc: {  	[sflag:s0] =	ssyncadd.remote.s32 $0x1  }
0xcd: {  	_ =	sfence.sel $0xFFFF  }
0xce: {  	[dreg:$0x0] =	wrdreg $0xFFFFFFFF;
	(pc) =	sbr.abs _section_cstart, $3  }
0xcf: {  	[dreg:$0x1] =	wrdreg $0xFFFFFFFF  }
0xd0: {  	_ =	task.clear_ibuf [dreg:s22], $0x2FFFF;
	_ =	strace $0x9FFFFFFF  }
0xd1: {  	(tm) =	ssettm $0x7FFFFFFF  }
tec
execute0_lowered:
.L_overlay_start_1:
0x0: {  	(tag) =	ssettag $0x1  }
0x1: {  	s0 =	stileid.u32;
	s6 =	rddreg [dreg:$0x0]  }
0x2: {  	s1 =	srdreg.scid;
	s2 =	rddreg [dreg:$0x1];
	s3 =	simm.s32 $0x0  }
0x3: {  	s13 =	simm.s32 $0x13C00;
	s14 =	simm.s32 $0x80;
	s15 =	simm.s32 $0x13C80  }
0x4: {  	s16 =	simm.s32 $0x13D00;
	s17 =	simm.s32 $0x13D80;
	s18 =	simm.s32 $0x13E00  }
0x5: {  	s19 =	simm.s32 $0x13E80;
	s20 =	simm.s32 $0x13F00;
	s4 =	smul.u32 $0x500, s0  }
0x6: {  	s21 =	simm.s32 $0x13F80;
	s22 =	simm.s32 $0x0;
	s8 =	smul.u32 $0x13C00, s0  }
0x7: {  	s7 =	sand.u32 $0x1, s1;
	s1 =	rddreg [dreg:$0x2];
	s10 =	smul.u32 $0x4F000, s0  }
0x8: {  	[smem:$0x7FF] =	sst s3;
	s31 =	sshll.u32 s0, $0x6;
	s5 =	smul.u32 $0x13C000, s7  }
0x9: {  	_ =	strace $0x8000004A;
	s30 =	ssub.s32 $0x2, s7;
	s12 =	smul.u32 $0x280, s7  }
0xa: {  	s9 =	sadd.s32 s4, s6;
	s4 =	sadd.s32 $0x12400, s6;
	s11 =	sshrl.u32 s30, $0x1  }
0xb: {  	s10 =	sshrl.u32 s10, $0x2;
	s5 =	sadd.s32 s8, s5;
	s11 =	ssub.s32 s30, s11  }
0xc: {  	s10 =	sadd.s32 s10, s2;
	s9 =	sadd.s32 s12, s9;
	s12 =	simm.s32 $0x14000  }
0xd: {  	s8 =	sshrl.u32 s5, $0x3;
	s5 =	sadd.s32 $0x63C00, s6;
	s9 =	sadd.s32 $0x3400, s9  }
0xe: {  	s10 =	sshrl.u32 s10, $0x3;
	s8 =	sadd.s32 s8, s6;
	s6 =	sor.u32 $0x1C01, s31  }
0xf: {  	s7 =	sadd.s32 $0x64400, s8;
	s8 =	smax.u32 s11, $0x1;
	s11 =	simm.s32 $0x1  }
.LBB2_1:
0x10: {  	[spmem:s10], [sflag:s6] =	dma.local [hbm:s4], $0x2780  }
0x11: {  	_ =	swait.ge [sflag:s11], $0x2780  }
0x12: {  	[sflag:s11] =	ssyncset.done $0x0  }
0x13: {  	[sflag:s11] =	ssyncadd.s32 $0xFFFFD880  }
0x14: {  	[tilespmem:s12], [sflag:$0x1] =	stream.linear.gather [hbm4b:s5+s3], $0x4000, $0x38;
	[tilespmem:$0x18000] =	vst v63  }
0x15: {  	_ =	swait.ge [sflag:s11], $0x4000  }
0x16: {  	[sflag:s11] =	ssyncset.done $0x0  }
0x17: {  	[sflag:s11] =	ssyncadd.s32 $0xFFFFC000  }
0x18: {  	s23 =	sadd.s32 $0x0, s9;
	[bflag:$0x0] =	sbarrier.arrive $0xFFFF  }
0x19: {  	[tilespmem:s13], [sflag:$0x1] =	stream.linear.gather [hbm4b:s23+s3], $0x400, $0x38;
	[tilespmem:$0x18000] =	vst v63  }
0x1a: {  	_ =	swait.ge [sflag:s11], $0x400  }
0x1b: {  	[sflag:s11] =	ssyncset.done $0x0  }
0x1c: {  	[sflag:s11] =	ssyncadd.s32 $0xFFFFFC00  }
0x1d: {  	[spmem:s2] =	stream.indirect.scatter.add.f32 [tilespmem:s12], [sflag:$0x1], $0x80, s13, s14, $0xb8;
	[tilespmem:$0x18000] =	vst v63  }
0x1e: {  	_ =	swait.ge [sflag:s11], $0x4000  }
0x1f: {  	[sflag:s11] =	ssyncset.done $0x0  }
0x20: {  	[sflag:s11] =	ssyncadd.s32 $0xFFFFC000  }
0x21: {  	[spmem:s2] =	stream.indirect.scatter.add.f32 [tilespmem:s12], [sflag:$0x1], $0x80, s15, s14, $0xb8;
	[tilespmem:$0x18000] =	vst v63  }
0x22: {  	_ =	swait.ge [sflag:s11], $0x4000  }
0x23: {  	[sflag:s11] =	ssyncset.done $0x0  }
0x24: {  	[sflag:s11] =	ssyncadd.s32 $0xFFFFC000  }
0x25: {  	[spmem:s2] =	stream.indirect.scatter.add.f32 [tilespmem:s12], [sflag:$0x1], $0x80, s16, s14, $0xb8;
	[tilespmem:$0x18000] =	vst v63  }
0x26: {  	_ =	swait.ge [sflag:s11], $0x4000  }
0x27: {  	[sflag:s11] =	ssyncset.done $0x0  }
0x28: {  	[sflag:s11] =	ssyncadd.s32 $0xFFFFC000  }
0x29: {  	[spmem:s2] =	stream.indirect.scatter.add.f32 [tilespmem:s12], [sflag:$0x1], $0x80, s17, s14, $0xb8;
	[tilespmem:$0x18000] =	vst v63  }
0x2a: {  	_ =	swait.ge [sflag:s11], $0x4000  }
0x2b: {  	[sflag:s11] =	ssyncset.done $0x0  }
0x2c: {  	[sflag:s11] =	ssyncadd.s32 $0xFFFFC000  }
0x2d: {  	[spmem:s2] =	stream.indirect.scatter.add.f32 [tilespmem:s12], [sflag:$0x1], $0x80, s18, s14, $0xb8;
	[tilespmem:$0x18000] =	vst v63  }
0x2e: {  	_ =	swait.ge [sflag:s11], $0x4000  }
0x2f: {  	[sflag:s11] =	ssyncset.done $0x0  }
0x30: {  	[sflag:s11] =	ssyncadd.s32 $0xFFFFC000  }
0x31: {  	[spmem:s2] =	stream.indirect.scatter.add.f32 [tilespmem:s12], [sflag:$0x1], $0x80, s19, s14, $0xb8;
	[tilespmem:$0x18000] =	vst v63  }
0x32: {  	_ =	swait.ge [sflag:s11], $0x4000  }
0x33: {  	[sflag:s11] =	ssyncset.done $0x0  }
0x34: {  	[sflag:s11] =	ssyncadd.s32 $0xFFFFC000  }
0x35: {  	[spmem:s2] =	stream.indirect.scatter.add.f32 [tilespmem:s12], [sflag:$0x1], $0x80, s20, s14, $0xb8;
	[tilespmem:$0x18000] =	vst v63  }
0x36: {  	_ =	swait.ge [sflag:s11], $0x4000  }
0x37: {  	[sflag:s11] =	ssyncset.done $0x0  }
0x38: {  	[sflag:s11] =	ssyncadd.s32 $0xFFFFC000  }
0x39: {  	[spmem:s2] =	stream.indirect.scatter.add.f32 [tilespmem:s12], [sflag:$0x1], $0x80, s21, s14, $0xb8;
	[tilespmem:$0x18000] =	vst v63  }
0x3a: {  	_ =	swait.ge [sflag:s11], $0x4000  }
0x3b: {  	s25 =	simm.s32 $0x100;
	s23 =	simm.s32 $0x80;
	[sflag:s11] =	ssyncset.done $0x0  }
.LBB2_2:
0x3c: {  	s26 =	sadd.s32 s23, s9  }
0x3d: {  	[sflag:s11] =	ssyncadd.s32 $0xFFFFC000;
	s23 =	smov.u32 s25;
	s24 =	sadd.s32 $0x80, s25  }
0x3e: {  	[tilespmem:s13], [sflag:$0x1] =	stream.linear.gather [hbm4b:s26+s3], $0x400, $0x38;
	[tilespmem:$0x18000] =	vst v63  }
0x3f: {  	p0 =	sne.s32 s25, $0x200;
	_ =	swait.ge [sflag:s11], $0x400  }
0x40: {  	[sflag:s11] =	ssyncset.done $0x0  }
0x41: {  	[sflag:s11] =	ssyncadd.s32 $0xFFFFFC00  }
0x42: {  	[spmem:s2] =	stream.indirect.scatter.add.f32 [tilespmem:s12], [sflag:$0x1], $0x80, s13, s14, $0xb8;
	[tilespmem:$0x18000] =	vst v63  }
0x43: {  	_ =	swait.ge [sflag:s11], $0x4000  }
0x44: {  	[sflag:s11] =	ssyncset.done $0x0  }
0x45: {  	[sflag:s11] =	ssyncadd.s32 $0xFFFFC000  }
0x46: {  	[spmem:s2] =	stream.indirect.scatter.add.f32 [tilespmem:s12], [sflag:$0x1], $0x80, s15, s14, $0xb8;
	[tilespmem:$0x18000] =	vst v63  }
0x47: {  	_ =	swait.ge [sflag:s11], $0x4000  }
0x48: {  	[sflag:s11] =	ssyncset.done $0x0  }
0x49: {  	[sflag:s11] =	ssyncadd.s32 $0xFFFFC000  }
0x4a: {  	[spmem:s2] =	stream.indirect.scatter.add.f32 [tilespmem:s12], [sflag:$0x1], $0x80, s16, s14, $0xb8;
	[tilespmem:$0x18000] =	vst v63  }
0x4b: {  	_ =	swait.ge [sflag:s11], $0x4000  }
0x4c: {  	[sflag:s11] =	ssyncset.done $0x0  }
0x4d: {  	[sflag:s11] =	ssyncadd.s32 $0xFFFFC000  }
0x4e: {  	[spmem:s2] =	stream.indirect.scatter.add.f32 [tilespmem:s12], [sflag:$0x1], $0x80, s17, s14, $0xb8;
	[tilespmem:$0x18000] =	vst v63  }
0x4f: {  	_ =	swait.ge [sflag:s11], $0x4000  }
0x50: {  	[sflag:s11] =	ssyncset.done $0x0  }
0x51: {  	[sflag:s11] =	ssyncadd.s32 $0xFFFFC000  }
0x52: {  	[spmem:s2] =	stream.indirect.scatter.add.f32 [tilespmem:s12], [sflag:$0x1], $0x80, s18, s14, $0xb8;
	[tilespmem:$0x18000] =	vst v63  }
0x53: {  	_ =	swait.ge [sflag:s11], $0x4000  }
0x54: {  	[sflag:s11] =	ssyncset.done $0x0  }
0x55: {  	[sflag:s11] =	ssyncadd.s32 $0xFFFFC000  }
0x56: {  	[spmem:s2] =	stream.indirect.scatter.add.f32 [tilespmem:s12], [sflag:$0x1], $0x80, s19, s14, $0xb8;
	[tilespmem:$0x18000] =	vst v63  }
0x57: {  	_ =	swait.ge [sflag:s11], $0x4000  }
0x58: {  	[sflag:s11] =	ssyncset.done $0x0  }
0x59: {  	[sflag:s11] =	ssyncadd.s32 $0xFFFFC000  }
0x5a: {  	[spmem:s2] =	stream.indirect.scatter.add.f32 [tilespmem:s12], [sflag:$0x1], $0x80, s20, s14, $0xb8;
	[tilespmem:$0x18000] =	vst v63  }
0x5b: {  	_ =	swait.ge [sflag:s11], $0x4000  }
.Ltmp0:
0x5c: {  	[sflag:s11] =	ssyncset.done $0x0;
	(pc) =	sbr.rel @p0 .LBB2_2-.Ltmp0, $4  }
0x5d: {  	[sflag:s11] =	ssyncadd.s32 $0xFFFFC000  }
0x5e: {  	[spmem:s2] =	stream.indirect.scatter.add.f32 [tilespmem:s12], [sflag:$0x1], $0x80, s21, s14, $0xb8;
	[tilespmem:$0x18000] =	vst v63  }
0x5f: {  	_ =	swait.ge [sflag:s11], $0x4000  }
0x60: {  	s25 =	smov.u32 s24;
	[sflag:s11] =	ssyncset.done $0x0  }
0x61: {  	s23 =	sadd.s32 s23, s9;
	[sflag:s11] =	ssyncadd.s32 $0xFFFFC000  }
0x62: {  	[tilespmem:s13], [sflag:$0x1] =	stream.linear.gather [hbm4b:s23+s3], $0x400, $0x38;
	[tilespmem:$0x18000] =	vst v63  }
0x63: {  	_ =	swait.ge [sflag:s11], $0x400  }
0x64: {  	[sflag:s11] =	ssyncset.done $0x0  }
0x65: {  	[sflag:s11] =	ssyncadd.s32 $0xFFFFFC00  }
0x66: {  	[spmem:s2] =	stream.indirect.scatter.add.f32 [tilespmem:s12], [sflag:$0x1], $0x80, s13, s14, $0xb8;
	[tilespmem:$0x18000] =	vst v63  }
0x67: {  	_ =	swait.ge [sflag:s11], $0x4000  }
0x68: {  	[sflag:s11] =	ssyncset.done $0x0  }
0x69: {  	[sflag:s11] =	ssyncadd.s32 $0xFFFFC000  }
0x6a: {  	[spmem:s2] =	stream.indirect.scatter.add.f32 [tilespmem:s12], [sflag:$0x1], $0x80, s15, s14, $0xb8;
	[tilespmem:$0x18000] =	vst v63  }
0x6b: {  	_ =	swait.ge [sflag:s11], $0x4000  }
0x6c: {  	[sflag:s11] =	ssyncset.done $0x0  }
0x6d: {  	[sflag:s11] =	ssyncadd.s32 $0xFFFFC000  }
0x6e: {  	[spmem:s2] =	stream.indirect.scatter.add.f32 [tilespmem:s12], [sflag:$0x1], $0x80, s16, s14, $0xb8;
	[tilespmem:$0x18000] =	vst v63  }
0x6f: {  	_ =	swait.ge [sflag:s11], $0x4000  }
0x70: {  	[sflag:s11] =	ssyncset.done $0x0  }
0x71: {  	[sflag:s11] =	ssyncadd.s32 $0xFFFFC000  }
0x72: {  	[spmem:s2] =	stream.indirect.scatter.add.f32 [tilespmem:s12], [sflag:$0x1], $0x80, s17, s14, $0xb8;
	[tilespmem:$0x18000] =	vst v63  }
0x73: {  	_ =	swait.ge [sflag:s11], $0x4000  }
0x74: {  	[sflag:s11] =	ssyncset.done $0x0  }
0x75: {  	[sflag:s11] =	ssyncadd.s32 $0xFFFFC000  }
0x76: {  	[spmem:s2] =	stream.indirect.scatter.add.f32 [tilespmem:s12], [sflag:$0x1], $0x80, s18, s14, $0xb8;
	[tilespmem:$0x18000] =	vst v63  }
0x77: {  	_ =	swait.ge [sflag:s11], $0x4000  }
0x78: {  	[sflag:s11] =	ssyncset.done $0x0  }
0x79: {  	[sflag:s11] =	ssyncadd.s32 $0xFFFFC000  }
0x7a: {  	[spmem:s2] =	stream.indirect.scatter.add.f32 [tilespmem:s12], [sflag:$0x1], $0x80, s19, s14, $0xb8;
	[tilespmem:$0x18000] =	vst v63  }
0x7b: {  	_ =	swait.ge [sflag:s11], $0x4000  }
0x7c: {  	[sflag:s11] =	ssyncset.done $0x0  }
0x7d: {  	[sflag:s11] =	ssyncadd.s32 $0xFFFFC000  }
0x7e: {  	[spmem:s2] =	stream.indirect.scatter.add.f32 [tilespmem:s12], [sflag:$0x1], $0x80, s20, s14, $0xb8;
	[tilespmem:$0x18000] =	vst v63  }
0x7f: {  	_ =	swait.ge [sflag:s11], $0x4000  }
0x80: {  	[sflag:s11] =	ssyncset.done $0x0  }
0x81: {  	[sflag:s11] =	ssyncadd.s32 $0xFFFFC000  }
0x82: {  	[spmem:s2] =	stream.indirect.scatter.add.f32 [tilespmem:s12], [sflag:$0x1], $0x80, s21, s14, $0xb8;
	[tilespmem:$0x18000] =	vst v63  }
0x83: {  	_ =	swait.ge [sflag:s11], $0x4000  }
0x84: {  	s22 =	sadd.s32 $0x1, s22;
	[sflag:s11] =	ssyncset.done $0x0  }
0x85: {  	p0 =	sne.s32 s22, s8;
	[sflag:s11] =	ssyncadd.s32 $0xFFFFC000  }
.Ltmp1:
0x86: {  	[bflag:$0x0] =	sbarrier.arrive $0xFFFF;
	(pc) =	sbr.rel @p0 .LBB2_1-.Ltmp1, $4  }
0x87: {  	[hbm:s7], [sflag:s6] =	dma.local [spmem:s10], $0x2780  }
0x88: {  	_ =	swait.ge [sflag:s11], $0x2780  }
0x89: {  	[sflag:s11] =	ssyncset.done $0x0  }
0x8a: {  	[sflag:s11] =	ssyncadd.s32 $0xFFFFD880  }
0x8b: {  	_ =	sfence.sel $0x180000  }
0x8c: {  	[bflag:$0x0] =	sbarrier.arrive $0xFFFF  }
0x8d: {  	p0 =	sne.s32 s0, $0x0;
	_ =	strace $0x9000004A  }
0x8e: {  	s0 =	sadd.s32 @!p0 $0x100000, s1;
	[bflag:$0x2] =	sbarrier.arrive $0xFFFF  }
0x8f: {  	[sflag:s0] =	ssyncadd.tile.s32 @!p0 $0x1;
	_ =	shalt  }
.Lfunc_end2:
_tile_overlayer_lowered:
.L_overlay_start_2:
0x90: {  	(tag) =	ssettag $0x2  }
0x91: {  	s0 =	rddreg [dreg:$0x0];
	s2 =	stileid.u32  }
0x92: {  	s1 =	rddreg [dreg:$0x1];
	p0 =	sne.s32 s2, $0x0  }
0x93: {  	s3 =	rddreg [dreg:$0x2];
	[bflag:$0x3] =	sbarrier.arrive $0xFFFF;
	s2 =	simm.s32 @!p0 $0x1C01  }
0x94: {  	[timem:s3], [sflag:s2] =	dma.local @!p0 [hbm:s0], s1  }
0x95: {  	s0 =	simm.s32 @!p0 $0x1  }
0x96: {  	_ =	swait.ge @!p0 [sflag:s0], s1  }
0x97: {  	s1 =	ssub.s32 @!p0 $0x0, s1;
	[sflag:s0] =	ssyncset.done @!p0 $0x0  }
0x98: {  	[sflag:s0] =	ssyncadd.s32 @!p0 s1  }
0x99: {  	[bflag:$0x3] =	sbarrier.arrive $0xFFFF  }
0x9a: {  	_ =	shalt  }

</sc_bundles>
